<compile_context>
chip_gen: v7x
topology: tpu7x:2x2x1
jax: 0.10.2.dev20260603
libtpu: 0.0.44.dev20260713+nightly
codegen_flags: <defaults>
</compile_context>

<pallas_src>
import functools

import jax
import jax.numpy as jnp
from jax import lax
from jax.experimental import pallas as pl
from jax.experimental.pallas import tpu as pltpu
from jax.experimental.pallas import tpu_sc as plsc

B = 16384
H = 128
O = 64
T1_ROWS = 31 * 6
T2_ROWS = 26 * 6 * 3

NC, NS = 2, 16
NW = NC * NS
BPW = B // NW
CHUNK = 128
NCH = BPW // CHUNK


def _tables_body(eg, ei, em, er, el, w1, b1, t1, t2):
    f32 = jnp.float32
    mg = jnp.dot(eg[...], w1[0:8, :], preferred_element_type=f32)
    mi = jnp.dot(ei[...], w1[8:16, :], preferred_element_type=f32)
    mm = jnp.dot(em[...], w1[16:24, :], preferred_element_type=f32)
    mr = jnp.dot(er[...], w1[24:32, :], preferred_element_type=f32)
    ml = jnp.dot(el[...], w1[32:40, :], preferred_element_type=f32)

    r1 = lax.broadcasted_iota(jnp.int32, (T1_ROWS, 1), 0)
    orr = (r1 // 6 == lax.broadcasted_iota(jnp.int32, (T1_ROWS, 31), 1)).astype(f32)
    om = (r1 % 6 == lax.broadcasted_iota(jnp.int32, (T1_ROWS, 6), 1)).astype(f32)
    t1[...] = (jnp.dot(orr, mr, preferred_element_type=f32)
               + jnp.dot(om, mm, preferred_element_type=f32)
               + b1[...])

    r2 = lax.broadcasted_iota(jnp.int32, (T2_ROWS, 1), 0)
    ol = (r2 // 18 == lax.broadcasted_iota(jnp.int32, (T2_ROWS, 26), 1)).astype(f32)
    oi = ((r2 // 3) % 6 == lax.broadcasted_iota(jnp.int32, (T2_ROWS, 6), 1)).astype(f32)
    og = (r2 % 3 == lax.broadcasted_iota(jnp.int32, (T2_ROWS, 3), 1)).astype(f32)
    t2[...] = (jnp.dot(ol, ml, preferred_element_type=f32)
               + jnp.dot(oi, mi, preferred_element_type=f32)
               + jnp.dot(og, mg, preferred_element_type=f32))


_build_tables = pl.pallas_call(
    _tables_body,
    out_shape=(jax.ShapeDtypeStruct((T1_ROWS, H), jnp.float32),
               jax.ShapeDtypeStruct((T2_ROWS, H), jnp.float32)),
)


def _gather_body(g, i, m, r, l, t1, t2, out,
                 ta, tb, t1s, t2s, gv, iv, mv, rv, lv, idx1, idx2, wbs,
                 stab, sidx, sw):
    sid = lax.axis_index("s")
    wid = sid * NC + lax.axis_index("c")
    base = wid * BPW

    @pl.when(sid == 0)
    def _load_shared():
        pltpu.sync_copy(t1, t1s)
        pltpu.sync_copy(t2, t2s)
    plsc.subcore_barrier()
    cpa = pltpu.async_copy(t1s, ta, stab)
    cpb = pltpu.async_copy(t2s, tb, stab)
    cps = [pltpu.async_copy(src.at[pl.ds(base, BPW)], dst, sidx)
           for src, dst in ((g, gv), (i, iv), (m, mv), (r, rv), (l, lv))]
    for cp in cps:
        cp.wait()

    @plsc.parallel_loop(0, BPW // 16, unroll=4)
    def icomp(k):
        s = pl.ds(k * 16, 16)
        idx1[s] = rv[s] * 6 + mv[s]
        idx2[s] = lv[s] * 18 + iv[s] * 3 + gv[s]

    cpa.wait()
    cpb.wait()

    cols = [lax.iota(jnp.int32, 16) + (j * 16) for j in range(H // 16)]

    wr = [None, None]
    for c in range(NCH):
        s = c % 2
        if wr[s] is not None:
            wr[s].wait()

        @plsc.parallel_loop(0, CHUNK, unroll=4)
        def row(rr):
            pos = jnp.full((16,), c * CHUNK + rr, jnp.int32)
            ra = plsc.load_gather(idx1, [pos])
            rb = plsc.load_gather(idx2, [pos])
            for j in range(H // 16):
                js = pl.ds(j * 16, 16)
                va = plsc.load_gather(ta, [ra, cols[j]])
                vb = plsc.load_gather(tb, [rb, cols[j]])
                wbs[s, rr, js] = va + vb

        wr[s] = pltpu.async_copy(wbs.at[s], out.at[pl.ds(base + c * CHUNK, CHUNK)],
                                 sw.at[s])
    wr[0].wait()
    wr[1].wait()


@functools.cache
def _make_gather_sum():
  return functools.partial(
    pl.kernel,
    out_type=jax.ShapeDtypeStruct((B, H), jnp.float32),
    mesh=plsc.VectorSubcoreMesh(core_axis_name="c", subcore_axis_name="s",
                                num_cores=NC, num_subcores=NS),
    compiler_params=pltpu.CompilerParams(needs_layout_passes=False),
    scratch_types=[
        pltpu.VMEM((T1_ROWS, H), jnp.float32),
        pltpu.VMEM((T2_ROWS, H), jnp.float32),
        pltpu.VMEM_SHARED((T1_ROWS, H), jnp.float32),
        pltpu.VMEM_SHARED((T2_ROWS, H), jnp.float32),
        pltpu.VMEM((BPW,), jnp.int32),
        pltpu.VMEM((BPW,), jnp.int32),
        pltpu.VMEM((BPW,), jnp.int32),
        pltpu.VMEM((BPW,), jnp.int32),
        pltpu.VMEM((BPW,), jnp.int32),
        pltpu.VMEM((BPW,), jnp.int32),
        pltpu.VMEM((BPW,), jnp.int32),
        pltpu.VMEM((2, CHUNK, H), jnp.float32),
        pltpu.SemaphoreType.DMA,
        pltpu.SemaphoreType.DMA,
        pltpu.SemaphoreType.DMA((2,)),
    ],
  )(_gather_body)


def _mlp_body(hp, sc, w1r, lg, lb, w2, b2, out):
    x = hp[...] + sc[...] * w1r[...]
    mu = jnp.mean(x, axis=-1, keepdims=True)
    d = x - mu
    var = jnp.mean(d * d, axis=-1, keepdims=True)
    y = d * lax.rsqrt(var + 1e-5) * lg[...] + lb[...]
    y = jnp.maximum(y, 0.0)
    out[...] = jnp.dot(y, w2[...], preferred_element_type=jnp.float32) + b2[...]


_MLP_BS = 4096


def _mlp(hp, scal, w1row, ln_g, ln_b, W2, b2):
    grid = (B // _MLP_BS,)
    return pl.pallas_call(
        _mlp_body,
        grid=grid,
        in_specs=[
            pl.BlockSpec((_MLP_BS, H), lambda n: (n, 0)),
            pl.BlockSpec((_MLP_BS, 1), lambda n: (n, 0)),
            pl.BlockSpec((1, H), lambda n: (0, 0)),
            pl.BlockSpec((1, H), lambda n: (0, 0)),
            pl.BlockSpec((1, H), lambda n: (0, 0)),
            pl.BlockSpec((H, O), lambda n: (0, 0)),
            pl.BlockSpec((1, O), lambda n: (0, 0)),
        ],
        out_specs=pl.BlockSpec((_MLP_BS, O), lambda n: (n, 0)),
        out_shape=jax.ShapeDtypeStruct((B, O), jnp.float32),
    )(hp, scal, w1row, ln_g, ln_b, W2, b2)


def kernel(gender, insurance, marital_status, race, language, scalar_inputs,
           emb_gender, emb_insurance, emb_marital_status, emb_race, emb_language,
           W1, b1, ln_g, ln_b, W2, b2):
    g = gender.astype(jnp.int32)
    i = insurance.astype(jnp.int32)
    m = marital_status.astype(jnp.int32)
    r = race.astype(jnp.int32)
    l = language.astype(jnp.int32)

    t1, t2 = _build_tables(emb_gender, emb_insurance, emb_marital_status,
                           emb_race, emb_language, W1, b1.reshape(1, H))
    hp = _make_gather_sum()(g, i, m, r, l, t1, t2)
    return _mlp(hp, scalar_inputs, W1[40].reshape(1, H),
                ln_g.reshape(1, H), ln_b.reshape(1, H), W2, b2.reshape(1, O))

# --- scband reference (transcript-rebuilt; emitter-appended) ---
"""Pipeline reference for scband-patient-static-encoder-33294586478721 (READ-ONLY COPY).

The authoritative reference and input builder live on the scoring server;
editing this copy changes nothing except your own understanding.
"""

import jax, jax.numpy as jnp
import numpy as np

EMBED_DIM = 8
VOCABS = {'gender': 2, 'insurance': 5, 'marital_status': 5, 'race': 30, 'language': 25}
FIELDS = list(VOCABS.keys())
B = 16384


def setup_inputs(seed: int = 0) -> dict:
    key = jax.random.key(seed)
    ks = jax.random.split(key, 20)
    inp = {}
    for i, f in enumerate(FIELDS):
        inp[f] = jax.random.randint(ks[i], (B,), 0, VOCABS[f] + 1)
    inp['scalar_inputs'] = jax.random.normal(ks[5], (B, 1), dtype=jnp.float32)
    # embedding tables (vocab+1 rows, padding row 0 zeroed like nn.Embedding(padding_idx=0))
    for i, f in enumerate(FIELDS):
        t = jax.random.normal(ks[6 + i], (VOCABS[f] + 1, EMBED_DIM), dtype=jnp.float32)
        inp['emb_' + f] = t.at[0].set(0.0)
    total_dim = len(FIELDS) * EMBED_DIM + 1  # 41
    inp['W1'] = jax.random.normal(ks[11], (total_dim, 128), dtype=jnp.float32) * 0.05
    inp['b1'] = jnp.zeros((128,), dtype=jnp.float32)
    inp['ln_g'] = jnp.ones((128,), dtype=jnp.float32)
    inp['ln_b'] = jnp.zeros((128,), dtype=jnp.float32)
    inp['W2'] = jax.random.normal(ks[12], (128, 64), dtype=jnp.float32) * 0.05
    inp['b2'] = jnp.zeros((64,), dtype=jnp.float32)
    return inp


def reference(gender, insurance, marital_status, race, language, scalar_inputs,
              emb_gender, emb_insurance, emb_marital_status, emb_race, emb_language,
              W1, b1, ln_g, ln_b, W2, b2):
    embedded = [
        jnp.take(emb_gender, gender, axis=0),
        jnp.take(emb_insurance, insurance, axis=0),
        jnp.take(emb_marital_status, marital_status, axis=0),
        jnp.take(emb_race, race, axis=0),
        jnp.take(emb_language, language, axis=0),
    ]
    cat_vec = jnp.concatenate(embedded, axis=-1)
    x = jnp.concatenate([cat_vec, scalar_inputs], axis=-1)
    h = x @ W1 + b1
    mu = jnp.mean(h, axis=-1, keepdims=True)
    var = jnp.var(h, axis=-1, keepdims=True)
    h = (h - mu) / jnp.sqrt(var + 1e-5) * ln_g + ln_b
    h = jax.nn.relu(h)
    # dropout is identity in eval mode
    return h @ W2 + b2

if __name__ == "__main__":
    import jax
    _d = setup_inputs()
    print(jax.jit(kernel)(*tuple(_d.values())))

</pallas_src>

<mosaic_0001>
#map = affine_map<(d0, d1) -> (0)>
#map1 = affine_map<(d0, d1) -> (0, 0)>
module attributes {stable_mosaic.version = 14 : i64} {
  func.func @_gather_body(%arg0: i32, %arg1: i32, %arg2: memref<16384xi32, #tpu.memory_space<hbm>>, %arg3: memref<16384xi32, #tpu.memory_space<hbm>>, %arg4: memref<16384xi32, #tpu.memory_space<hbm>>, %arg5: memref<16384xi32, #tpu.memory_space<hbm>>, %arg6: memref<16384xi32, #tpu.memory_space<hbm>>, %arg7: memref<186x128xf32, #tpu.memory_space<hbm>>, %arg8: memref<468x128xf32, #tpu.memory_space<hbm>>, %arg9: memref<16384x128xf32, #tpu.memory_space<hbm>>, %arg10: memref<186x128xf32, #tpu.memory_space<vmem>>, %arg11: memref<468x128xf32, #tpu.memory_space<vmem>>, %arg12: memref<186x128xf32, #tpu.memory_space<vmem_shared>>, %arg13: memref<468x128xf32, #tpu.memory_space<vmem_shared>>, %arg14: memref<512xi32, #tpu.memory_space<vmem>>, %arg15: memref<512xi32, #tpu.memory_space<vmem>>, %arg16: memref<512xi32, #tpu.memory_space<vmem>>, %arg17: memref<512xi32, #tpu.memory_space<vmem>>, %arg18: memref<512xi32, #tpu.memory_space<vmem>>, %arg19: memref<512xi32, #tpu.memory_space<vmem>>, %arg20: memref<512xi32, #tpu.memory_space<vmem>>, %arg21: memref<2x128x128xf32, #tpu.memory_space<vmem>>, %arg22: memref<!tpu.dma_semaphore, #tpu.memory_space<semaphore_mem>>, %arg23: memref<!tpu.dma_semaphore, #tpu.memory_space<semaphore_mem>>, %arg24: memref<2x!tpu.dma_semaphore, #tpu.memory_space<semaphore_mem>>) attributes {dimension_semantics = [#tpu.dimension_semantics<core_parallel>, #tpu.dimension_semantics<subcore_parallel>], iteration_bounds = array<i64: 2, 16>, scalar_prefetch = 0 : i64, scratch_operands = 15 : i64, tpu.core_type = #tpu.core_type<sc_vector_subcore>, window_params = [{transform_indices = #map}, {transform_indices = #map}, {transform_indices = #map}, {transform_indices = #map}, {transform_indices = #map}, {transform_indices = #map1}, {transform_indices = #map1}, {transform_indices = #map1}]} {
    %mul3A = arith.constant 2 : i32
    %mul3A_0 = arith.muli %arg1, %mul3A : i32
    %add3A = arith.addi %mul3A_0, %arg0 : i32
    %mul3A_1 = arith.constant 512 : i32
    %mul3A_2 = arith.muli %add3A, %mul3A_1 : i32
    %eq3A = arith.constant 0 : i32
    %eq3A_3 = arith.cmpi eq, %arg1, %eq3A : i32
    %convert_element_type3A = arith.extui %eq3A_3 : i1 to i32
    %cond3A = arith.constant 0 : i32
    %cond3A_4 = arith.cmpi ne, %convert_element_type3A, %cond3A : i32
    scf.if %cond3A_4 {
      "tpu.region"() ({
        %run_scoped3A = tpu.sem_alloc : memref<!tpu.dma_semaphore, #tpu.memory_space<semaphore_mem>>
        tpu.enqueue_dma source(%arg7 : memref<186x128xf32, #tpu.memory_space<hbm>>) target(%arg12 : memref<186x128xf32, #tpu.memory_space<vmem_shared>>) target_semaphore(%run_scoped3A : memref<!tpu.dma_semaphore, #tpu.memory_space<semaphore_mem>>)
        tpu.wait_dma2 semaphore(%run_scoped3A : memref<!tpu.dma_semaphore, #tpu.memory_space<semaphore_mem>>) src(%arg7 : memref<186x128xf32, #tpu.memory_space<hbm>>) dst(%arg12 : memref<186x128xf32, #tpu.memory_space<vmem_shared>>)
        tpu.yield
      }) : () -> ()
      "tpu.region"() ({
        %run_scoped3A = tpu.sem_alloc : memref<!tpu.dma_semaphore, #tpu.memory_space<semaphore_mem>>
        tpu.enqueue_dma source(%arg8 : memref<468x128xf32, #tpu.memory_space<hbm>>) target(%arg13 : memref<468x128xf32, #tpu.memory_space<vmem_shared>>) target_semaphore(%run_scoped3A : memref<!tpu.dma_semaphore, #tpu.memory_space<semaphore_mem>>)
        tpu.wait_dma2 semaphore(%run_scoped3A : memref<!tpu.dma_semaphore, #tpu.memory_space<semaphore_mem>>) src(%arg8 : memref<468x128xf32, #tpu.memory_space<hbm>>) dst(%arg13 : memref<468x128xf32, #tpu.memory_space<vmem_shared>>)
        tpu.yield
      }) : () -> ()
    } else {
    }
    %barrier3A = arith.constant 0 : index
    tpu.barrier barrier_id(%barrier3A)
    tpu.enqueue_dma source(%arg12 : memref<186x128xf32, #tpu.memory_space<vmem_shared>>) target(%arg10 : memref<186x128xf32, #tpu.memory_space<vmem>>) target_semaphore(%arg22 : memref<!tpu.dma_semaphore, #tpu.memory_space<semaphore_mem>>)
    tpu.enqueue_dma source(%arg13 : memref<468x128xf32, #tpu.memory_space<vmem_shared>>) target(%arg11 : memref<468x128xf32, #tpu.memory_space<vmem>>) target_semaphore(%arg22 : memref<!tpu.dma_semaphore, #tpu.memory_space<semaphore_mem>>)
    %dma_start3A = tpu.memref_slice %arg2[%mul3A_2] : memref<16384xi32, #tpu.memory_space<hbm>> -> memref<512xi32, #tpu.memory_space<hbm>>
    %dma_start3A_5 = tpu.memref_slice %arg2[%mul3A_2] : memref<16384xi32, #tpu.memory_space<hbm>> -> memref<512xi32, #tpu.memory_space<hbm>>
    tpu.enqueue_dma source(%dma_start3A_5 : memref<512xi32, #tpu.memory_space<hbm>>) target(%arg14 : memref<512xi32, #tpu.memory_space<vmem>>) target_semaphore(%arg23 : memref<!tpu.dma_semaphore, #tpu.memory_space<semaphore_mem>>)
    %dma_start3A_6 = tpu.memref_slice %arg3[%mul3A_2] : memref<16384xi32, #tpu.memory_space<hbm>> -> memref<512xi32, #tpu.memory_space<hbm>>
    %dma_start3A_7 = tpu.memref_slice %arg3[%mul3A_2] : memref<16384xi32, #tpu.memory_space<hbm>> -> memref<512xi32, #tpu.memory_space<hbm>>
    tpu.enqueue_dma source(%dma_start3A_7 : memref<512xi32, #tpu.memory_space<hbm>>) target(%arg15 : memref<512xi32, #tpu.memory_space<vmem>>) target_semaphore(%arg23 : memref<!tpu.dma_semaphore, #tpu.memory_space<semaphore_mem>>)
    %dma_start3A_8 = tpu.memref_slice %arg4[%mul3A_2] : memref<16384xi32, #tpu.memory_space<hbm>> -> memref<512xi32, #tpu.memory_space<hbm>>
    %dma_start3A_9 = tpu.memref_slice %arg4[%mul3A_2] : memref<16384xi32, #tpu.memory_space<hbm>> -> memref<512xi32, #tpu.memory_space<hbm>>
    tpu.enqueue_dma source(%dma_start3A_9 : memref<512xi32, #tpu.memory_space<hbm>>) target(%arg16 : memref<512xi32, #tpu.memory_space<vmem>>) target_semaphore(%arg23 : memref<!tpu.dma_semaphore, #tpu.memory_space<semaphore_mem>>)
    %dma_start3A_10 = tpu.memref_slice %arg5[%mul3A_2] : memref<16384xi32, #tpu.memory_space<hbm>> -> memref<512xi32, #tpu.memory_space<hbm>>
    %dma_start3A_11 = tpu.memref_slice %arg5[%mul3A_2] : memref<16384xi32, #tpu.memory_space<hbm>> -> memref<512xi32, #tpu.memory_space<hbm>>
    tpu.enqueue_dma source(%dma_start3A_11 : memref<512xi32, #tpu.memory_space<hbm>>) target(%arg17 : memref<512xi32, #tpu.memory_space<vmem>>) target_semaphore(%arg23 : memref<!tpu.dma_semaphore, #tpu.memory_space<semaphore_mem>>)
    %dma_start3A_12 = tpu.memref_slice %arg6[%mul3A_2] : memref<16384xi32, #tpu.memory_space<hbm>> -> memref<512xi32, #tpu.memory_space<hbm>>
    %dma_start3A_13 = tpu.memref_slice %arg6[%mul3A_2] : memref<16384xi32, #tpu.memory_space<hbm>> -> memref<512xi32, #tpu.memory_space<hbm>>
    tpu.enqueue_dma source(%dma_start3A_13 : memref<512xi32, #tpu.memory_space<hbm>>) target(%arg18 : memref<512xi32, #tpu.memory_space<vmem>>) target_semaphore(%arg23 : memref<!tpu.dma_semaphore, #tpu.memory_space<semaphore_mem>>)
    %dma_wait3A = tpu.memref_slice %arg2[%mul3A_2] : memref<16384xi32, #tpu.memory_space<hbm>> -> memref<512xi32, #tpu.memory_space<hbm>>
    %dma_wait3A_14 = tpu.memref_slice %arg2[%mul3A_2] : memref<16384xi32, #tpu.memory_space<hbm>> -> memref<512xi32, #tpu.memory_space<hbm>>
    tpu.wait_dma2 semaphore(%arg23 : memref<!tpu.dma_semaphore, #tpu.memory_space<semaphore_mem>>) src(%dma_wait3A_14 : memref<512xi32, #tpu.memory_space<hbm>>) dst(%arg14 : memref<512xi32, #tpu.memory_space<vmem>>)
    %dma_wait3A_15 = tpu.memref_slice %arg3[%mul3A_2] : memref<16384xi32, #tpu.memory_space<hbm>> -> memref<512xi32, #tpu.memory_space<hbm>>
    %dma_wait3A_16 = tpu.memref_slice %arg3[%mul3A_2] : memref<16384xi32, #tpu.memory_space<hbm>> -> memref<512xi32, #tpu.memory_space<hbm>>
    tpu.wait_dma2 semaphore(%arg23 : memref<!tpu.dma_semaphore, #tpu.memory_space<semaphore_mem>>) src(%dma_wait3A_16 : memref<512xi32, #tpu.memory_space<hbm>>) dst(%arg15 : memref<512xi32, #tpu.memory_space<vmem>>)
    %dma_wait3A_17 = tpu.memref_slice %arg4[%mul3A_2] : memref<16384xi32, #tpu.memory_space<hbm>> -> memref<512xi32, #tpu.memory_space<hbm>>
    %dma_wait3A_18 = tpu.memref_slice %arg4[%mul3A_2] : memref<16384xi32, #tpu.memory_space<hbm>> -> memref<512xi32, #tpu.memory_space<hbm>>
    tpu.wait_dma2 semaphore(%arg23 : memref<!tpu.dma_semaphore, #tpu.memory_space<semaphore_mem>>) src(%dma_wait3A_18 : memref<512xi32, #tpu.memory_space<hbm>>) dst(%arg16 : memref<512xi32, #tpu.memory_space<vmem>>)
    %dma_wait3A_19 = tpu.memref_slice %arg5[%mul3A_2] : memref<16384xi32, #tpu.memory_space<hbm>> -> memref<512xi32, #tpu.memory_space<hbm>>
    %dma_wait3A_20 = tpu.memref_slice %arg5[%mul3A_2] : memref<16384xi32, #tpu.memory_space<hbm>> -> memref<512xi32, #tpu.memory_space<hbm>>
    tpu.wait_dma2 semaphore(%arg23 : memref<!tpu.dma_semaphore, #tpu.memory_space<semaphore_mem>>) src(%dma_wait3A_20 : memref<512xi32, #tpu.memory_space<hbm>>) dst(%arg17 : memref<512xi32, #tpu.memory_space<vmem>>)
    %dma_wait3A_21 = tpu.memref_slice %arg6[%mul3A_2] : memref<16384xi32, #tpu.memory_space<hbm>> -> memref<512xi32, #tpu.memory_space<hbm>>
    %dma_wait3A_22 = tpu.memref_slice %arg6[%mul3A_2] : memref<16384xi32, #tpu.memory_space<hbm>> -> memref<512xi32, #tpu.memory_space<hbm>>
    tpu.wait_dma2 semaphore(%arg23 : memref<!tpu.dma_semaphore, #tpu.memory_space<semaphore_mem>>) src(%dma_wait3A_22 : memref<512xi32, #tpu.memory_space<hbm>>) dst(%arg18 : memref<512xi32, #tpu.memory_space<vmem>>)
    %parallel_loop3A = arith.constant 0 : i32
    %parallel_loop3A_23 = arith.constant 32 : i32
    %parallel_loop3A_24 = arith.constant 1 : i32
    scf.for %parallel_loop3A_204 = %parallel_loop3A to %parallel_loop3A_23 step %parallel_loop3A_24  : i32 {
      %parallel_loop3A_205 = arith.constant 16 : i32
      %parallel_loop3A_206 = arith.muli %parallel_loop3A_204, %parallel_loop3A_205 : i32
      %parallel_loop3A_207 = arith.index_cast %parallel_loop3A_206 : i32 to index
      %parallel_loop3A_208 = tpu.vector_load %arg17[%parallel_loop3A_207] {strides = array<i32>} : memref<512xi32, #tpu.memory_space<vmem>>, vector<16xi32>,
      %parallel_loop3A_209 = arith.constant 6 : i32
      %parallel_loop3A_210 = vector.broadcast %parallel_loop3A_209 : i32 to vector<16xi32>
      %parallel_loop3A_211 = arith.muli %parallel_loop3A_208, %parallel_loop3A_210 : vector<16xi32>
      %parallel_loop3A_212 = arith.index_cast %parallel_loop3A_206 : i32 to index
      %parallel_loop3A_213 = tpu.vector_load %arg16[%parallel_loop3A_212] {strides = array<i32>} : memref<512xi32, #tpu.memory_space<vmem>>, vector<16xi32>,
      %parallel_loop3A_214 = arith.addi %parallel_loop3A_211, %parallel_loop3A_213 : vector<16xi32>
      %parallel_loop3A_215 = arith.index_cast %parallel_loop3A_206 : i32 to index
      %parallel_loop3A_216 = tpu.vector_load %arg19[%parallel_loop3A_215] {strides = array<i32>} : memref<512xi32, #tpu.memory_space<vmem>>, vector<16xi32>,
      tpu.vector_store %arg19[%parallel_loop3A_215], %parallel_loop3A_214 {strides = array<i32>} : memref<512xi32, #tpu.memory_space<vmem>>, vector<16xi32>,
      %parallel_loop3A_217 = arith.index_cast %parallel_loop3A_206 : i32 to index
      %parallel_loop3A_218 = tpu.vector_load %arg18[%parallel_loop3A_217] {strides = array<i32>} : memref<512xi32, #tpu.memory_space<vmem>>, vector<16xi32>,
      %parallel_loop3A_219 = arith.constant 18 : i32
      %parallel_loop3A_220 = vector.broadcast %parallel_loop3A_219 : i32 to vector<16xi32>
      %parallel_loop3A_221 = arith.muli %parallel_loop3A_218, %parallel_loop3A_220 : vector<16xi32>
      %parallel_loop3A_222 = arith.index_cast %parallel_loop3A_206 : i32 to index
      %parallel_loop3A_223 = tpu.vector_load %arg15[%parallel_loop3A_222] {strides = array<i32>} : memref<512xi32, #tpu.memory_space<vmem>>, vector<16xi32>,
      %parallel_loop3A_224 = arith.constant 3 : i32
      %parallel_loop3A_225 = vector.broadcast %parallel_loop3A_224 : i32 to vector<16xi32>
      %parallel_loop3A_226 = arith.muli %parallel_loop3A_223, %parallel_loop3A_225 : vector<16xi32>
      %parallel_loop3A_227 = arith.addi %parallel_loop3A_221, %parallel_loop3A_226 : vector<16xi32>
      %parallel_loop3A_228 = arith.index_cast %parallel_loop3A_206 : i32 to index
      %parallel_loop3A_229 = tpu.vector_load %arg14[%parallel_loop3A_228] {strides = array<i32>} : memref<512xi32, #tpu.memory_space<vmem>>, vector<16xi32>,
      %parallel_loop3A_230 = arith.addi %parallel_loop3A_227, %parallel_loop3A_229 : vector<16xi32>
      %parallel_loop3A_231 = arith.index_cast %parallel_loop3A_206 : i32 to index
      %parallel_loop3A_232 = tpu.vector_load %arg20[%parallel_loop3A_231] {strides = array<i32>} : memref<512xi32, #tpu.memory_space<vmem>>, vector<16xi32>,
      tpu.vector_store %arg20[%parallel_loop3A_231], %parallel_loop3A_230 {strides = array<i32>} : memref<512xi32, #tpu.memory_space<vmem>>, vector<16xi32>,
    } {sc.loop_unroll_factor = 4 : i64, sc.parallel_access}
    tpu.wait_dma2 semaphore(%arg22 : memref<!tpu.dma_semaphore, #tpu.memory_space<semaphore_mem>>) src(%arg12 : memref<186x128xf32, #tpu.memory_space<vmem_shared>>) dst(%arg10 : memref<186x128xf32, #tpu.memory_space<vmem>>)
    tpu.wait_dma2 semaphore(%arg22 : memref<!tpu.dma_semaphore, #tpu.memory_space<semaphore_mem>>) src(%arg13 : memref<468x128xf32, #tpu.memory_space<vmem_shared>>) dst(%arg11 : memref<468x128xf32, #tpu.memory_space<vmem>>)
    %iota3A = tpu.iota {dimensions = array<i32: 0>} : vector<16xi32>
    %add3A_25 = arith.constant 0 : i32
    %add3A_26 = vector.broadcast %add3A_25 : i32 to vector<16xi32>
    %add3A_27 = arith.addi %iota3A, %add3A_26 : vector<16xi32>
    %iota3A_28 = tpu.iota {dimensions = array<i32: 0>} : vector<16xi32>
    %add3A_29 = arith.constant 16 : i32
    %add3A_30 = vector.broadcast %add3A_29 : i32 to vector<16xi32>
    %add3A_31 = arith.addi %iota3A_28, %add3A_30 : vector<16xi32>
    %iota3A_32 = tpu.iota {dimensions = array<i32: 0>} : vector<16xi32>
    %add3A_33 = arith.constant 32 : i32
    %add3A_34 = vector.broadcast %add3A_33 : i32 to vector<16xi32>
    %add3A_35 = arith.addi %iota3A_32, %add3A_34 : vector<16xi32>
    %iota3A_36 = tpu.iota {dimensions = array<i32: 0>} : vector<16xi32>
    %add3A_37 = arith.constant 48 : i32
    %add3A_38 = vector.broadcast %add3A_37 : i32 to vector<16xi32>
    %add3A_39 = arith.addi %iota3A_36, %add3A_38 : vector<16xi32>
    %iota3A_40 = tpu.iota {dimensions = array<i32: 0>} : vector<16xi32>
    %add3A_41 = arith.constant 64 : i32
    %add3A_42 = vector.broadcast %add3A_41 : i32 to vector<16xi32>
    %add3A_43 = arith.addi %iota3A_40, %add3A_42 : vector<16xi32>
    %iota3A_44 = tpu.iota {dimensions = array<i32: 0>} : vector<16xi32>
    %add3A_45 = arith.constant 80 : i32
    %add3A_46 = vector.broadcast %add3A_45 : i32 to vector<16xi32>
    %add3A_47 = arith.addi %iota3A_44, %add3A_46 : vector<16xi32>
    %iota3A_48 = tpu.iota {dimensions = array<i32: 0>} : vector<16xi32>
    %add3A_49 = arith.constant 96 : i32
    %add3A_50 = vector.broadcast %add3A_49 : i32 to vector<16xi32>
    %add3A_51 = arith.addi %iota3A_48, %add3A_50 : vector<16xi32>
    %iota3A_52 = tpu.iota {dimensions = array<i32: 0>} : vector<16xi32>
    %add3A_53 = arith.constant 112 : i32
    %add3A_54 = vector.broadcast %add3A_53 : i32 to vector<16xi32>
    %add3A_55 = arith.addi %iota3A_52, %add3A_54 : vector<16xi32>
    %parallel_loop3A_56 = arith.constant 0 : i32
    %parallel_loop3A_57 = arith.constant 128 : i32
    %parallel_loop3A_58 = arith.constant 1 : i32
    scf.for %parallel_loop3A_204 = %parallel_loop3A_56 to %parallel_loop3A_57 step %parallel_loop3A_58  : i32 {
      %parallel_loop3A_205 = arith.constant 0 : i32
      %parallel_loop3A_206 = arith.addi %parallel_loop3A_205, %parallel_loop3A_204 : i32
      %parallel_loop3A_207 = vector.broadcast %parallel_loop3A_206 : i32 to vector<16xi32>
      %parallel_loop3A_208 = tpu.vector_load_idx %arg19[%parallel_loop3A_207] : memref<512xi32, #tpu.memory_space<vmem>>[vector<16xi32>], vector<16xi32>,
      %parallel_loop3A_209 = tpu.vector_load_idx %arg20[%parallel_loop3A_207] : memref<512xi32, #tpu.memory_space<vmem>>[vector<16xi32>], vector<16xi32>,
      %parallel_loop3A_210 = tpu.vector_load_idx %arg10[%parallel_loop3A_208, %add3A_27] : memref<186x128xf32, #tpu.memory_space<vmem>>[vector<16xi32>, vector<16xi32>], vector<16xf32>,
      %parallel_loop3A_211 = tpu.vector_load_idx %arg11[%parallel_loop3A_209, %add3A_27] : memref<468x128xf32, #tpu.memory_space<vmem>>[vector<16xi32>, vector<16xi32>], vector<16xf32>,
      %parallel_loop3A_212 = arith.addf %parallel_loop3A_210, %parallel_loop3A_211 : vector<16xf32>
      %parallel_loop3A_213 = arith.constant 0 : i32
      %parallel_loop3A_214 = arith.index_cast %parallel_loop3A_213 : i32 to index
      %parallel_loop3A_215 = arith.index_cast %parallel_loop3A_204 : i32 to index
      %parallel_loop3A_216 = arith.constant 0 : index
      %parallel_loop3A_217 = tpu.vector_load %arg21[%parallel_loop3A_214, %parallel_loop3A_215, %parallel_loop3A_216] {strides = array<i32>} : memref<2x128x128xf32, #tpu.memory_space<vmem>>, vector<16xf32>,
      tpu.vector_store %arg21[%parallel_loop3A_214, %parallel_loop3A_215, %parallel_loop3A_216], %parallel_loop3A_212 {strides = array<i32>} : memref<2x128x128xf32, #tpu.memory_space<vmem>>, vector<16xf32>,
      %parallel_loop3A_218 = tpu.vector_load_idx %arg10[%parallel_loop3A_208, %add3A_31] : memref<186x128xf32, #tpu.memory_space<vmem>>[vector<16xi32>, vector<16xi32>], vector<16xf32>,
      %parallel_loop3A_219 = tpu.vector_load_idx %arg11[%parallel_loop3A_209, %add3A_31] : memref<468x128xf32, #tpu.memory_space<vmem>>[vector<16xi32>, vector<16xi32>], vector<16xf32>,
      %parallel_loop3A_220 = arith.addf %parallel_loop3A_218, %parallel_loop3A_219 : vector<16xf32>
      %parallel_loop3A_221 = arith.constant 0 : i32
      %parallel_loop3A_222 = arith.index_cast %parallel_loop3A_221 : i32 to index
      %parallel_loop3A_223 = arith.index_cast %parallel_loop3A_204 : i32 to index
      %parallel_loop3A_224 = arith.constant 16 : index
      %parallel_loop3A_225 = tpu.vector_load %arg21[%parallel_loop3A_222, %parallel_loop3A_223, %parallel_loop3A_224] {strides = array<i32>} : memref<2x128x128xf32, #tpu.memory_space<vmem>>, vector<16xf32>,
      tpu.vector_store %arg21[%parallel_loop3A_222, %parallel_loop3A_223, %parallel_loop3A_224], %parallel_loop3A_220 {strides = array<i32>} : memref<2x128x128xf32, #tpu.memory_space<vmem>>, vector<16xf32>,
      %parallel_loop3A_226 = tpu.vector_load_idx %arg10[%parallel_loop3A_208, %add3A_35] : memref<186x128xf32, #tpu.memory_space<vmem>>[vector<16xi32>, vector<16xi32>], vector<16xf32>,
      %parallel_loop3A_227 = tpu.vector_load_idx %arg11[%parallel_loop3A_209, %add3A_35] : memref<468x128xf32, #tpu.memory_space<vmem>>[vector<16xi32>, vector<16xi32>], vector<16xf32>,
      %parallel_loop3A_228 = arith.addf %parallel_loop3A_226, %parallel_loop3A_227 : vector<16xf32>
      %parallel_loop3A_229 = arith.constant 0 : i32
      %parallel_loop3A_230 = arith.index_cast %parallel_loop3A_229 : i32 to index
      %parallel_loop3A_231 = arith.index_cast %parallel_loop3A_204 : i32 to index
      %parallel_loop3A_232 = arith.constant 32 : index
      %parallel_loop3A_233 = tpu.vector_load %arg21[%parallel_loop3A_230, %parallel_loop3A_231, %parallel_loop3A_232] {strides = array<i32>} : memref<2x128x128xf32, #tpu.memory_space<vmem>>, vector<16xf32>,
      tpu.vector_store %arg21[%parallel_loop3A_230, %parallel_loop3A_231, %parallel_loop3A_232], %parallel_loop3A_228 {strides = array<i32>} : memref<2x128x128xf32, #tpu.memory_space<vmem>>, vector<16xf32>,
      %parallel_loop3A_234 = tpu.vector_load_idx %arg10[%parallel_loop3A_208, %add3A_39] : memref<186x128xf32, #tpu.memory_space<vmem>>[vector<16xi32>, vector<16xi32>], vector<16xf32>,
      %parallel_loop3A_235 = tpu.vector_load_idx %arg11[%parallel_loop3A_209, %add3A_39] : memref<468x128xf32, #tpu.memory_space<vmem>>[vector<16xi32>, vector<16xi32>], vector<16xf32>,
      %parallel_loop3A_236 = arith.addf %parallel_loop3A_234, %parallel_loop3A_235 : vector<16xf32>
      %parallel_loop3A_237 = arith.constant 0 : i32
      %parallel_loop3A_238 = arith.index_cast %parallel_loop3A_237 : i32 to index
      %parallel_loop3A_239 = arith.index_cast %parallel_loop3A_204 : i32 to index
      %parallel_loop3A_240 = arith.constant 48 : index
      %parallel_loop3A_241 = tpu.vector_load %arg21[%parallel_loop3A_238, %parallel_loop3A_239, %parallel_loop3A_240] {strides = array<i32>} : memref<2x128x128xf32, #tpu.memory_space<vmem>>, vector<16xf32>,
      tpu.vector_store %arg21[%parallel_loop3A_238, %parallel_loop3A_239, %parallel_loop3A_240], %parallel_loop3A_236 {strides = array<i32>} : memref<2x128x128xf32, #tpu.memory_space<vmem>>, vector<16xf32>,
      %parallel_loop3A_242 = tpu.vector_load_idx %arg10[%parallel_loop3A_208, %add3A_43] : memref<186x128xf32, #tpu.memory_space<vmem>>[vector<16xi32>, vector<16xi32>], vector<16xf32>,
      %parallel_loop3A_243 = tpu.vector_load_idx %arg11[%parallel_loop3A_209, %add3A_43] : memref<468x128xf32, #tpu.memory_space<vmem>>[vector<16xi32>, vector<16xi32>], vector<16xf32>,
      %parallel_loop3A_244 = arith.addf %parallel_loop3A_242, %parallel_loop3A_243 : vector<16xf32>
      %parallel_loop3A_245 = arith.constant 0 : i32
      %parallel_loop3A_246 = arith.index_cast %parallel_loop3A_245 : i32 to index
      %parallel_loop3A_247 = arith.index_cast %parallel_loop3A_204 : i32 to index
      %parallel_loop3A_248 = arith.constant 64 : index
      %parallel_loop3A_249 = tpu.vector_load %arg21[%parallel_loop3A_246, %parallel_loop3A_247, %parallel_loop3A_248] {strides = array<i32>} : memref<2x128x128xf32, #tpu.memory_space<vmem>>, vector<16xf32>,
      tpu.vector_store %arg21[%parallel_loop3A_246, %parallel_loop3A_247, %parallel_loop3A_248], %parallel_loop3A_244 {strides = array<i32>} : memref<2x128x128xf32, #tpu.memory_space<vmem>>, vector<16xf32>,
      %parallel_loop3A_250 = tpu.vector_load_idx %arg10[%parallel_loop3A_208, %add3A_47] : memref<186x128xf32, #tpu.memory_space<vmem>>[vector<16xi32>, vector<16xi32>], vector<16xf32>,
      %parallel_loop3A_251 = tpu.vector_load_idx %arg11[%parallel_loop3A_209, %add3A_47] : memref<468x128xf32, #tpu.memory_space<vmem>>[vector<16xi32>, vector<16xi32>], vector<16xf32>,
      %parallel_loop3A_252 = arith.addf %parallel_loop3A_250, %parallel_loop3A_251 : vector<16xf32>
      %parallel_loop3A_253 = arith.constant 0 : i32
      %parallel_loop3A_254 = arith.index_cast %parallel_loop3A_253 : i32 to index
      %parallel_loop3A_255 = arith.index_cast %parallel_loop3A_204 : i32 to index
      %parallel_loop3A_256 = arith.constant 80 : index
      %parallel_loop3A_257 = tpu.vector_load %arg21[%parallel_loop3A_254, %parallel_loop3A_255, %parallel_loop3A_256] {strides = array<i32>} : memref<2x128x128xf32, #tpu.memory_space<vmem>>, vector<16xf32>,
      tpu.vector_store %arg21[%parallel_loop3A_254, %parallel_loop3A_255, %parallel_loop3A_256], %parallel_loop3A_252 {strides = array<i32>} : memref<2x128x128xf32, #tpu.memory_space<vmem>>, vector<16xf32>,
      %parallel_loop3A_258 = tpu.vector_load_idx %arg10[%parallel_loop3A_208, %add3A_51] : memref<186x128xf32, #tpu.memory_space<vmem>>[vector<16xi32>, vector<16xi32>], vector<16xf32>,
      %parallel_loop3A_259 = tpu.vector_load_idx %arg11[%parallel_loop3A_209, %add3A_51] : memref<468x128xf32, #tpu.memory_space<vmem>>[vector<16xi32>, vector<16xi32>], vector<16xf32>,
      %parallel_loop3A_260 = arith.addf %parallel_loop3A_258, %parallel_loop3A_259 : vector<16xf32>
      %parallel_loop3A_261 = arith.constant 0 : i32
      %parallel_loop3A_262 = arith.index_cast %parallel_loop3A_261 : i32 to index
      %parallel_loop3A_263 = arith.index_cast %parallel_loop3A_204 : i32 to index
      %parallel_loop3A_264 = arith.constant 96 : index
      %parallel_loop3A_265 = tpu.vector_load %arg21[%parallel_loop3A_262, %parallel_loop3A_263, %parallel_loop3A_264] {strides = array<i32>} : memref<2x128x128xf32, #tpu.memory_space<vmem>>, vector<16xf32>,
      tpu.vector_store %arg21[%parallel_loop3A_262, %parallel_loop3A_263, %parallel_loop3A_264], %parallel_loop3A_260 {strides = array<i32>} : memref<2x128x128xf32, #tpu.memory_space<vmem>>, vector<16xf32>,
      %parallel_loop3A_266 = tpu.vector_load_idx %arg10[%parallel_loop3A_208, %add3A_55] : memref<186x128xf32, #tpu.memory_space<vmem>>[vector<16xi32>, vector<16xi32>], vector<16xf32>,
      %parallel_loop3A_267 = tpu.vector_load_idx %arg11[%parallel_loop3A_209, %add3A_55] : memref<468x128xf32, #tpu.memory_space<vmem>>[vector<16xi32>, vector<16xi32>], vector<16xf32>,
      %parallel_loop3A_268 = arith.addf %parallel_loop3A_266, %parallel_loop3A_267 : vector<16xf32>
      %parallel_loop3A_269 = arith.constant 0 : i32
      %parallel_loop3A_270 = arith.index_cast %parallel_loop3A_269 : i32 to index
      %parallel_loop3A_271 = arith.index_cast %parallel_loop3A_204 : i32 to index
      %parallel_loop3A_272 = arith.constant 112 : index
      %parallel_loop3A_273 = tpu.vector_load %arg21[%parallel_loop3A_270, %parallel_loop3A_271, %parallel_loop3A_272] {strides = array<i32>} : memref<2x128x128xf32, #tpu.memory_space<vmem>>, vector<16xf32>,
      tpu.vector_store %arg21[%parallel_loop3A_270, %parallel_loop3A_271, %parallel_loop3A_272], %parallel_loop3A_268 {strides = array<i32>} : memref<2x128x128xf32, #tpu.memory_space<vmem>>, vector<16xf32>,
    } {sc.loop_unroll_factor = 4 : i64, sc.parallel_access}
    %add3A_59 = arith.constant 0 : i32
    %add3A_60 = arith.addi %mul3A_2, %add3A_59 : i32
    %dma_start3A_61 = arith.constant 0 : i32
    %dma_start3A_62 = arith.constant 0 : i32
    %dma_start3A_63 = arith.constant 0 : i32
    %dma_start3A_64 = arith.constant 0 : i32
    %dma_start3A_65 = tpu.memref_slice %arg21[%dma_start3A_61, %dma_start3A_63, %dma_start3A_64] : memref<2x128x128xf32, #tpu.memory_space<vmem>> -> memref<1x128x128xf32, #tpu.memory_space<vmem>>
    %dma_start3A_66 = tpu.memref_squeeze %dma_start3A_65 : memref<1x128x128xf32, #tpu.memory_space<vmem>> -> memref<128x128xf32, #tpu.memory_space<vmem>>
    %dma_start3A_67 = arith.constant 0 : i32
    %dma_start3A_68 = tpu.memref_slice %arg9[%add3A_60, %dma_start3A_67] : memref<16384x128xf32, #tpu.memory_space<hbm>> -> memref<128x128xf32, #tpu.memory_space<hbm>>
    %dma_start3A_69 = tpu.memref_slice %arg24[%dma_start3A_62] : memref<2x!tpu.dma_semaphore, #tpu.memory_space<semaphore_mem>> -> memref<1x!tpu.dma_semaphore, #tpu.memory_space<semaphore_mem>>
    %dma_start3A_70 = tpu.memref_squeeze %dma_start3A_69 : memref<1x!tpu.dma_semaphore, #tpu.memory_space<semaphore_mem>> -> memref<!tpu.dma_semaphore, #tpu.memory_space<semaphore_mem>>
    %dma_start3A_71 = arith.constant 0 : i32
    %dma_start3A_72 = tpu.memref_slice %arg9[%add3A_60, %dma_start3A_71] : memref<16384x128xf32, #tpu.memory_space<hbm>> -> memref<128x128xf32, #tpu.memory_space<hbm>>
    %dma_start3A_73 = arith.constant 0 : i32
    %dma_start3A_74 = arith.constant 0 : i32
    %dma_start3A_75 = tpu.memref_slice %arg21[%dma_start3A_61, %dma_start3A_73, %dma_start3A_74] : memref<2x128x128xf32, #tpu.memory_space<vmem>> -> memref<1x128x128xf32, #tpu.memory_space<vmem>>
    %dma_start3A_76 = tpu.memref_squeeze %dma_start3A_75 : memref<1x128x128xf32, #tpu.memory_space<vmem>> -> memref<128x128xf32, #tpu.memory_space<vmem>>
    tpu.enqueue_dma source(%dma_start3A_76 : memref<128x128xf32, #tpu.memory_space<vmem>>) target(%dma_start3A_72 : memref<128x128xf32, #tpu.memory_space<hbm>>) target_semaphore(%dma_start3A_70 : memref<!tpu.dma_semaphore, #tpu.memory_space<semaphore_mem>>)
    %parallel_loop3A_77 = arith.constant 0 : i32
    %parallel_loop3A_78 = arith.constant 128 : i32
    %parallel_loop3A_79 = arith.constant 1 : i32
    scf.for %parallel_loop3A_204 = %parallel_loop3A_77 to %parallel_loop3A_78 step %parallel_loop3A_79  : i32 {
      %parallel_loop3A_205 = arith.constant 128 : i32
      %parallel_loop3A_206 = arith.addi %parallel_loop3A_205, %parallel_loop3A_204 : i32
      %parallel_loop3A_207 = vector.broadcast %parallel_loop3A_206 : i32 to vector<16xi32>
      %parallel_loop3A_208 = tpu.vector_load_idx %arg19[%parallel_loop3A_207] : memref<512xi32, #tpu.memory_space<vmem>>[vector<16xi32>], vector<16xi32>,
      %parallel_loop3A_209 = tpu.vector_load_idx %arg20[%parallel_loop3A_207] : memref<512xi32, #tpu.memory_space<vmem>>[vector<16xi32>], vector<16xi32>,
      %parallel_loop3A_210 = tpu.vector_load_idx %arg10[%parallel_loop3A_208, %add3A_27] : memref<186x128xf32, #tpu.memory_space<vmem>>[vector<16xi32>, vector<16xi32>], vector<16xf32>,
      %parallel_loop3A_211 = tpu.vector_load_idx %arg11[%parallel_loop3A_209, %add3A_27] : memref<468x128xf32, #tpu.memory_space<vmem>>[vector<16xi32>, vector<16xi32>], vector<16xf32>,
      %parallel_loop3A_212 = arith.addf %parallel_loop3A_210, %parallel_loop3A_211 : vector<16xf32>
      %parallel_loop3A_213 = arith.constant 1 : i32
      %parallel_loop3A_214 = arith.index_cast %parallel_loop3A_213 : i32 to index
      %parallel_loop3A_215 = arith.index_cast %parallel_loop3A_204 : i32 to index
      %parallel_loop3A_216 = arith.constant 0 : index
      %parallel_loop3A_217 = tpu.vector_load %arg21[%parallel_loop3A_214, %parallel_loop3A_215, %parallel_loop3A_216] {strides = array<i32>} : memref<2x128x128xf32, #tpu.memory_space<vmem>>, vector<16xf32>,
      tpu.vector_store %arg21[%parallel_loop3A_214, %parallel_loop3A_215, %parallel_loop3A_216], %parallel_loop3A_212 {strides = array<i32>} : memref<2x128x128xf32, #tpu.memory_space<vmem>>, vector<16xf32>,
      %parallel_loop3A_218 = tpu.vector_load_idx %arg10[%parallel_loop3A_208, %add3A_31] : memref<186x128xf32, #tpu.memory_space<vmem>>[vector<16xi32>, vector<16xi32>], vector<16xf32>,
      %parallel_loop3A_219 = tpu.vector_load_idx %arg11[%parallel_loop3A_209, %add3A_31] : memref<468x128xf32, #tpu.memory_space<vmem>>[vector<16xi32>, vector<16xi32>], vector<16xf32>,
      %parallel_loop3A_220 = arith.addf %parallel_loop3A_218, %parallel_loop3A_219 : vector<16xf32>
      %parallel_loop3A_221 = arith.constant 1 : i32
      %parallel_loop3A_222 = arith.index_cast %parallel_loop3A_221 : i32 to index
      %parallel_loop3A_223 = arith.index_cast %parallel_loop3A_204 : i32 to index
      %parallel_loop3A_224 = arith.constant 16 : index
      %parallel_loop3A_225 = tpu.vector_load %arg21[%parallel_loop3A_222, %parallel_loop3A_223, %parallel_loop3A_224] {strides = array<i32>} : memref<2x128x128xf32, #tpu.memory_space<vmem>>, vector<16xf32>,
      tpu.vector_store %arg21[%parallel_loop3A_222, %parallel_loop3A_223, %parallel_loop3A_224], %parallel_loop3A_220 {strides = array<i32>} : memref<2x128x128xf32, #tpu.memory_space<vmem>>, vector<16xf32>,
      %parallel_loop3A_226 = tpu.vector_load_idx %arg10[%parallel_loop3A_208, %add3A_35] : memref<186x128xf32, #tpu.memory_space<vmem>>[vector<16xi32>, vector<16xi32>], vector<16xf32>,
      %parallel_loop3A_227 = tpu.vector_load_idx %arg11[%parallel_loop3A_209, %add3A_35] : memref<468x128xf32, #tpu.memory_space<vmem>>[vector<16xi32>, vector<16xi32>], vector<16xf32>,
      %parallel_loop3A_228 = arith.addf %parallel_loop3A_226, %parallel_loop3A_227 : vector<16xf32>
      %parallel_loop3A_229 = arith.constant 1 : i32
      %parallel_loop3A_230 = arith.index_cast %parallel_loop3A_229 : i32 to index
      %parallel_loop3A_231 = arith.index_cast %parallel_loop3A_204 : i32 to index
      %parallel_loop3A_232 = arith.constant 32 : index
      %parallel_loop3A_233 = tpu.vector_load %arg21[%parallel_loop3A_230, %parallel_loop3A_231, %parallel_loop3A_232] {strides = array<i32>} : memref<2x128x128xf32, #tpu.memory_space<vmem>>, vector<16xf32>,
      tpu.vector_store %arg21[%parallel_loop3A_230, %parallel_loop3A_231, %parallel_loop3A_232], %parallel_loop3A_228 {strides = array<i32>} : memref<2x128x128xf32, #tpu.memory_space<vmem>>, vector<16xf32>,
      %parallel_loop3A_234 = tpu.vector_load_idx %arg10[%parallel_loop3A_208, %add3A_39] : memref<186x128xf32, #tpu.memory_space<vmem>>[vector<16xi32>, vector<16xi32>], vector<16xf32>,
      %parallel_loop3A_235 = tpu.vector_load_idx %arg11[%parallel_loop3A_209, %add3A_39] : memref<468x128xf32, #tpu.memory_space<vmem>>[vector<16xi32>, vector<16xi32>], vector<16xf32>,
      %parallel_loop3A_236 = arith.addf %parallel_loop3A_234, %parallel_loop3A_235 : vector<16xf32>
      %parallel_loop3A_237 = arith.constant 1 : i32
      %parallel_loop3A_238 = arith.index_cast %parallel_loop3A_237 : i32 to index
      %parallel_loop3A_239 = arith.index_cast %parallel_loop3A_204 : i32 to index
      %parallel_loop3A_240 = arith.constant 48 : index
      %parallel_loop3A_241 = tpu.vector_load %arg21[%parallel_loop3A_238, %parallel_loop3A_239, %parallel_loop3A_240] {strides = array<i32>} : memref<2x128x128xf32, #tpu.memory_space<vmem>>, vector<16xf32>,
      tpu.vector_store %arg21[%parallel_loop3A_238, %parallel_loop3A_239, %parallel_loop3A_240], %parallel_loop3A_236 {strides = array<i32>} : memref<2x128x128xf32, #tpu.memory_space<vmem>>, vector<16xf32>,
      %parallel_loop3A_242 = tpu.vector_load_idx %arg10[%parallel_loop3A_208, %add3A_43] : memref<186x128xf32, #tpu.memory_space<vmem>>[vector<16xi32>, vector<16xi32>], vector<16xf32>,
      %parallel_loop3A_243 = tpu.vector_load_idx %arg11[%parallel_loop3A_209, %add3A_43] : memref<468x128xf32, #tpu.memory_space<vmem>>[vector<16xi32>, vector<16xi32>], vector<16xf32>,
      %parallel_loop3A_244 = arith.addf %parallel_loop3A_242, %parallel_loop3A_243 : vector<16xf32>
      %parallel_loop3A_245 = arith.constant 1 : i32
      %parallel_loop3A_246 = arith.index_cast %parallel_loop3A_245 : i32 to index
      %parallel_loop3A_247 = arith.index_cast %parallel_loop3A_204 : i32 to index
      %parallel_loop3A_248 = arith.constant 64 : index
      %parallel_loop3A_249 = tpu.vector_load %arg21[%parallel_loop3A_246, %parallel_loop3A_247, %parallel_loop3A_248] {strides = array<i32>} : memref<2x128x128xf32, #tpu.memory_space<vmem>>, vector<16xf32>,
      tpu.vector_store %arg21[%parallel_loop3A_246, %parallel_loop3A_247, %parallel_loop3A_248], %parallel_loop3A_244 {strides = array<i32>} : memref<2x128x128xf32, #tpu.memory_space<vmem>>, vector<16xf32>,
      %parallel_loop3A_250 = tpu.vector_load_idx %arg10[%parallel_loop3A_208, %add3A_47] : memref<186x128xf32, #tpu.memory_space<vmem>>[vector<16xi32>, vector<16xi32>], vector<16xf32>,
      %parallel_loop3A_251 = tpu.vector_load_idx %arg11[%parallel_loop3A_209, %add3A_47] : memref<468x128xf32, #tpu.memory_space<vmem>>[vector<16xi32>, vector<16xi32>], vector<16xf32>,
      %parallel_loop3A_252 = arith.addf %parallel_loop3A_250, %parallel_loop3A_251 : vector<16xf32>
      %parallel_loop3A_253 = arith.constant 1 : i32
      %parallel_loop3A_254 = arith.index_cast %parallel_loop3A_253 : i32 to index
      %parallel_loop3A_255 = arith.index_cast %parallel_loop3A_204 : i32 to index
      %parallel_loop3A_256 = arith.constant 80 : index
      %parallel_loop3A_257 = tpu.vector_load %arg21[%parallel_loop3A_254, %parallel_loop3A_255, %parallel_loop3A_256] {strides = array<i32>} : memref<2x128x128xf32, #tpu.memory_space<vmem>>, vector<16xf32>,
      tpu.vector_store %arg21[%parallel_loop3A_254, %parallel_loop3A_255, %parallel_loop3A_256], %parallel_loop3A_252 {strides = array<i32>} : memref<2x128x128xf32, #tpu.memory_space<vmem>>, vector<16xf32>,
      %parallel_loop3A_258 = tpu.vector_load_idx %arg10[%parallel_loop3A_208, %add3A_51] : memref<186x128xf32, #tpu.memory_space<vmem>>[vector<16xi32>, vector<16xi32>], vector<16xf32>,
      %parallel_loop3A_259 = tpu.vector_load_idx %arg11[%parallel_loop3A_209, %add3A_51] : memref<468x128xf32, #tpu.memory_space<vmem>>[vector<16xi32>, vector<16xi32>], vector<16xf32>,
      %parallel_loop3A_260 = arith.addf %parallel_loop3A_258, %parallel_loop3A_259 : vector<16xf32>
      %parallel_loop3A_261 = arith.constant 1 : i32
      %parallel_loop3A_262 = arith.index_cast %parallel_loop3A_261 : i32 to index
      %parallel_loop3A_263 = arith.index_cast %parallel_loop3A_204 : i32 to index
      %parallel_loop3A_264 = arith.constant 96 : index
      %parallel_loop3A_265 = tpu.vector_load %arg21[%parallel_loop3A_262, %parallel_loop3A_263, %parallel_loop3A_264] {strides = array<i32>} : memref<2x128x128xf32, #tpu.memory_space<vmem>>, vector<16xf32>,
      tpu.vector_store %arg21[%parallel_loop3A_262, %parallel_loop3A_263, %parallel_loop3A_264], %parallel_loop3A_260 {strides = array<i32>} : memref<2x128x128xf32, #tpu.memory_space<vmem>>, vector<16xf32>,
      %parallel_loop3A_266 = tpu.vector_load_idx %arg10[%parallel_loop3A_208, %add3A_55] : memref<186x128xf32, #tpu.memory_space<vmem>>[vector<16xi32>, vector<16xi32>], vector<16xf32>,
      %parallel_loop3A_267 = tpu.vector_load_idx %arg11[%parallel_loop3A_209, %add3A_55] : memref<468x128xf32, #tpu.memory_space<vmem>>[vector<16xi32>, vector<16xi32>], vector<16xf32>,
      %parallel_loop3A_268 = arith.addf %parallel_loop3A_266, %parallel_loop3A_267 : vector<16xf32>
      %parallel_loop3A_269 = arith.constant 1 : i32
      %parallel_loop3A_270 = arith.index_cast %parallel_loop3A_269 : i32 to index
      %parallel_loop3A_271 = arith.index_cast %parallel_loop3A_204 : i32 to index
      %parallel_loop3A_272 = arith.constant 112 : index
      %parallel_loop3A_273 = tpu.vector_load %arg21[%parallel_loop3A_270, %parallel_loop3A_271, %parallel_loop3A_272] {strides = array<i32>} : memref<2x128x128xf32, #tpu.memory_space<vmem>>, vector<16xf32>,
      tpu.vector_store %arg21[%parallel_loop3A_270, %parallel_loop3A_271, %parallel_loop3A_272], %parallel_loop3A_268 {strides = array<i32>} : memref<2x128x128xf32, #tpu.memory_space<vmem>>, vector<16xf32>,
    } {sc.loop_unroll_factor = 4 : i64, sc.parallel_access}
    %add3A_80 = arith.constant 128 : i32
    %add3A_81 = arith.addi %mul3A_2, %add3A_80 : i32
    %dma_start3A_82 = arith.constant 1 : i32
    %dma_start3A_83 = arith.constant 1 : i32
    %dma_start3A_84 = arith.constant 0 : i32
    %dma_start3A_85 = arith.constant 0 : i32
    %dma_start3A_86 = tpu.memref_slice %arg21[%dma_start3A_82, %dma_start3A_84, %dma_start3A_85] : memref<2x128x128xf32, #tpu.memory_space<vmem>> -> memref<1x128x128xf32, #tpu.memory_space<vmem>>
    %dma_start3A_87 = tpu.memref_squeeze %dma_start3A_86 : memref<1x128x128xf32, #tpu.memory_space<vmem>> -> memref<128x128xf32, #tpu.memory_space<vmem>>
    %dma_start3A_88 = arith.constant 0 : i32
    %dma_start3A_89 = tpu.memref_slice %arg9[%add3A_81, %dma_start3A_88] : memref<16384x128xf32, #tpu.memory_space<hbm>> -> memref<128x128xf32, #tpu.memory_space<hbm>>
    %dma_start3A_90 = tpu.memref_slice %arg24[%dma_start3A_83] : memref<2x!tpu.dma_semaphore, #tpu.memory_space<semaphore_mem>> -> memref<1x!tpu.dma_semaphore, #tpu.memory_space<semaphore_mem>>
    %dma_start3A_91 = tpu.memref_squeeze %dma_start3A_90 : memref<1x!tpu.dma_semaphore, #tpu.memory_space<semaphore_mem>> -> memref<!tpu.dma_semaphore, #tpu.memory_space<semaphore_mem>>
    %dma_start3A_92 = arith.constant 0 : i32
    %dma_start3A_93 = tpu.memref_slice %arg9[%add3A_81, %dma_start3A_92] : memref<16384x128xf32, #tpu.memory_space<hbm>> -> memref<128x128xf32, #tpu.memory_space<hbm>>
    %dma_start3A_94 = arith.constant 0 : i32
    %dma_start3A_95 = arith.constant 0 : i32
    %dma_start3A_96 = tpu.memref_slice %arg21[%dma_start3A_82, %dma_start3A_94, %dma_start3A_95] : memref<2x128x128xf32, #tpu.memory_space<vmem>> -> memref<1x128x128xf32, #tpu.memory_space<vmem>>
    %dma_start3A_97 = tpu.memref_squeeze %dma_start3A_96 : memref<1x128x128xf32, #tpu.memory_space<vmem>> -> memref<128x128xf32, #tpu.memory_space<vmem>>
    tpu.enqueue_dma source(%dma_start3A_97 : memref<128x128xf32, #tpu.memory_space<vmem>>) target(%dma_start3A_93 : memref<128x128xf32, #tpu.memory_space<hbm>>) target_semaphore(%dma_start3A_91 : memref<!tpu.dma_semaphore, #tpu.memory_space<semaphore_mem>>)
    %dma_wait3A_98 = arith.constant 0 : i32
    %dma_wait3A_99 = arith.constant 0 : i32
    %dma_wait3A_100 = arith.constant 0 : i32
    %dma_wait3A_101 = arith.constant 0 : i32
    %dma_wait3A_102 = tpu.memref_slice %arg21[%dma_wait3A_98, %dma_wait3A_100, %dma_wait3A_101] : memref<2x128x128xf32, #tpu.memory_space<vmem>> -> memref<1x128x128xf32, #tpu.memory_space<vmem>>
    %dma_wait3A_103 = tpu.memref_squeeze %dma_wait3A_102 : memref<1x128x128xf32, #tpu.memory_space<vmem>> -> memref<128x128xf32, #tpu.memory_space<vmem>>
    %dma_wait3A_104 = arith.constant 0 : i32
    %dma_wait3A_105 = tpu.memref_slice %arg9[%add3A_60, %dma_wait3A_104] : memref<16384x128xf32, #tpu.memory_space<hbm>> -> memref<128x128xf32, #tpu.memory_space<hbm>>
    %dma_wait3A_106 = tpu.memref_slice %arg24[%dma_wait3A_99] : memref<2x!tpu.dma_semaphore, #tpu.memory_space<semaphore_mem>> -> memref<1x!tpu.dma_semaphore, #tpu.memory_space<semaphore_mem>>
    %dma_wait3A_107 = tpu.memref_squeeze %dma_wait3A_106 : memref<1x!tpu.dma_semaphore, #tpu.memory_space<semaphore_mem>> -> memref<!tpu.dma_semaphore, #tpu.memory_space<semaphore_mem>>
    %dma_wait3A_108 = arith.constant 0 : i32
    %dma_wait3A_109 = tpu.memref_slice %arg9[%add3A_60, %dma_wait3A_108] : memref<16384x128xf32, #tpu.memory_space<hbm>> -> memref<128x128xf32, #tpu.memory_space<hbm>>
    %dma_wait3A_110 = arith.constant 0 : i32
    %dma_wait3A_111 = arith.constant 0 : i32
    %dma_wait3A_112 = tpu.memref_slice %arg21[%dma_wait3A_98, %dma_wait3A_110, %dma_wait3A_111] : memref<2x128x128xf32, #tpu.memory_space<vmem>> -> memref<1x128x128xf32, #tpu.memory_space<vmem>>
    %dma_wait3A_113 = tpu.memref_squeeze %dma_wait3A_112 : memref<1x128x128xf32, #tpu.memory_space<vmem>> -> memref<128x128xf32, #tpu.memory_space<vmem>>
    tpu.wait_dma2 semaphore(%dma_wait3A_107 : memref<!tpu.dma_semaphore, #tpu.memory_space<semaphore_mem>>) src(%dma_wait3A_113 : memref<128x128xf32, #tpu.memory_space<vmem>>) dst(%dma_wait3A_109 : memref<128x128xf32, #tpu.memory_space<hbm>>)
    %parallel_loop3A_114 = arith.constant 0 : i32
    %parallel_loop3A_115 = arith.constant 128 : i32
    %parallel_loop3A_116 = arith.constant 1 : i32
    scf.for %parallel_loop3A_204 = %parallel_loop3A_114 to %parallel_loop3A_115 step %parallel_loop3A_116  : i32 {
      %parallel_loop3A_205 = arith.constant 256 : i32
      %parallel_loop3A_206 = arith.addi %parallel_loop3A_205, %parallel_loop3A_204 : i32
      %parallel_loop3A_207 = vector.broadcast %parallel_loop3A_206 : i32 to vector<16xi32>
      %parallel_loop3A_208 = tpu.vector_load_idx %arg19[%parallel_loop3A_207] : memref<512xi32, #tpu.memory_space<vmem>>[vector<16xi32>], vector<16xi32>,
      %parallel_loop3A_209 = tpu.vector_load_idx %arg20[%parallel_loop3A_207] : memref<512xi32, #tpu.memory_space<vmem>>[vector<16xi32>], vector<16xi32>,
      %parallel_loop3A_210 = tpu.vector_load_idx %arg10[%parallel_loop3A_208, %add3A_27] : memref<186x128xf32, #tpu.memory_space<vmem>>[vector<16xi32>, vector<16xi32>], vector<16xf32>,
      %parallel_loop3A_211 = tpu.vector_load_idx %arg11[%parallel_loop3A_209, %add3A_27] : memref<468x128xf32, #tpu.memory_space<vmem>>[vector<16xi32>, vector<16xi32>], vector<16xf32>,
      %parallel_loop3A_212 = arith.addf %parallel_loop3A_210, %parallel_loop3A_211 : vector<16xf32>
      %parallel_loop3A_213 = arith.constant 0 : i32
      %parallel_loop3A_214 = arith.index_cast %parallel_loop3A_213 : i32 to index
      %parallel_loop3A_215 = arith.index_cast %parallel_loop3A_204 : i32 to index
      %parallel_loop3A_216 = arith.constant 0 : index
      %parallel_loop3A_217 = tpu.vector_load %arg21[%parallel_loop3A_214, %parallel_loop3A_215, %parallel_loop3A_216] {strides = array<i32>} : memref<2x128x128xf32, #tpu.memory_space<vmem>>, vector<16xf32>,
      tpu.vector_store %arg21[%parallel_loop3A_214, %parallel_loop3A_215, %parallel_loop3A_216], %parallel_loop3A_212 {strides = array<i32>} : memref<2x128x128xf32, #tpu.memory_space<vmem>>, vector<16xf32>,
      %parallel_loop3A_218 = tpu.vector_load_idx %arg10[%parallel_loop3A_208, %add3A_31] : memref<186x128xf32, #tpu.memory_space<vmem>>[vector<16xi32>, vector<16xi32>], vector<16xf32>,
      %parallel_loop3A_219 = tpu.vector_load_idx %arg11[%parallel_loop3A_209, %add3A_31] : memref<468x128xf32, #tpu.memory_space<vmem>>[vector<16xi32>, vector<16xi32>], vector<16xf32>,
      %parallel_loop3A_220 = arith.addf %parallel_loop3A_218, %parallel_loop3A_219 : vector<16xf32>
      %parallel_loop3A_221 = arith.constant 0 : i32
      %parallel_loop3A_222 = arith.index_cast %parallel_loop3A_221 : i32 to index
      %parallel_loop3A_223 = arith.index_cast %parallel_loop3A_204 : i32 to index
      %parallel_loop3A_224 = arith.constant 16 : index
      %parallel_loop3A_225 = tpu.vector_load %arg21[%parallel_loop3A_222, %parallel_loop3A_223, %parallel_loop3A_224] {strides = array<i32>} : memref<2x128x128xf32, #tpu.memory_space<vmem>>, vector<16xf32>,
      tpu.vector_store %arg21[%parallel_loop3A_222, %parallel_loop3A_223, %parallel_loop3A_224], %parallel_loop3A_220 {strides = array<i32>} : memref<2x128x128xf32, #tpu.memory_space<vmem>>, vector<16xf32>,
      %parallel_loop3A_226 = tpu.vector_load_idx %arg10[%parallel_loop3A_208, %add3A_35] : memref<186x128xf32, #tpu.memory_space<vmem>>[vector<16xi32>, vector<16xi32>], vector<16xf32>,
      %parallel_loop3A_227 = tpu.vector_load_idx %arg11[%parallel_loop3A_209, %add3A_35] : memref<468x128xf32, #tpu.memory_space<vmem>>[vector<16xi32>, vector<16xi32>], vector<16xf32>,
      %parallel_loop3A_228 = arith.addf %parallel_loop3A_226, %parallel_loop3A_227 : vector<16xf32>
      %parallel_loop3A_229 = arith.constant 0 : i32
      %parallel_loop3A_230 = arith.index_cast %parallel_loop3A_229 : i32 to index
      %parallel_loop3A_231 = arith.index_cast %parallel_loop3A_204 : i32 to index
      %parallel_loop3A_232 = arith.constant 32 : index
      %parallel_loop3A_233 = tpu.vector_load %arg21[%parallel_loop3A_230, %parallel_loop3A_231, %parallel_loop3A_232] {strides = array<i32>} : memref<2x128x128xf32, #tpu.memory_space<vmem>>, vector<16xf32>,
      tpu.vector_store %arg21[%parallel_loop3A_230, %parallel_loop3A_231, %parallel_loop3A_232], %parallel_loop3A_228 {strides = array<i32>} : memref<2x128x128xf32, #tpu.memory_space<vmem>>, vector<16xf32>,
      %parallel_loop3A_234 = tpu.vector_load_idx %arg10[%parallel_loop3A_208, %add3A_39] : memref<186x128xf32, #tpu.memory_space<vmem>>[vector<16xi32>, vector<16xi32>], vector<16xf32>,
      %parallel_loop3A_235 = tpu.vector_load_idx %arg11[%parallel_loop3A_209, %add3A_39] : memref<468x128xf32, #tpu.memory_space<vmem>>[vector<16xi32>, vector<16xi32>], vector<16xf32>,
      %parallel_loop3A_236 = arith.addf %parallel_loop3A_234, %parallel_loop3A_235 : vector<16xf32>
      %parallel_loop3A_237 = arith.constant 0 : i32
      %parallel_loop3A_238 = arith.index_cast %parallel_loop3A_237 : i32 to index
      %parallel_loop3A_239 = arith.index_cast %parallel_loop3A_204 : i32 to index
      %parallel_loop3A_240 = arith.constant 48 : index
      %parallel_loop3A_241 = tpu.vector_load %arg21[%parallel_loop3A_238, %parallel_loop3A_239, %parallel_loop3A_240] {strides = array<i32>} : memref<2x128x128xf32, #tpu.memory_space<vmem>>, vector<16xf32>,
      tpu.vector_store %arg21[%parallel_loop3A_238, %parallel_loop3A_239, %parallel_loop3A_240], %parallel_loop3A_236 {strides = array<i32>} : memref<2x128x128xf32, #tpu.memory_space<vmem>>, vector<16xf32>,
      %parallel_loop3A_242 = tpu.vector_load_idx %arg10[%parallel_loop3A_208, %add3A_43] : memref<186x128xf32, #tpu.memory_space<vmem>>[vector<16xi32>, vector<16xi32>], vector<16xf32>,
      %parallel_loop3A_243 = tpu.vector_load_idx %arg11[%parallel_loop3A_209, %add3A_43] : memref<468x128xf32, #tpu.memory_space<vmem>>[vector<16xi32>, vector<16xi32>], vector<16xf32>,
      %parallel_loop3A_244 = arith.addf %parallel_loop3A_242, %parallel_loop3A_243 : vector<16xf32>
      %parallel_loop3A_245 = arith.constant 0 : i32
      %parallel_loop3A_246 = arith.index_cast %parallel_loop3A_245 : i32 to index
      %parallel_loop3A_247 = arith.index_cast %parallel_loop3A_204 : i32 to index
      %parallel_loop3A_248 = arith.constant 64 : index
      %parallel_loop3A_249 = tpu.vector_load %arg21[%parallel_loop3A_246, %parallel_loop3A_247, %parallel_loop3A_248] {strides = array<i32>} : memref<2x128x128xf32, #tpu.memory_space<vmem>>, vector<16xf32>,
      tpu.vector_store %arg21[%parallel_loop3A_246, %parallel_loop3A_247, %parallel_loop3A_248], %parallel_loop3A_244 {strides = array<i32>} : memref<2x128x128xf32, #tpu.memory_space<vmem>>, vector<16xf32>,
      %parallel_loop3A_250 = tpu.vector_load_idx %arg10[%parallel_loop3A_208, %add3A_47] : memref<186x128xf32, #tpu.memory_space<vmem>>[vector<16xi32>, vector<16xi32>], vector<16xf32>,
      %parallel_loop3A_251 = tpu.vector_load_idx %arg11[%parallel_loop3A_209, %add3A_47] : memref<468x128xf32, #tpu.memory_space<vmem>>[vector<16xi32>, vector<16xi32>], vector<16xf32>,
      %parallel_loop3A_252 = arith.addf %parallel_loop3A_250, %parallel_loop3A_251 : vector<16xf32>
      %parallel_loop3A_253 = arith.constant 0 : i32
      %parallel_loop3A_254 = arith.index_cast %parallel_loop3A_253 : i32 to index
      %parallel_loop3A_255 = arith.index_cast %parallel_loop3A_204 : i32 to index
      %parallel_loop3A_256 = arith.constant 80 : index
      %parallel_loop3A_257 = tpu.vector_load %arg21[%parallel_loop3A_254, %parallel_loop3A_255, %parallel_loop3A_256] {strides = array<i32>} : memref<2x128x128xf32, #tpu.memory_space<vmem>>, vector<16xf32>,
      tpu.vector_store %arg21[%parallel_loop3A_254, %parallel_loop3A_255, %parallel_loop3A_256], %parallel_loop3A_252 {strides = array<i32>} : memref<2x128x128xf32, #tpu.memory_space<vmem>>, vector<16xf32>,
      %parallel_loop3A_258 = tpu.vector_load_idx %arg10[%parallel_loop3A_208, %add3A_51] : memref<186x128xf32, #tpu.memory_space<vmem>>[vector<16xi32>, vector<16xi32>], vector<16xf32>,
      %parallel_loop3A_259 = tpu.vector_load_idx %arg11[%parallel_loop3A_209, %add3A_51] : memref<468x128xf32, #tpu.memory_space<vmem>>[vector<16xi32>, vector<16xi32>], vector<16xf32>,
      %parallel_loop3A_260 = arith.addf %parallel_loop3A_258, %parallel_loop3A_259 : vector<16xf32>
      %parallel_loop3A_261 = arith.constant 0 : i32
      %parallel_loop3A_262 = arith.index_cast %parallel_loop3A_261 : i32 to index
      %parallel_loop3A_263 = arith.index_cast %parallel_loop3A_204 : i32 to index
      %parallel_loop3A_264 = arith.constant 96 : index
      %parallel_loop3A_265 = tpu.vector_load %arg21[%parallel_loop3A_262, %parallel_loop3A_263, %parallel_loop3A_264] {strides = array<i32>} : memref<2x128x128xf32, #tpu.memory_space<vmem>>, vector<16xf32>,
      tpu.vector_store %arg21[%parallel_loop3A_262, %parallel_loop3A_263, %parallel_loop3A_264], %parallel_loop3A_260 {strides = array<i32>} : memref<2x128x128xf32, #tpu.memory_space<vmem>>, vector<16xf32>,
      %parallel_loop3A_266 = tpu.vector_load_idx %arg10[%parallel_loop3A_208, %add3A_55] : memref<186x128xf32, #tpu.memory_space<vmem>>[vector<16xi32>, vector<16xi32>], vector<16xf32>,
      %parallel_loop3A_267 = tpu.vector_load_idx %arg11[%parallel_loop3A_209, %add3A_55] : memref<468x128xf32, #tpu.memory_space<vmem>>[vector<16xi32>, vector<16xi32>], vector<16xf32>,
      %parallel_loop3A_268 = arith.addf %parallel_loop3A_266, %parallel_loop3A_267 : vector<16xf32>
      %parallel_loop3A_269 = arith.constant 0 : i32
      %parallel_loop3A_270 = arith.index_cast %parallel_loop3A_269 : i32 to index
      %parallel_loop3A_271 = arith.index_cast %parallel_loop3A_204 : i32 to index
      %parallel_loop3A_272 = arith.constant 112 : index
      %parallel_loop3A_273 = tpu.vector_load %arg21[%parallel_loop3A_270, %parallel_loop3A_271, %parallel_loop3A_272] {strides = array<i32>} : memref<2x128x128xf32, #tpu.memory_space<vmem>>, vector<16xf32>,
      tpu.vector_store %arg21[%parallel_loop3A_270, %parallel_loop3A_271, %parallel_loop3A_272], %parallel_loop3A_268 {strides = array<i32>} : memref<2x128x128xf32, #tpu.memory_space<vmem>>, vector<16xf32>,
    } {sc.loop_unroll_factor = 4 : i64, sc.parallel_access}
    %add3A_117 = arith.constant 256 : i32
    %add3A_118 = arith.addi %mul3A_2, %add3A_117 : i32
    %dma_start3A_119 = arith.constant 0 : i32
    %dma_start3A_120 = arith.constant 0 : i32
    %dma_start3A_121 = arith.constant 0 : i32
    %dma_start3A_122 = arith.constant 0 : i32
    %dma_start3A_123 = tpu.memref_slice %arg21[%dma_start3A_119, %dma_start3A_121, %dma_start3A_122] : memref<2x128x128xf32, #tpu.memory_space<vmem>> -> memref<1x128x128xf32, #tpu.memory_space<vmem>>
    %dma_start3A_124 = tpu.memref_squeeze %dma_start3A_123 : memref<1x128x128xf32, #tpu.memory_space<vmem>> -> memref<128x128xf32, #tpu.memory_space<vmem>>
    %dma_start3A_125 = arith.constant 0 : i32
    %dma_start3A_126 = tpu.memref_slice %arg9[%add3A_118, %dma_start3A_125] : memref<16384x128xf32, #tpu.memory_space<hbm>> -> memref<128x128xf32, #tpu.memory_space<hbm>>
    %dma_start3A_127 = tpu.memref_slice %arg24[%dma_start3A_120] : memref<2x!tpu.dma_semaphore, #tpu.memory_space<semaphore_mem>> -> memref<1x!tpu.dma_semaphore, #tpu.memory_space<semaphore_mem>>
    %dma_start3A_128 = tpu.memref_squeeze %dma_start3A_127 : memref<1x!tpu.dma_semaphore, #tpu.memory_space<semaphore_mem>> -> memref<!tpu.dma_semaphore, #tpu.memory_space<semaphore_mem>>
    %dma_start3A_129 = arith.constant 0 : i32
    %dma_start3A_130 = tpu.memref_slice %arg9[%add3A_118, %dma_start3A_129] : memref<16384x128xf32, #tpu.memory_space<hbm>> -> memref<128x128xf32, #tpu.memory_space<hbm>>
    %dma_start3A_131 = arith.constant 0 : i32
    %dma_start3A_132 = arith.constant 0 : i32
    %dma_start3A_133 = tpu.memref_slice %arg21[%dma_start3A_119, %dma_start3A_131, %dma_start3A_132] : memref<2x128x128xf32, #tpu.memory_space<vmem>> -> memref<1x128x128xf32, #tpu.memory_space<vmem>>
    %dma_start3A_134 = tpu.memref_squeeze %dma_start3A_133 : memref<1x128x128xf32, #tpu.memory_space<vmem>> -> memref<128x128xf32, #tpu.memory_space<vmem>>
    tpu.enqueue_dma source(%dma_start3A_134 : memref<128x128xf32, #tpu.memory_space<vmem>>) target(%dma_start3A_130 : memref<128x128xf32, #tpu.memory_space<hbm>>) target_semaphore(%dma_start3A_128 : memref<!tpu.dma_semaphore, #tpu.memory_space<semaphore_mem>>)
    %dma_wait3A_135 = arith.constant 1 : i32
    %dma_wait3A_136 = arith.constant 1 : i32
    %dma_wait3A_137 = arith.constant 0 : i32
    %dma_wait3A_138 = arith.constant 0 : i32
    %dma_wait3A_139 = tpu.memref_slice %arg21[%dma_wait3A_135, %dma_wait3A_137, %dma_wait3A_138] : memref<2x128x128xf32, #tpu.memory_space<vmem>> -> memref<1x128x128xf32, #tpu.memory_space<vmem>>
    %dma_wait3A_140 = tpu.memref_squeeze %dma_wait3A_139 : memref<1x128x128xf32, #tpu.memory_space<vmem>> -> memref<128x128xf32, #tpu.memory_space<vmem>>
    %dma_wait3A_141 = arith.constant 0 : i32
    %dma_wait3A_142 = tpu.memref_slice %arg9[%add3A_81, %dma_wait3A_141] : memref<16384x128xf32, #tpu.memory_space<hbm>> -> memref<128x128xf32, #tpu.memory_space<hbm>>
    %dma_wait3A_143 = tpu.memref_slice %arg24[%dma_wait3A_136] : memref<2x!tpu.dma_semaphore, #tpu.memory_space<semaphore_mem>> -> memref<1x!tpu.dma_semaphore, #tpu.memory_space<semaphore_mem>>
    %dma_wait3A_144 = tpu.memref_squeeze %dma_wait3A_143 : memref<1x!tpu.dma_semaphore, #tpu.memory_space<semaphore_mem>> -> memref<!tpu.dma_semaphore, #tpu.memory_space<semaphore_mem>>
    %dma_wait3A_145 = arith.constant 0 : i32
    %dma_wait3A_146 = tpu.memref_slice %arg9[%add3A_81, %dma_wait3A_145] : memref<16384x128xf32, #tpu.memory_space<hbm>> -> memref<128x128xf32, #tpu.memory_space<hbm>>
    %dma_wait3A_147 = arith.constant 0 : i32
    %dma_wait3A_148 = arith.constant 0 : i32
    %dma_wait3A_149 = tpu.memref_slice %arg21[%dma_wait3A_135, %dma_wait3A_147, %dma_wait3A_148] : memref<2x128x128xf32, #tpu.memory_space<vmem>> -> memref<1x128x128xf32, #tpu.memory_space<vmem>>
    %dma_wait3A_150 = tpu.memref_squeeze %dma_wait3A_149 : memref<1x128x128xf32, #tpu.memory_space<vmem>> -> memref<128x128xf32, #tpu.memory_space<vmem>>
    tpu.wait_dma2 semaphore(%dma_wait3A_144 : memref<!tpu.dma_semaphore, #tpu.memory_space<semaphore_mem>>) src(%dma_wait3A_150 : memref<128x128xf32, #tpu.memory_space<vmem>>) dst(%dma_wait3A_146 : memref<128x128xf32, #tpu.memory_space<hbm>>)
    %parallel_loop3A_151 = arith.constant 0 : i32
    %parallel_loop3A_152 = arith.constant 128 : i32
    %parallel_loop3A_153 = arith.constant 1 : i32
    scf.for %parallel_loop3A_204 = %parallel_loop3A_151 to %parallel_loop3A_152 step %parallel_loop3A_153  : i32 {
      %parallel_loop3A_205 = arith.constant 384 : i32
      %parallel_loop3A_206 = arith.addi %parallel_loop3A_205, %parallel_loop3A_204 : i32
      %parallel_loop3A_207 = vector.broadcast %parallel_loop3A_206 : i32 to vector<16xi32>
      %parallel_loop3A_208 = tpu.vector_load_idx %arg19[%parallel_loop3A_207] : memref<512xi32, #tpu.memory_space<vmem>>[vector<16xi32>], vector<16xi32>,
      %parallel_loop3A_209 = tpu.vector_load_idx %arg20[%parallel_loop3A_207] : memref<512xi32, #tpu.memory_space<vmem>>[vector<16xi32>], vector<16xi32>,
      %parallel_loop3A_210 = tpu.vector_load_idx %arg10[%parallel_loop3A_208, %add3A_27] : memref<186x128xf32, #tpu.memory_space<vmem>>[vector<16xi32>, vector<16xi32>], vector<16xf32>,
      %parallel_loop3A_211 = tpu.vector_load_idx %arg11[%parallel_loop3A_209, %add3A_27] : memref<468x128xf32, #tpu.memory_space<vmem>>[vector<16xi32>, vector<16xi32>], vector<16xf32>,
      %parallel_loop3A_212 = arith.addf %parallel_loop3A_210, %parallel_loop3A_211 : vector<16xf32>
      %parallel_loop3A_213 = arith.constant 1 : i32
      %parallel_loop3A_214 = arith.index_cast %parallel_loop3A_213 : i32 to index
      %parallel_loop3A_215 = arith.index_cast %parallel_loop3A_204 : i32 to index
      %parallel_loop3A_216 = arith.constant 0 : index
      %parallel_loop3A_217 = tpu.vector_load %arg21[%parallel_loop3A_214, %parallel_loop3A_215, %parallel_loop3A_216] {strides = array<i32>} : memref<2x128x128xf32, #tpu.memory_space<vmem>>, vector<16xf32>,
      tpu.vector_store %arg21[%parallel_loop3A_214, %parallel_loop3A_215, %parallel_loop3A_216], %parallel_loop3A_212 {strides = array<i32>} : memref<2x128x128xf32, #tpu.memory_space<vmem>>, vector<16xf32>,
      %parallel_loop3A_218 = tpu.vector_load_idx %arg10[%parallel_loop3A_208, %add3A_31] : memref<186x128xf32, #tpu.memory_space<vmem>>[vector<16xi32>, vector<16xi32>], vector<16xf32>,
      %parallel_loop3A_219 = tpu.vector_load_idx %arg11[%parallel_loop3A_209, %add3A_31] : memref<468x128xf32, #tpu.memory_space<vmem>>[vector<16xi32>, vector<16xi32>], vector<16xf32>,
      %parallel_loop3A_220 = arith.addf %parallel_loop3A_218, %parallel_loop3A_219 : vector<16xf32>
      %parallel_loop3A_221 = arith.constant 1 : i32
      %parallel_loop3A_222 = arith.index_cast %parallel_loop3A_221 : i32 to index
      %parallel_loop3A_223 = arith.index_cast %parallel_loop3A_204 : i32 to index
      %parallel_loop3A_224 = arith.constant 16 : index
      %parallel_loop3A_225 = tpu.vector_load %arg21[%parallel_loop3A_222, %parallel_loop3A_223, %parallel_loop3A_224] {strides = array<i32>} : memref<2x128x128xf32, #tpu.memory_space<vmem>>, vector<16xf32>,
      tpu.vector_store %arg21[%parallel_loop3A_222, %parallel_loop3A_223, %parallel_loop3A_224], %parallel_loop3A_220 {strides = array<i32>} : memref<2x128x128xf32, #tpu.memory_space<vmem>>, vector<16xf32>,
      %parallel_loop3A_226 = tpu.vector_load_idx %arg10[%parallel_loop3A_208, %add3A_35] : memref<186x128xf32, #tpu.memory_space<vmem>>[vector<16xi32>, vector<16xi32>], vector<16xf32>,
      %parallel_loop3A_227 = tpu.vector_load_idx %arg11[%parallel_loop3A_209, %add3A_35] : memref<468x128xf32, #tpu.memory_space<vmem>>[vector<16xi32>, vector<16xi32>], vector<16xf32>,
      %parallel_loop3A_228 = arith.addf %parallel_loop3A_226, %parallel_loop3A_227 : vector<16xf32>
      %parallel_loop3A_229 = arith.constant 1 : i32
      %parallel_loop3A_230 = arith.index_cast %parallel_loop3A_229 : i32 to index
      %parallel_loop3A_231 = arith.index_cast %parallel_loop3A_204 : i32 to index
      %parallel_loop3A_232 = arith.constant 32 : index
      %parallel_loop3A_233 = tpu.vector_load %arg21[%parallel_loop3A_230, %parallel_loop3A_231, %parallel_loop3A_232] {strides = array<i32>} : memref<2x128x128xf32, #tpu.memory_space<vmem>>, vector<16xf32>,
      tpu.vector_store %arg21[%parallel_loop3A_230, %parallel_loop3A_231, %parallel_loop3A_232], %parallel_loop3A_228 {strides = array<i32>} : memref<2x128x128xf32, #tpu.memory_space<vmem>>, vector<16xf32>,
      %parallel_loop3A_234 = tpu.vector_load_idx %arg10[%parallel_loop3A_208, %add3A_39] : memref<186x128xf32, #tpu.memory_space<vmem>>[vector<16xi32>, vector<16xi32>], vector<16xf32>,
      %parallel_loop3A_235 = tpu.vector_load_idx %arg11[%parallel_loop3A_209, %add3A_39] : memref<468x128xf32, #tpu.memory_space<vmem>>[vector<16xi32>, vector<16xi32>], vector<16xf32>,
      %parallel_loop3A_236 = arith.addf %parallel_loop3A_234, %parallel_loop3A_235 : vector<16xf32>
      %parallel_loop3A_237 = arith.constant 1 : i32
      %parallel_loop3A_238 = arith.index_cast %parallel_loop3A_237 : i32 to index
      %parallel_loop3A_239 = arith.index_cast %parallel_loop3A_204 : i32 to index
      %parallel_loop3A_240 = arith.constant 48 : index
      %parallel_loop3A_241 = tpu.vector_load %arg21[%parallel_loop3A_238, %parallel_loop3A_239, %parallel_loop3A_240] {strides = array<i32>} : memref<2x128x128xf32, #tpu.memory_space<vmem>>, vector<16xf32>,
      tpu.vector_store %arg21[%parallel_loop3A_238, %parallel_loop3A_239, %parallel_loop3A_240], %parallel_loop3A_236 {strides = array<i32>} : memref<2x128x128xf32, #tpu.memory_space<vmem>>, vector<16xf32>,
      %parallel_loop3A_242 = tpu.vector_load_idx %arg10[%parallel_loop3A_208, %add3A_43] : memref<186x128xf32, #tpu.memory_space<vmem>>[vector<16xi32>, vector<16xi32>], vector<16xf32>,
      %parallel_loop3A_243 = tpu.vector_load_idx %arg11[%parallel_loop3A_209, %add3A_43] : memref<468x128xf32, #tpu.memory_space<vmem>>[vector<16xi32>, vector<16xi32>], vector<16xf32>,
      %parallel_loop3A_244 = arith.addf %parallel_loop3A_242, %parallel_loop3A_243 : vector<16xf32>
      %parallel_loop3A_245 = arith.constant 1 : i32
      %parallel_loop3A_246 = arith.index_cast %parallel_loop3A_245 : i32 to index
      %parallel_loop3A_247 = arith.index_cast %parallel_loop3A_204 : i32 to index
      %parallel_loop3A_248 = arith.constant 64 : index
      %parallel_loop3A_249 = tpu.vector_load %arg21[%parallel_loop3A_246, %parallel_loop3A_247, %parallel_loop3A_248] {strides = array<i32>} : memref<2x128x128xf32, #tpu.memory_space<vmem>>, vector<16xf32>,
      tpu.vector_store %arg21[%parallel_loop3A_246, %parallel_loop3A_247, %parallel_loop3A_248], %parallel_loop3A_244 {strides = array<i32>} : memref<2x128x128xf32, #tpu.memory_space<vmem>>, vector<16xf32>,
      %parallel_loop3A_250 = tpu.vector_load_idx %arg10[%parallel_loop3A_208, %add3A_47] : memref<186x128xf32, #tpu.memory_space<vmem>>[vector<16xi32>, vector<16xi32>], vector<16xf32>,
      %parallel_loop3A_251 = tpu.vector_load_idx %arg11[%parallel_loop3A_209, %add3A_47] : memref<468x128xf32, #tpu.memory_space<vmem>>[vector<16xi32>, vector<16xi32>], vector<16xf32>,
      %parallel_loop3A_252 = arith.addf %parallel_loop3A_250, %parallel_loop3A_251 : vector<16xf32>
      %parallel_loop3A_253 = arith.constant 1 : i32
      %parallel_loop3A_254 = arith.index_cast %parallel_loop3A_253 : i32 to index
      %parallel_loop3A_255 = arith.index_cast %parallel_loop3A_204 : i32 to index
      %parallel_loop3A_256 = arith.constant 80 : index
      %parallel_loop3A_257 = tpu.vector_load %arg21[%parallel_loop3A_254, %parallel_loop3A_255, %parallel_loop3A_256] {strides = array<i32>} : memref<2x128x128xf32, #tpu.memory_space<vmem>>, vector<16xf32>,
      tpu.vector_store %arg21[%parallel_loop3A_254, %parallel_loop3A_255, %parallel_loop3A_256], %parallel_loop3A_252 {strides = array<i32>} : memref<2x128x128xf32, #tpu.memory_space<vmem>>, vector<16xf32>,
      %parallel_loop3A_258 = tpu.vector_load_idx %arg10[%parallel_loop3A_208, %add3A_51] : memref<186x128xf32, #tpu.memory_space<vmem>>[vector<16xi32>, vector<16xi32>], vector<16xf32>,
      %parallel_loop3A_259 = tpu.vector_load_idx %arg11[%parallel_loop3A_209, %add3A_51] : memref<468x128xf32, #tpu.memory_space<vmem>>[vector<16xi32>, vector<16xi32>], vector<16xf32>,
      %parallel_loop3A_260 = arith.addf %parallel_loop3A_258, %parallel_loop3A_259 : vector<16xf32>
      %parallel_loop3A_261 = arith.constant 1 : i32
      %parallel_loop3A_262 = arith.index_cast %parallel_loop3A_261 : i32 to index
      %parallel_loop3A_263 = arith.index_cast %parallel_loop3A_204 : i32 to index
      %parallel_loop3A_264 = arith.constant 96 : index
      %parallel_loop3A_265 = tpu.vector_load %arg21[%parallel_loop3A_262, %parallel_loop3A_263, %parallel_loop3A_264] {strides = array<i32>} : memref<2x128x128xf32, #tpu.memory_space<vmem>>, vector<16xf32>,
      tpu.vector_store %arg21[%parallel_loop3A_262, %parallel_loop3A_263, %parallel_loop3A_264], %parallel_loop3A_260 {strides = array<i32>} : memref<2x128x128xf32, #tpu.memory_space<vmem>>, vector<16xf32>,
      %parallel_loop3A_266 = tpu.vector_load_idx %arg10[%parallel_loop3A_208, %add3A_55] : memref<186x128xf32, #tpu.memory_space<vmem>>[vector<16xi32>, vector<16xi32>], vector<16xf32>,
      %parallel_loop3A_267 = tpu.vector_load_idx %arg11[%parallel_loop3A_209, %add3A_55] : memref<468x128xf32, #tpu.memory_space<vmem>>[vector<16xi32>, vector<16xi32>], vector<16xf32>,
      %parallel_loop3A_268 = arith.addf %parallel_loop3A_266, %parallel_loop3A_267 : vector<16xf32>
      %parallel_loop3A_269 = arith.constant 1 : i32
      %parallel_loop3A_270 = arith.index_cast %parallel_loop3A_269 : i32 to index
      %parallel_loop3A_271 = arith.index_cast %parallel_loop3A_204 : i32 to index
      %parallel_loop3A_272 = arith.constant 112 : index
      %parallel_loop3A_273 = tpu.vector_load %arg21[%parallel_loop3A_270, %parallel_loop3A_271, %parallel_loop3A_272] {strides = array<i32>} : memref<2x128x128xf32, #tpu.memory_space<vmem>>, vector<16xf32>,
      tpu.vector_store %arg21[%parallel_loop3A_270, %parallel_loop3A_271, %parallel_loop3A_272], %parallel_loop3A_268 {strides = array<i32>} : memref<2x128x128xf32, #tpu.memory_space<vmem>>, vector<16xf32>,
    } {sc.loop_unroll_factor = 4 : i64, sc.parallel_access}
    %add3A_154 = arith.constant 384 : i32
    %add3A_155 = arith.addi %mul3A_2, %add3A_154 : i32
    %dma_start3A_156 = arith.constant 1 : i32
    %dma_start3A_157 = arith.constant 1 : i32
    %dma_start3A_158 = arith.constant 0 : i32
    %dma_start3A_159 = arith.constant 0 : i32
    %dma_start3A_160 = tpu.memref_slice %arg21[%dma_start3A_156, %dma_start3A_158, %dma_start3A_159] : memref<2x128x128xf32, #tpu.memory_space<vmem>> -> memref<1x128x128xf32, #tpu.memory_space<vmem>>
    %dma_start3A_161 = tpu.memref_squeeze %dma_start3A_160 : memref<1x128x128xf32, #tpu.memory_space<vmem>> -> memref<128x128xf32, #tpu.memory_space<vmem>>
    %dma_start3A_162 = arith.constant 0 : i32
    %dma_start3A_163 = tpu.memref_slice %arg9[%add3A_155, %dma_start3A_162] : memref<16384x128xf32, #tpu.memory_space<hbm>> -> memref<128x128xf32, #tpu.memory_space<hbm>>
    %dma_start3A_164 = tpu.memref_slice %arg24[%dma_start3A_157] : memref<2x!tpu.dma_semaphore, #tpu.memory_space<semaphore_mem>> -> memref<1x!tpu.dma_semaphore, #tpu.memory_space<semaphore_mem>>
    %dma_start3A_165 = tpu.memref_squeeze %dma_start3A_164 : memref<1x!tpu.dma_semaphore, #tpu.memory_space<semaphore_mem>> -> memref<!tpu.dma_semaphore, #tpu.memory_space<semaphore_mem>>
    %dma_start3A_166 = arith.constant 0 : i32
    %dma_start3A_167 = tpu.memref_slice %arg9[%add3A_155, %dma_start3A_166] : memref<16384x128xf32, #tpu.memory_space<hbm>> -> memref<128x128xf32, #tpu.memory_space<hbm>>
    %dma_start3A_168 = arith.constant 0 : i32
    %dma_start3A_169 = arith.constant 0 : i32
    %dma_start3A_170 = tpu.memref_slice %arg21[%dma_start3A_156, %dma_start3A_168, %dma_start3A_169] : memref<2x128x128xf32, #tpu.memory_space<vmem>> -> memref<1x128x128xf32, #tpu.memory_space<vmem>>
    %dma_start3A_171 = tpu.memref_squeeze %dma_start3A_170 : memref<1x128x128xf32, #tpu.memory_space<vmem>> -> memref<128x128xf32, #tpu.memory_space<vmem>>
    tpu.enqueue_dma source(%dma_start3A_171 : memref<128x128xf32, #tpu.memory_space<vmem>>) target(%dma_start3A_167 : memref<128x128xf32, #tpu.memory_space<hbm>>) target_semaphore(%dma_start3A_165 : memref<!tpu.dma_semaphore, #tpu.memory_space<semaphore_mem>>)
    %dma_wait3A_172 = arith.constant 0 : i32
    %dma_wait3A_173 = arith.constant 0 : i32
    %dma_wait3A_174 = arith.constant 0 : i32
    %dma_wait3A_175 = arith.constant 0 : i32
    %dma_wait3A_176 = tpu.memref_slice %arg21[%dma_wait3A_172, %dma_wait3A_174, %dma_wait3A_175] : memref<2x128x128xf32, #tpu.memory_space<vmem>> -> memref<1x128x128xf32, #tpu.memory_space<vmem>>
    %dma_wait3A_177 = tpu.memref_squeeze %dma_wait3A_176 : memref<1x128x128xf32, #tpu.memory_space<vmem>> -> memref<128x128xf32, #tpu.memory_space<vmem>>
    %dma_wait3A_178 = arith.constant 0 : i32
    %dma_wait3A_179 = tpu.memref_slice %arg9[%add3A_118, %dma_wait3A_178] : memref<16384x128xf32, #tpu.memory_space<hbm>> -> memref<128x128xf32, #tpu.memory_space<hbm>>
    %dma_wait3A_180 = tpu.memref_slice %arg24[%dma_wait3A_173] : memref<2x!tpu.dma_semaphore, #tpu.memory_space<semaphore_mem>> -> memref<1x!tpu.dma_semaphore, #tpu.memory_space<semaphore_mem>>
    %dma_wait3A_181 = tpu.memref_squeeze %dma_wait3A_180 : memref<1x!tpu.dma_semaphore, #tpu.memory_space<semaphore_mem>> -> memref<!tpu.dma_semaphore, #tpu.memory_space<semaphore_mem>>
    %dma_wait3A_182 = arith.constant 0 : i32
    %dma_wait3A_183 = tpu.memref_slice %arg9[%add3A_118, %dma_wait3A_182] : memref<16384x128xf32, #tpu.memory_space<hbm>> -> memref<128x128xf32, #tpu.memory_space<hbm>>
    %dma_wait3A_184 = arith.constant 0 : i32
    %dma_wait3A_185 = arith.constant 0 : i32
    %dma_wait3A_186 = tpu.memref_slice %arg21[%dma_wait3A_172, %dma_wait3A_184, %dma_wait3A_185] : memref<2x128x128xf32, #tpu.memory_space<vmem>> -> memref<1x128x128xf32, #tpu.memory_space<vmem>>
    %dma_wait3A_187 = tpu.memref_squeeze %dma_wait3A_186 : memref<1x128x128xf32, #tpu.memory_space<vmem>> -> memref<128x128xf32, #tpu.memory_space<vmem>>
    tpu.wait_dma2 semaphore(%dma_wait3A_181 : memref<!tpu.dma_semaphore, #tpu.memory_space<semaphore_mem>>) src(%dma_wait3A_187 : memref<128x128xf32, #tpu.memory_space<vmem>>) dst(%dma_wait3A_183 : memref<128x128xf32, #tpu.memory_space<hbm>>)
    %dma_wait3A_188 = arith.constant 1 : i32
    %dma_wait3A_189 = arith.constant 1 : i32
    %dma_wait3A_190 = arith.constant 0 : i32
    %dma_wait3A_191 = arith.constant 0 : i32
    %dma_wait3A_192 = tpu.memref_slice %arg21[%dma_wait3A_188, %dma_wait3A_190, %dma_wait3A_191] : memref<2x128x128xf32, #tpu.memory_space<vmem>> -> memref<1x128x128xf32, #tpu.memory_space<vmem>>
    %dma_wait3A_193 = tpu.memref_squeeze %dma_wait3A_192 : memref<1x128x128xf32, #tpu.memory_space<vmem>> -> memref<128x128xf32, #tpu.memory_space<vmem>>
    %dma_wait3A_194 = arith.constant 0 : i32
    %dma_wait3A_195 = tpu.memref_slice %arg9[%add3A_155, %dma_wait3A_194] : memref<16384x128xf32, #tpu.memory_space<hbm>> -> memref<128x128xf32, #tpu.memory_space<hbm>>
    %dma_wait3A_196 = tpu.memref_slice %arg24[%dma_wait3A_189] : memref<2x!tpu.dma_semaphore, #tpu.memory_space<semaphore_mem>> -> memref<1x!tpu.dma_semaphore, #tpu.memory_space<semaphore_mem>>
    %dma_wait3A_197 = tpu.memref_squeeze %dma_wait3A_196 : memref<1x!tpu.dma_semaphore, #tpu.memory_space<semaphore_mem>> -> memref<!tpu.dma_semaphore, #tpu.memory_space<semaphore_mem>>
    %dma_wait3A_198 = arith.constant 0 : i32
    %dma_wait3A_199 = tpu.memref_slice %arg9[%add3A_155, %dma_wait3A_198] : memref<16384x128xf32, #tpu.memory_space<hbm>> -> memref<128x128xf32, #tpu.memory_space<hbm>>
    %dma_wait3A_200 = arith.constant 0 : i32
    %dma_wait3A_201 = arith.constant 0 : i32
    %dma_wait3A_202 = tpu.memref_slice %arg21[%dma_wait3A_188, %dma_wait3A_200, %dma_wait3A_201] : memref<2x128x128xf32, #tpu.memory_space<vmem>> -> memref<1x128x128xf32, #tpu.memory_space<vmem>>
    %dma_wait3A_203 = tpu.memref_squeeze %dma_wait3A_202 : memref<1x128x128xf32, #tpu.memory_space<vmem>> -> memref<128x128xf32, #tpu.memory_space<vmem>>
    tpu.wait_dma2 semaphore(%dma_wait3A_197 : memref<!tpu.dma_semaphore, #tpu.memory_space<semaphore_mem>>) src(%dma_wait3A_203 : memref<128x128xf32, #tpu.memory_space<vmem>>) dst(%dma_wait3A_199 : memref<128x128xf32, #tpu.memory_space<hbm>>)
    return
  }
}

module attributes {stable_mosaic.version = 14 : i64} {
  func.func @_tables_body(%arg0: memref<3x8xf32, #tpu.memory_space<vmem>>, %arg1: memref<6x8xf32, #tpu.memory_space<vmem>>, %arg2: memref<6x8xf32, #tpu.memory_space<vmem>>, %arg3: memref<31x8xf32, #tpu.memory_space<vmem>>, %arg4: memref<26x8xf32, #tpu.memory_space<vmem>>, %arg5: memref<41x128xf32, #tpu.memory_space<vmem>>, %arg6: memref<1x128xf32, #tpu.memory_space<vmem>>, %arg7: memref<186x128xf32, #tpu.memory_space<vmem>>, %arg8: memref<468x128xf32, #tpu.memory_space<vmem>>) attributes {dimension_semantics = [], scalar_prefetch = 0 : i64, scratch_operands = 0 : i64, tpu.core_type = #tpu.core_type<tc>} {
    %get3A = arith.constant 0 : index
    %get3A_0 = arith.constant 0 : index
    %get3A_1 = vector.load %arg0[%get3A, %get3A_0] : memref<3x8xf32, #tpu.memory_space<vmem>>, vector<3x8xf32>
    %get3A_2 = arith.constant 0 : index
    %get3A_3 = arith.constant 0 : index
    %get3A_4 = vector.load %arg5[%get3A_2, %get3A_3] : memref<41x128xf32, #tpu.memory_space<vmem>>, vector<8x128xf32>
    %dot_general3A = arith.constant dense<0.000000e+00> : vector<3x128xf32>
    %dot_general3A_5 = tpu.matmul %get3A_1, %get3A_4, %dot_general3A {dimension_numbers = #tpu.dot_dimension_numbers<[1], [0], [0], [1], [0, 0, 1, 1], [], []>, transpose_lhs_hint = false} : vector<3x8xf32>, vector<8x128xf32>, vector<3x128xf32> -> vector<3x128xf32>
    %get3A_6 = arith.constant 0 : index
    %get3A_7 = arith.constant 0 : index
    %get3A_8 = vector.load %arg1[%get3A_6, %get3A_7] : memref<6x8xf32, #tpu.memory_space<vmem>>, vector<6x8xf32>
    %get3A_9 = arith.constant 8 : index
    %get3A_10 = arith.constant 0 : index
    %get3A_11 = vector.load %arg5[%get3A_9, %get3A_10] : memref<41x128xf32, #tpu.memory_space<vmem>>, vector<8x128xf32>
    %dot_general3A_12 = arith.constant dense<0.000000e+00> : vector<6x128xf32>
    %dot_general3A_13 = tpu.matmul %get3A_8, %get3A_11, %dot_general3A_12 {dimension_numbers = #tpu.dot_dimension_numbers<[1], [0], [0], [1], [0, 0, 1, 1], [], []>, transpose_lhs_hint = false} : vector<6x8xf32>, vector<8x128xf32>, vector<6x128xf32> -> vector<6x128xf32>
    %get3A_14 = arith.constant 0 : index
    %get3A_15 = arith.constant 0 : index
    %get3A_16 = vector.load %arg2[%get3A_14, %get3A_15] : memref<6x8xf32, #tpu.memory_space<vmem>>, vector<6x8xf32>
    %get3A_17 = arith.constant 16 : index
    %get3A_18 = arith.constant 0 : index
    %get3A_19 = vector.load %arg5[%get3A_17, %get3A_18] : memref<41x128xf32, #tpu.memory_space<vmem>>, vector<8x128xf32>
    %dot_general3A_20 = arith.constant dense<0.000000e+00> : vector<6x128xf32>
    %dot_general3A_21 = tpu.matmul %get3A_16, %get3A_19, %dot_general3A_20 {dimension_numbers = #tpu.dot_dimension_numbers<[1], [0], [0], [1], [0, 0, 1, 1], [], []>, transpose_lhs_hint = false} : vector<6x8xf32>, vector<8x128xf32>, vector<6x128xf32> -> vector<6x128xf32>
    %get3A_22 = arith.constant 0 : index
    %get3A_23 = arith.constant 0 : index
    %get3A_24 = vector.load %arg3[%get3A_22, %get3A_23] : memref<31x8xf32, #tpu.memory_space<vmem>>, vector<31x8xf32>
    %get3A_25 = arith.constant 24 : index
    %get3A_26 = arith.constant 0 : index
    %get3A_27 = vector.load %arg5[%get3A_25, %get3A_26] : memref<41x128xf32, #tpu.memory_space<vmem>>, vector<8x128xf32>
    %dot_general3A_28 = arith.constant dense<0.000000e+00> : vector<31x128xf32>
    %dot_general3A_29 = tpu.matmul %get3A_24, %get3A_27, %dot_general3A_28 {dimension_numbers = #tpu.dot_dimension_numbers<[1], [0], [0], [1], [0, 0, 1, 1], [], []>, transpose_lhs_hint = false} : vector<31x8xf32>, vector<8x128xf32>, vector<31x128xf32> -> vector<31x128xf32>
    %get3A_30 = arith.constant 0 : index
    %get3A_31 = arith.constant 0 : index
    %get3A_32 = vector.load %arg4[%get3A_30, %get3A_31] : memref<26x8xf32, #tpu.memory_space<vmem>>, vector<26x8xf32>
    %get3A_33 = arith.constant 32 : index
    %get3A_34 = arith.constant 0 : index
    %get3A_35 = vector.load %arg5[%get3A_33, %get3A_34] : memref<41x128xf32, #tpu.memory_space<vmem>>, vector<8x128xf32>
    %dot_general3A_36 = arith.constant dense<0.000000e+00> : vector<26x128xf32>
    %dot_general3A_37 = tpu.matmul %get3A_32, %get3A_35, %dot_general3A_36 {dimension_numbers = #tpu.dot_dimension_numbers<[1], [0], [0], [1], [0, 0, 1, 1], [], []>, transpose_lhs_hint = false} : vector<26x8xf32>, vector<8x128xf32>, vector<26x128xf32> -> vector<26x128xf32>
    %iota3A = tpu.iota {dimensions = array<i32: 0>} : vector<186x1xi32>
    %jit3A = arith.constant 6 : i32
    %div3A = vector.broadcast %jit3A : i32 to vector<186x1xi32>
    %div3A_38 = arith.divsi %iota3A, %div3A : vector<186x1xi32>
    %sign3A = arith.constant 0 : i32
    %sign3A_39 = vector.broadcast %sign3A : i32 to vector<186x1xi32>
    %sign3A_40 = arith.cmpi sgt, %iota3A, %sign3A_39 : vector<186x1xi32>
    %sign3A_41 = arith.extui %sign3A_40 : vector<186x1xi1> to vector<186x1xi32>
    %sign3A_42 = arith.constant 0 : i32
    %sign3A_43 = vector.broadcast %sign3A_42 : i32 to vector<186x1xi32>
    %sign3A_44 = arith.cmpi slt, %iota3A, %sign3A_43 : vector<186x1xi32>
    %sign3A_45 = arith.extui %sign3A_44 : vector<186x1xi1> to vector<186x1xi32>
    %sign3A_46 = arith.subi %sign3A_41, %sign3A_45 : vector<186x1xi32>
    %sign3A_47 = arith.constant 0 : i32
    %sign3A_48 = arith.cmpi sgt, %jit3A, %sign3A_47 : i32
    %sign3A_49 = arith.extui %sign3A_48 : i1 to i32
    %sign3A_50 = arith.constant 0 : i32
    %sign3A_51 = arith.cmpi slt, %jit3A, %sign3A_50 : i32
    %sign3A_52 = arith.extui %sign3A_51 : i1 to i32
    %sign3A_53 = arith.subi %sign3A_49, %sign3A_52 : i32
    %ne3A = vector.broadcast %sign3A_53 : i32 to vector<186x1xi32>
    %ne3A_54 = arith.cmpi ne, %sign3A_46, %ne3A : vector<186x1xi32>
    %rem3A = vector.broadcast %jit3A : i32 to vector<186x1xi32>
    %rem3A_55 = arith.remsi %iota3A, %rem3A : vector<186x1xi32>
    %ne3A_56 = arith.constant 0 : i32
    %ne3A_57 = vector.broadcast %ne3A_56 : i32 to vector<186x1xi32>
    %ne3A_58 = arith.cmpi ne, %rem3A_55, %ne3A_57 : vector<186x1xi32>
    %and3A = arith.andi %ne3A_54, %ne3A_58 : vector<186x1xi1>
    %sub3A = arith.constant 1 : i32
    %sub3A_59 = vector.broadcast %sub3A : i32 to vector<186x1xi32>
    %sub3A_60 = arith.subi %div3A_38, %sub3A_59 : vector<186x1xi32>
    %select_n3A = arith.select %and3A, %sub3A_60, %div3A_38 : vector<186x1xi1>, vector<186x1xi32>
    %iota3A_61 = tpu.iota {dimensions = array<i32: 1>} : vector<186x31xi32>
    %eq3A = vector.broadcast %select_n3A : vector<186x1xi32> to vector<186x31xi32>
    %eq3A_62 = arith.cmpi eq, %eq3A, %iota3A_61 : vector<186x31xi32>
    %convert_element_type3A = arith.extui %eq3A_62 : vector<186x31xi1> to vector<186x31xi32>
    %convert_element_type3A_63 = arith.sitofp %convert_element_type3A : vector<186x31xi32> to vector<186x31xf32>
    %jit3A_64 = arith.constant 6 : i32
    %eq3A_65 = arith.constant 0 : i32
    %eq3A_66 = arith.cmpi eq, %jit3A_64, %eq3A_65 : i32
    %jit3A_67 = arith.constant 1 : i32
    %select_n3A_68 = arith.select %eq3A_66, %jit3A_67, %jit3A_64 : i32
    %rem3A_69 = vector.broadcast %select_n3A_68 : i32 to vector<186x1xi32>
    %rem3A_70 = arith.remsi %iota3A, %rem3A_69 : vector<186x1xi32>
    %ne3A_71 = arith.constant 0 : i32
    %ne3A_72 = vector.broadcast %ne3A_71 : i32 to vector<186x1xi32>
    %ne3A_73 = arith.cmpi ne, %rem3A_70, %ne3A_72 : vector<186x1xi32>
    %lt3A = arith.constant 0 : i32
    %lt3A_74 = vector.broadcast %lt3A : i32 to vector<186x1xi32>
    %lt3A_75 = arith.cmpi slt, %rem3A_70, %lt3A_74 : vector<186x1xi32>
    %lt3A_76 = arith.constant 0 : i32
    %lt3A_77 = arith.cmpi slt, %select_n3A_68, %lt3A_76 : i32
    %ne3A_78 = vector.broadcast %lt3A_77 : i1 to vector<186x1xi1>
    %ne3A_79 = vector.broadcast %ne3A_78 : vector<186x1xi1> to vector<186x1xi1>
    %ne3A_80 = arith.xori %lt3A_75, %ne3A_79 : vector<186x1xi1>
    %and3A_81 = arith.andi %ne3A_80, %ne3A_73 : vector<186x1xi1>
    %add3A = vector.broadcast %select_n3A_68 : i32 to vector<186x1xi32>
    %add3A_82 = arith.addi %rem3A_70, %add3A : vector<186x1xi32>
    %select_n3A_83 = arith.select %and3A_81, %add3A_82, %rem3A_70 : vector<186x1xi1>, vector<186x1xi32>
    %iota3A_84 = tpu.iota {dimensions = array<i32: 1>} : vector<186x6xi32>
    %eq3A_85 = vector.broadcast %select_n3A_83 : vector<186x1xi32> to vector<186x6xi32>
    %eq3A_86 = arith.cmpi eq, %eq3A_85, %iota3A_84 : vector<186x6xi32>
    %convert_element_type3A_87 = arith.extui %eq3A_86 : vector<186x6xi1> to vector<186x6xi32>
    %convert_element_type3A_88 = arith.sitofp %convert_element_type3A_87 : vector<186x6xi32> to vector<186x6xf32>
    %dot_general3A_89 = arith.constant dense<0.000000e+00> : vector<186x128xf32>
    %dot_general3A_90 = tpu.matmul %convert_element_type3A_63, %dot_general3A_29, %dot_general3A_89 {dimension_numbers = #tpu.dot_dimension_numbers<[1], [0], [0], [1], [0, 0, 1, 1], [], []>, transpose_lhs_hint = false} : vector<186x31xf32>, vector<31x128xf32>, vector<186x128xf32> -> vector<186x128xf32>
    %dot_general3A_91 = arith.constant dense<0.000000e+00> : vector<186x128xf32>
    %dot_general3A_92 = tpu.matmul %convert_element_type3A_88, %dot_general3A_21, %dot_general3A_91 {dimension_numbers = #tpu.dot_dimension_numbers<[1], [0], [0], [1], [0, 0, 1, 1], [], []>, transpose_lhs_hint = false} : vector<186x6xf32>, vector<6x128xf32>, vector<186x128xf32> -> vector<186x128xf32>
    %add3A_93 = arith.addf %dot_general3A_90, %dot_general3A_92 : vector<186x128xf32>
    %get3A_94 = arith.constant 0 : index
    %get3A_95 = arith.constant 0 : index
    %get3A_96 = vector.load %arg6[%get3A_94, %get3A_95] : memref<1x128xf32, #tpu.memory_space<vmem>>, vector<1x128xf32>
    %add3A_97 = vector.broadcast %get3A_96 : vector<1x128xf32> to vector<186x128xf32>
    %add3A_98 = arith.addf %add3A_93, %add3A_97 : vector<186x128xf32>
    %swap3A = arith.constant 0 : index
    %swap3A_99 = arith.constant 0 : index
    %swap3A_100 = vector.load %arg7[%swap3A, %swap3A_99] : memref<186x128xf32, #tpu.memory_space<vmem>>, vector<186x128xf32>
    tpu.vector_store %arg7[%swap3A, %swap3A_99], %add3A_98 {strides = array<i32>} : memref<186x128xf32, #tpu.memory_space<vmem>>, vector<186x128xf32>,
    %iota3A_101 = tpu.iota {dimensions = array<i32: 0>} : vector<468x1xi32>
    %jit3A_102 = arith.constant 18 : i32
    %div3A_103 = vector.broadcast %jit3A_102 : i32 to vector<468x1xi32>
    %div3A_104 = arith.divsi %iota3A_101, %div3A_103 : vector<468x1xi32>
    %sign3A_105 = arith.constant 0 : i32
    %sign3A_106 = vector.broadcast %sign3A_105 : i32 to vector<468x1xi32>
    %sign3A_107 = arith.cmpi sgt, %iota3A_101, %sign3A_106 : vector<468x1xi32>
    %sign3A_108 = arith.extui %sign3A_107 : vector<468x1xi1> to vector<468x1xi32>
    %sign3A_109 = arith.constant 0 : i32
    %sign3A_110 = vector.broadcast %sign3A_109 : i32 to vector<468x1xi32>
    %sign3A_111 = arith.cmpi slt, %iota3A_101, %sign3A_110 : vector<468x1xi32>
    %sign3A_112 = arith.extui %sign3A_111 : vector<468x1xi1> to vector<468x1xi32>
    %sign3A_113 = arith.subi %sign3A_108, %sign3A_112 : vector<468x1xi32>
    %sign3A_114 = arith.constant 0 : i32
    %sign3A_115 = arith.cmpi sgt, %jit3A_102, %sign3A_114 : i32
    %sign3A_116 = arith.extui %sign3A_115 : i1 to i32
    %sign3A_117 = arith.constant 0 : i32
    %sign3A_118 = arith.cmpi slt, %jit3A_102, %sign3A_117 : i32
    %sign3A_119 = arith.extui %sign3A_118 : i1 to i32
    %sign3A_120 = arith.subi %sign3A_116, %sign3A_119 : i32
    %ne3A_121 = vector.broadcast %sign3A_120 : i32 to vector<468x1xi32>
    %ne3A_122 = arith.cmpi ne, %sign3A_113, %ne3A_121 : vector<468x1xi32>
    %rem3A_123 = vector.broadcast %jit3A_102 : i32 to vector<468x1xi32>
    %rem3A_124 = arith.remsi %iota3A_101, %rem3A_123 : vector<468x1xi32>
    %ne3A_125 = arith.constant 0 : i32
    %ne3A_126 = vector.broadcast %ne3A_125 : i32 to vector<468x1xi32>
    %ne3A_127 = arith.cmpi ne, %rem3A_124, %ne3A_126 : vector<468x1xi32>
    %and3A_128 = arith.andi %ne3A_122, %ne3A_127 : vector<468x1xi1>
    %sub3A_129 = arith.constant 1 : i32
    %sub3A_130 = vector.broadcast %sub3A_129 : i32 to vector<468x1xi32>
    %sub3A_131 = arith.subi %div3A_104, %sub3A_130 : vector<468x1xi32>
    %select_n3A_132 = arith.select %and3A_128, %sub3A_131, %div3A_104 : vector<468x1xi1>, vector<468x1xi32>
    %iota3A_133 = tpu.iota {dimensions = array<i32: 1>} : vector<468x26xi32>
    %eq3A_134 = vector.broadcast %select_n3A_132 : vector<468x1xi32> to vector<468x26xi32>
    %eq3A_135 = arith.cmpi eq, %eq3A_134, %iota3A_133 : vector<468x26xi32>
    %convert_element_type3A_136 = arith.extui %eq3A_135 : vector<468x26xi1> to vector<468x26xi32>
    %convert_element_type3A_137 = arith.sitofp %convert_element_type3A_136 : vector<468x26xi32> to vector<468x26xf32>
    %jit3A_138 = arith.constant 3 : i32
    %div3A_139 = vector.broadcast %jit3A_138 : i32 to vector<468x1xi32>
    %div3A_140 = arith.divsi %iota3A_101, %div3A_139 : vector<468x1xi32>
    %sign3A_141 = arith.constant 0 : i32
    %sign3A_142 = vector.broadcast %sign3A_141 : i32 to vector<468x1xi32>
    %sign3A_143 = arith.cmpi sgt, %iota3A_101, %sign3A_142 : vector<468x1xi32>
    %sign3A_144 = arith.extui %sign3A_143 : vector<468x1xi1> to vector<468x1xi32>
    %sign3A_145 = arith.constant 0 : i32
    %sign3A_146 = vector.broadcast %sign3A_145 : i32 to vector<468x1xi32>
    %sign3A_147 = arith.cmpi slt, %iota3A_101, %sign3A_146 : vector<468x1xi32>
    %sign3A_148 = arith.extui %sign3A_147 : vector<468x1xi1> to vector<468x1xi32>
    %sign3A_149 = arith.subi %sign3A_144, %sign3A_148 : vector<468x1xi32>
    %sign3A_150 = arith.constant 0 : i32
    %sign3A_151 = arith.cmpi sgt, %jit3A_138, %sign3A_150 : i32
    %sign3A_152 = arith.extui %sign3A_151 : i1 to i32
    %sign3A_153 = arith.constant 0 : i32
    %sign3A_154 = arith.cmpi slt, %jit3A_138, %sign3A_153 : i32
    %sign3A_155 = arith.extui %sign3A_154 : i1 to i32
    %sign3A_156 = arith.subi %sign3A_152, %sign3A_155 : i32
    %ne3A_157 = vector.broadcast %sign3A_156 : i32 to vector<468x1xi32>
    %ne3A_158 = arith.cmpi ne, %sign3A_149, %ne3A_157 : vector<468x1xi32>
    %rem3A_159 = vector.broadcast %jit3A_138 : i32 to vector<468x1xi32>
    %rem3A_160 = arith.remsi %iota3A_101, %rem3A_159 : vector<468x1xi32>
    %ne3A_161 = arith.constant 0 : i32
    %ne3A_162 = vector.broadcast %ne3A_161 : i32 to vector<468x1xi32>
    %ne3A_163 = arith.cmpi ne, %rem3A_160, %ne3A_162 : vector<468x1xi32>
    %and3A_164 = arith.andi %ne3A_158, %ne3A_163 : vector<468x1xi1>
    %sub3A_165 = arith.constant 1 : i32
    %sub3A_166 = vector.broadcast %sub3A_165 : i32 to vector<468x1xi32>
    %sub3A_167 = arith.subi %div3A_140, %sub3A_166 : vector<468x1xi32>
    %select_n3A_168 = arith.select %and3A_164, %sub3A_167, %div3A_140 : vector<468x1xi1>, vector<468x1xi32>
    %jit3A_169 = arith.constant 6 : i32
    %eq3A_170 = arith.constant 0 : i32
    %eq3A_171 = arith.cmpi eq, %jit3A_169, %eq3A_170 : i32
    %jit3A_172 = arith.constant 1 : i32
    %select_n3A_173 = arith.select %eq3A_171, %jit3A_172, %jit3A_169 : i32
    %rem3A_174 = vector.broadcast %select_n3A_173 : i32 to vector<468x1xi32>
    %rem3A_175 = arith.remsi %select_n3A_168, %rem3A_174 : vector<468x1xi32>
    %ne3A_176 = arith.constant 0 : i32
    %ne3A_177 = vector.broadcast %ne3A_176 : i32 to vector<468x1xi32>
    %ne3A_178 = arith.cmpi ne, %rem3A_175, %ne3A_177 : vector<468x1xi32>
    %lt3A_179 = arith.constant 0 : i32
    %lt3A_180 = vector.broadcast %lt3A_179 : i32 to vector<468x1xi32>
    %lt3A_181 = arith.cmpi slt, %rem3A_175, %lt3A_180 : vector<468x1xi32>
    %lt3A_182 = arith.constant 0 : i32
    %lt3A_183 = arith.cmpi slt, %select_n3A_173, %lt3A_182 : i32
    %ne3A_184 = vector.broadcast %lt3A_183 : i1 to vector<468x1xi1>
    %ne3A_185 = vector.broadcast %ne3A_184 : vector<468x1xi1> to vector<468x1xi1>
    %ne3A_186 = arith.xori %lt3A_181, %ne3A_185 : vector<468x1xi1>
    %and3A_187 = arith.andi %ne3A_186, %ne3A_178 : vector<468x1xi1>
    %add3A_188 = vector.broadcast %select_n3A_173 : i32 to vector<468x1xi32>
    %add3A_189 = arith.addi %rem3A_175, %add3A_188 : vector<468x1xi32>
    %select_n3A_190 = arith.select %and3A_187, %add3A_189, %rem3A_175 : vector<468x1xi1>, vector<468x1xi32>
    %iota3A_191 = tpu.iota {dimensions = array<i32: 1>} : vector<468x6xi32>
    %eq3A_192 = vector.broadcast %select_n3A_190 : vector<468x1xi32> to vector<468x6xi32>
    %eq3A_193 = arith.cmpi eq, %eq3A_192, %iota3A_191 : vector<468x6xi32>
    %convert_element_type3A_194 = arith.extui %eq3A_193 : vector<468x6xi1> to vector<468x6xi32>
    %convert_element_type3A_195 = arith.sitofp %convert_element_type3A_194 : vector<468x6xi32> to vector<468x6xf32>
    %jit3A_196 = arith.constant 3 : i32
    %eq3A_197 = arith.constant 0 : i32
    %eq3A_198 = arith.cmpi eq, %jit3A_196, %eq3A_197 : i32
    %jit3A_199 = arith.constant 1 : i32
    %select_n3A_200 = arith.select %eq3A_198, %jit3A_199, %jit3A_196 : i32
    %rem3A_201 = vector.broadcast %select_n3A_200 : i32 to vector<468x1xi32>
    %rem3A_202 = arith.remsi %iota3A_101, %rem3A_201 : vector<468x1xi32>
    %ne3A_203 = arith.constant 0 : i32
    %ne3A_204 = vector.broadcast %ne3A_203 : i32 to vector<468x1xi32>
    %ne3A_205 = arith.cmpi ne, %rem3A_202, %ne3A_204 : vector<468x1xi32>
    %lt3A_206 = arith.constant 0 : i32
    %lt3A_207 = vector.broadcast %lt3A_206 : i32 to vector<468x1xi32>
    %lt3A_208 = arith.cmpi slt, %rem3A_202, %lt3A_207 : vector<468x1xi32>
    %lt3A_209 = arith.constant 0 : i32
    %lt3A_210 = arith.cmpi slt, %select_n3A_200, %lt3A_209 : i32
    %ne3A_211 = vector.broadcast %lt3A_210 : i1 to vector<468x1xi1>
    %ne3A_212 = vector.broadcast %ne3A_211 : vector<468x1xi1> to vector<468x1xi1>
    %ne3A_213 = arith.xori %lt3A_208, %ne3A_212 : vector<468x1xi1>
    %and3A_214 = arith.andi %ne3A_213, %ne3A_205 : vector<468x1xi1>
    %add3A_215 = vector.broadcast %select_n3A_200 : i32 to vector<468x1xi32>
    %add3A_216 = arith.addi %rem3A_202, %add3A_215 : vector<468x1xi32>
    %select_n3A_217 = arith.select %and3A_214, %add3A_216, %rem3A_202 : vector<468x1xi1>, vector<468x1xi32>
    %iota3A_218 = tpu.iota {dimensions = array<i32: 1>} : vector<468x3xi32>
    %eq3A_219 = vector.broadcast %select_n3A_217 : vector<468x1xi32> to vector<468x3xi32>
    %eq3A_220 = arith.cmpi eq, %eq3A_219, %iota3A_218 : vector<468x3xi32>
    %convert_element_type3A_221 = arith.extui %eq3A_220 : vector<468x3xi1> to vector<468x3xi32>
    %convert_element_type3A_222 = arith.sitofp %convert_element_type3A_221 : vector<468x3xi32> to vector<468x3xf32>
    %dot_general3A_223 = arith.constant dense<0.000000e+00> : vector<468x128xf32>
    %dot_general3A_224 = tpu.matmul %convert_element_type3A_137, %dot_general3A_37, %dot_general3A_223 {dimension_numbers = #tpu.dot_dimension_numbers<[1], [0], [0], [1], [0, 0, 1, 1], [], []>, transpose_lhs_hint = false} : vector<468x26xf32>, vector<26x128xf32>, vector<468x128xf32> -> vector<468x128xf32>
    %dot_general3A_225 = arith.constant dense<0.000000e+00> : vector<468x128xf32>
    %dot_general3A_226 = tpu.matmul %convert_element_type3A_195, %dot_general3A_13, %dot_general3A_225 {dimension_numbers = #tpu.dot_dimension_numbers<[1], [0], [0], [1], [0, 0, 1, 1], [], []>, transpose_lhs_hint = false} : vector<468x6xf32>, vector<6x128xf32>, vector<468x128xf32> -> vector<468x128xf32>
    %add3A_227 = arith.addf %dot_general3A_224, %dot_general3A_226 : vector<468x128xf32>
    %dot_general3A_228 = arith.constant dense<0.000000e+00> : vector<468x128xf32>
    %dot_general3A_229 = tpu.matmul %convert_element_type3A_222, %dot_general3A_5, %dot_general3A_228 {dimension_numbers = #tpu.dot_dimension_numbers<[1], [0], [0], [1], [0, 0, 1, 1], [], []>, transpose_lhs_hint = false} : vector<468x3xf32>, vector<3x128xf32>, vector<468x128xf32> -> vector<468x128xf32>
    %add3A_230 = arith.addf %add3A_227, %dot_general3A_229 : vector<468x128xf32>
    %swap3A_231 = arith.constant 0 : index
    %swap3A_232 = arith.constant 0 : index
    %swap3A_233 = vector.load %arg8[%swap3A_231, %swap3A_232] : memref<468x128xf32, #tpu.memory_space<vmem>>, vector<468x128xf32>
    tpu.vector_store %arg8[%swap3A_231, %swap3A_232], %add3A_230 {strides = array<i32>} : memref<468x128xf32, #tpu.memory_space<vmem>>, vector<468x128xf32>,
    return
  }
}

module attributes {stable_mosaic.version = 14 : i64} {
  func.func @_mlp_body(%arg0: i32, %arg1: memref<4096x128xf32, #tpu.memory_space<vmem>>, %arg2: memref<4096x1xf32, #tpu.memory_space<vmem>>, %arg3: memref<1x128xf32, #tpu.memory_space<vmem>>, %arg4: memref<1x128xf32, #tpu.memory_space<vmem>>, %arg5: memref<1x128xf32, #tpu.memory_space<vmem>>, %arg6: memref<128x64xf32, #tpu.memory_space<vmem>>, %arg7: memref<1x64xf32, #tpu.memory_space<vmem>>, %arg8: memref<4096x64xf32, #tpu.memory_space<vmem>>) attributes {dimension_semantics = [#tpu.dimension_semantics<arbitrary>], iteration_bounds = array<i64: 4>, scalar_prefetch = 0 : i64, scratch_operands = 0 : i64, tpu.core_type = #tpu.core_type<tc>, window_params = [{transform_indices = @transform_0, window_bounds = array<i64: 4096, 128>}, {transform_indices = @transform_1, window_bounds = array<i64: 4096, 1>}, {pipeline_mode = #tpu.pipeline_mode<synchronous>, transform_indices = @transform_2, window_bounds = array<i64: 1, 128>}, {pipeline_mode = #tpu.pipeline_mode<synchronous>, transform_indices = @transform_3, window_bounds = array<i64: 1, 128>}, {pipeline_mode = #tpu.pipeline_mode<synchronous>, transform_indices = @transform_4, window_bounds = array<i64: 1, 128>}, {pipeline_mode = #tpu.pipeline_mode<synchronous>, transform_indices = @transform_5, window_bounds = array<i64: 128, 64>}, {pipeline_mode = #tpu.pipeline_mode<synchronous>, transform_indices = @transform_6, window_bounds = array<i64: 1, 64>}, {transform_indices = @transform_7, window_bounds = array<i64: 4096, 64>}]} {
    %get3A = arith.constant 0 : index
    %get3A_0 = arith.constant 0 : index
    %get3A_1 = vector.load %arg1[%get3A, %get3A_0] : memref<4096x128xf32, #tpu.memory_space<vmem>>, vector<4096x128xf32>
    %get3A_2 = arith.constant 0 : index
    %get3A_3 = arith.constant 0 : index
    %get3A_4 = vector.load %arg2[%get3A_2, %get3A_3] : memref<4096x1xf32, #tpu.memory_space<vmem>>, vector<4096x1xf32>
    %get3A_5 = arith.constant 0 : index
    %get3A_6 = arith.constant 0 : index
    %get3A_7 = vector.load %arg3[%get3A_5, %get3A_6] : memref<1x128xf32, #tpu.memory_space<vmem>>, vector<1x128xf32>
    %mul3A = vector.broadcast %get3A_4 : vector<4096x1xf32> to vector<4096x128xf32>
    %mul3A_8 = vector.broadcast %get3A_7 : vector<1x128xf32> to vector<4096x128xf32>
    %mul3A_9 = arith.mulf %mul3A, %mul3A_8 : vector<4096x128xf32>
    %add3A = arith.addf %get3A_1, %mul3A_9 : vector<4096x128xf32>
    %reduce_sum3A = arith.constant dense<0.000000e+00> : vector<4096xf32>
    %reduce_sum3A_10 = vector.multi_reduction <add>, %add3A, %reduce_sum3A [1] : vector<4096x128xf32> to vector<4096xf32>
    %broadcast_in_dim3A = vector.shape_cast %reduce_sum3A_10 : vector<4096xf32> to vector<4096x1xf32>
    %div3A = arith.constant 1.280000e+02 : f32
    %div3A_11 = vector.broadcast %div3A : f32 to vector<4096x1xf32>
    %div3A_12 = arith.divf %broadcast_in_dim3A, %div3A_11 : vector<4096x1xf32>
    %sub3A = vector.broadcast %div3A_12 : vector<4096x1xf32> to vector<4096x128xf32>
    %sub3A_13 = arith.subf %add3A, %sub3A : vector<4096x128xf32>
    %mul3A_14 = arith.mulf %sub3A_13, %sub3A_13 : vector<4096x128xf32>
    %reduce_sum3A_15 = arith.constant dense<0.000000e+00> : vector<4096xf32>
    %reduce_sum3A_16 = vector.multi_reduction <add>, %mul3A_14, %reduce_sum3A_15 [1] : vector<4096x128xf32> to vector<4096xf32>
    %broadcast_in_dim3A_17 = vector.shape_cast %reduce_sum3A_16 : vector<4096xf32> to vector<4096x1xf32>
    %div3A_18 = arith.constant 1.280000e+02 : f32
    %div3A_19 = vector.broadcast %div3A_18 : f32 to vector<4096x1xf32>
    %div3A_20 = arith.divf %broadcast_in_dim3A_17, %div3A_19 : vector<4096x1xf32>
    %add3A_21 = arith.constant 9.99999974E-6 : f32
    %add3A_22 = vector.broadcast %add3A_21 : f32 to vector<4096x1xf32>
    %add3A_23 = arith.addf %div3A_20, %add3A_22 : vector<4096x1xf32>
    %rsqrt3A = math.rsqrt %add3A_23 : vector<4096x1xf32>
    %mul3A_24 = vector.broadcast %rsqrt3A : vector<4096x1xf32> to vector<4096x128xf32>
    %mul3A_25 = arith.mulf %sub3A_13, %mul3A_24 : vector<4096x128xf32>
    %get3A_26 = arith.constant 0 : index
    %get3A_27 = arith.constant 0 : index
    %get3A_28 = vector.load %arg4[%get3A_26, %get3A_27] : memref<1x128xf32, #tpu.memory_space<vmem>>, vector<1x128xf32>
    %mul3A_29 = vector.broadcast %get3A_28 : vector<1x128xf32> to vector<4096x128xf32>
    %mul3A_30 = arith.mulf %mul3A_25, %mul3A_29 : vector<4096x128xf32>
    %get3A_31 = arith.constant 0 : index
    %get3A_32 = arith.constant 0 : index
    %get3A_33 = vector.load %arg5[%get3A_31, %get3A_32] : memref<1x128xf32, #tpu.memory_space<vmem>>, vector<1x128xf32>
    %add3A_34 = vector.broadcast %get3A_33 : vector<1x128xf32> to vector<4096x128xf32>
    %add3A_35 = arith.addf %mul3A_30, %add3A_34 : vector<4096x128xf32>
    %max3A = arith.constant 0.000000e+00 : f32
    %max3A_36 = vector.broadcast %max3A : f32 to vector<4096x128xf32>
    %max3A_37 = arith.maximumf %add3A_35, %max3A_36 : vector<4096x128xf32>
    %get3A_38 = arith.constant 0 : index
    %get3A_39 = arith.constant 0 : index
    %get3A_40 = vector.load %arg6[%get3A_38, %get3A_39] : memref<128x64xf32, #tpu.memory_space<vmem>>, vector<128x64xf32>
    %dot_general3A = arith.constant dense<0.000000e+00> : vector<4096x64xf32>
    %dot_general3A_41 = tpu.matmul %max3A_37, %get3A_40, %dot_general3A {dimension_numbers = #tpu.dot_dimension_numbers<[1], [0], [0], [1], [0, 0, 1, 1], [], []>, transpose_lhs_hint = false} : vector<4096x128xf32>, vector<128x64xf32>, vector<4096x64xf32> -> vector<4096x64xf32>
    %get3A_42 = arith.constant 0 : index
    %get3A_43 = arith.constant 0 : index
    %get3A_44 = vector.load %arg7[%get3A_42, %get3A_43] : memref<1x64xf32, #tpu.memory_space<vmem>>, vector<1x64xf32>
    %add3A_45 = vector.broadcast %get3A_44 : vector<1x64xf32> to vector<4096x64xf32>
    %add3A_46 = arith.addf %dot_general3A_41, %add3A_45 : vector<4096x64xf32>
    %swap3A = arith.constant 0 : index
    %swap3A_47 = arith.constant 0 : index
    %swap3A_48 = vector.load %arg8[%swap3A, %swap3A_47] : memref<4096x64xf32, #tpu.memory_space<vmem>>, vector<4096x64xf32>
    tpu.vector_store %arg8[%swap3A, %swap3A_47], %add3A_46 {strides = array<i32>} : memref<4096x64xf32, #tpu.memory_space<vmem>>, vector<4096x64xf32>,
    return
  }
  func.func @transform_0(%arg0: i32) -> (i32, i32) {
    %c0_i32 = arith.constant 0 : i32
    %c0_i32_0 = arith.constant 0 : i32
    return %arg0, %c0_i32 : i32, i32
  }
  func.func @transform_1(%arg0: i32) -> (i32, i32) {
    %c0_i32 = arith.constant 0 : i32
    %c0_i32_0 = arith.constant 0 : i32
    return %arg0, %c0_i32 : i32, i32
  }
  func.func @transform_2(%arg0: i32) -> (i32, i32) {
    %c0_i32 = arith.constant 0 : i32
    %c0_i32_0 = arith.constant 0 : i32
    %c0_i32_1 = arith.constant 0 : i32
    return %c0_i32, %c0_i32_0 : i32, i32
  }
  func.func @transform_3(%arg0: i32) -> (i32, i32) {
    %c0_i32 = arith.constant 0 : i32
    %c0_i32_0 = arith.constant 0 : i32
    %c0_i32_1 = arith.constant 0 : i32
    return %c0_i32, %c0_i32_0 : i32, i32
  }
  func.func @transform_4(%arg0: i32) -> (i32, i32) {
    %c0_i32 = arith.constant 0 : i32
    %c0_i32_0 = arith.constant 0 : i32
    %c0_i32_1 = arith.constant 0 : i32
    return %c0_i32, %c0_i32_0 : i32, i32
  }
  func.func @transform_5(%arg0: i32) -> (i32, i32) {
    %c0_i32 = arith.constant 0 : i32
    %c0_i32_0 = arith.constant 0 : i32
    %c0_i32_1 = arith.constant 0 : i32
    return %c0_i32, %c0_i32_0 : i32, i32
  }
  func.func @transform_6(%arg0: i32) -> (i32, i32) {
    %c0_i32 = arith.constant 0 : i32
    %c0_i32_0 = arith.constant 0 : i32
    %c0_i32_1 = arith.constant 0 : i32
    return %c0_i32, %c0_i32_0 : i32, i32
  }
  func.func @transform_7(%arg0: i32) -> (i32, i32) {
    %c0_i32 = arith.constant 0 : i32
    %c0_i32_0 = arith.constant 0 : i32
    return %arg0, %c0_i32 : i32, i32
  }
}

</mosaic_0001>

<sc_bundles>
// kernel: kernel.5.cloned.1.call-start
scs
__scs_entry_jumppad:
0x0: {  	(pc) =	sbr.rel $0x88, $3  }
0x1: {  	(tag) =	ssettag $0x0;
	lr =	simm.s32 $0x1  }
0x2: {  	[smem:$0x3F90] =	sst lr;
	_ =	strace $0xD0000000  }
0x3: {  	_ = 	snop  }
0x4: {  	_ = 	snop  }
0x5: {  	_ = 	snop  }
0x6: {  	_ = 	snop  }
0x7: {  	_ = 	snop  }
__scs_overlays_trampoline_lowered:
0x8: {  	[smem:$0x3F9F] =	sst s0  }
0x9: {  	[smem:$0x3FA0] =	sst s1  }
0xa: {  	[smem:$0x3FA1] =	sst s2  }
0xb: {  	[smem:$0x3FA2] =	sst s3  }
0xc: {  	[smem:$0x3FA3] =	sst s4  }
0xd: {  	[smem:$0x3FA4] =	sst s5  }
0xe: {  	[smem:$0x3FA5] =	sst s6  }
0xf: {  	[smem:$0x3FA6] =	sst s7  }
0x10: {  	[smem:$0x3FA7] =	sst s8  }
0x11: {  	[smem:$0x3FA8] =	sst s9;
	s0 =	simm.s32 @!p0 $0x0  }
0x12: {  	s1 =	sld [smem:$0x3F8E];
	s0 =	simm.s32 @p0 $0x1  }
0x13: {  	[smem:$0x3FA9] =	sst s0;
	s0 =	simm.s32 @!p1 $0x0  }
0x14: {  	s2 =	sld [smem:$0x3F8D];
	s0 =	simm.s32 @p1 $0x1  }
0x15: {  	[smem:$0x3FAA] =	sst s0;
	s0 =	simm.s32 @!p2 $0x0  }
0x16: {  	s3 =	sld [smem:$0x3FDB];
	s0 =	simm.s32 @p2 $0x1  }
0x17: {  	s4 =	simm.s32 $0x1BF5;
	[smem:$0x3FAC] =	sst s0  }
0x18: {  	s0 =	sld [smem:$0x3F8F];
	_ =	swait.ge [sflag:s4], $0x0  }
0x19: {  	s7 =	sld [smem:$0x3F90]  }
0x1a: {  	s8 =	sadd.s32 $0xFFFFE003, lr  }
0x1b: {  	s9 =	sadd.s32 $0xFFFFFEF7, lr;
	s5 =	simm.s32 $0xFFFFFFFF;
	p2 =	slt.u32 s8, $0xFFFFF086  }
0x1c: {  	p1 =	slt.u32 s9, $0xF7A;
	s5 =	simm.s32 @!p2 $0x0  }
0x1d: {  	s5 =	simm.s32 @p1 $0x1;
	p0 =	seq.s32 s7, s2  }
0x1e: {  	s7 =	smul.u32 @!p0 $0xF7A, s2;
	p2 =	seq.s32 @!p0 s5, $0x0  }
0x1f: {  	s9 =	smul.u32 $0xF7A, s1;
	s8 =	simm.s32 @!p0 $0x1BF5;
	p2 =	por !p2, p0  }
0x20: {  	[sflag:s8] =	ssyncset.s32 @!p0 $0xFFFFF086;
	s6 =	sadd.s32 @!p0 s3, s7;
	s7 =	simm.s32 @!p0 $0x108  }
0x21: {  	s3 =	sadd.s32 s3, s9;
	s6 =	sadd.s32 @!p0 $0x88, s6;
	s7 =	simm.s32 @p2 $0x1082  }
0x22: {  	[simem:s7], [sflag:s8] =	dma.local @!p0 [hbm:s6], $0xF7A  }
0x23: {  	s9 =	sor.u32 $0xD0000000, s2;
	s6 =	simm.s32 $0x108;
	_ =	swait.ge @!p0 [sflag:s8], $0x0  }
0x24: {  	s3 =	sadd.s32 $0x88, s3;
	s6 =	simm.s32 @!p1 $0x1082;
	[sflag:s4] =	ssyncset.s32 $0xFFFFF086  }
0x25: {  	[simem:s6], [sflag:s4] =	dma.local [hbm:s3], $0xF7A  }
0x26: {  	[smem:$0x3F90] =	sst s1;
	(tag) =	ssettag s2;
	_ =	strace s9  }
0x27: {  	s1 =	sld [smem:$0x3FA0]  }
0x28: {  	s2 =	sld [smem:$0x3FA1]  }
0x29: {  	s4 =	sld [smem:$0x3FA3]  }
0x2a: {  	p0 =	seq.s32 s5, $0x0;
	s5 =	sld [smem:$0x3FA4]  }
0x2b: {  	s6 =	sld [smem:$0x3FA5]  }
0x2c: {  	s7 =	sld [smem:$0x3FA6]  }
0x2d: {  	s3 =	simm.s32 $0x108;
	s8 =	sld [smem:$0x3FA7]  }
0x2e: {  	s3 =	simm.s32 @!p0 $0x1082;
	s9 =	sld [smem:$0x3FA8]  }
0x2f: {  	lr =	sadd.s32 s0, s3;
	s0 =	sld [smem:$0x3F9F]  }
0x30: {  	s3 =	sld [smem:$0x3FA2]  }
0x31: {  	[smem:$0x3FAB] =	sst s10  }
0x32: {  	s10 =	sld [smem:$0x3FA9];
	_ =	sdelay $0x3  }
0x33: {  	p0 =	seq.s32 s10, $0x1;
	s10 =	sld [smem:$0x3FAB];
	_ =	sdelay $0x3  }
0x34: {  	[smem:$0x3FAB] =	sst s10  }
0x35: {  	s10 =	sld [smem:$0x3FAA];
	_ =	sdelay $0x3  }
0x36: {  	p1 =	seq.s32 s10, $0x1;
	s10 =	sld [smem:$0x3FAB];
	_ =	sdelay $0x3  }
0x37: {  	[smem:$0x3FAB] =	sst s10  }
0x38: {  	s10 =	sld [smem:$0x3FAC]  }
0x39: {  	_ = 	snop;
	(pc) =	sbr.ind lr, $3  }
0x3a: {  	_ = 	snop  }
0x3b: {  	_ = 	snop  }
0x3c: {  	p2 =	seq.s32 s10, $0x1;
	s10 =	sld [smem:$0x3FAB]  }
0x3d: {  	_ =	shalt  }
0x3e: {  	_ =	shalt  }
0x3f: {  	_ =	shalt  }
0x40: {  	_ =	shalt  }
0x41: {  	_ =	shalt  }
0x42: {  	_ =	shalt  }
0x43: {  	_ =	shalt  }
0x44: {  	_ =	shalt  }
0x45: {  	_ =	shalt  }
0x46: {  	_ =	shalt  }
0x47: {  	_ =	shalt  }
0x48: {  	_ =	shalt  }
0x49: {  	_ =	shalt  }
0x4a: {  	_ =	shalt  }
0x4b: {  	_ =	shalt  }
0x4c: {  	_ =	shalt  }
0x4d: {  	_ =	shalt  }
0x4e: {  	_ =	shalt  }
0x4f: {  	_ =	shalt  }
0x50: {  	_ =	shalt  }
0x51: {  	_ =	shalt  }
0x52: {  	_ =	shalt  }
0x53: {  	_ =	shalt  }
0x54: {  	_ =	shalt  }
0x55: {  	_ =	shalt  }
0x56: {  	_ =	shalt  }
0x57: {  	_ =	shalt  }
0x58: {  	_ =	shalt  }
0x59: {  	_ =	shalt  }
0x5a: {  	_ =	shalt  }
0x5b: {  	_ =	shalt  }
0x5c: {  	_ =	shalt  }
0x5d: {  	_ =	shalt  }
0x5e: {  	_ =	shalt  }
0x5f: {  	_ =	shalt  }
0x60: {  	_ =	shalt  }
0x61: {  	_ =	shalt  }
0x62: {  	_ =	shalt  }
0x63: {  	_ =	shalt  }
0x64: {  	_ =	shalt  }
0x65: {  	_ =	shalt  }
0x66: {  	_ =	shalt  }
0x67: {  	_ =	shalt  }
0x68: {  	_ =	shalt  }
0x69: {  	_ =	shalt  }
0x6a: {  	_ =	shalt  }
0x6b: {  	_ =	shalt  }
0x6c: {  	_ =	shalt  }
0x6d: {  	_ =	shalt  }
0x6e: {  	_ =	shalt  }
0x6f: {  	_ =	shalt  }
0x70: {  	_ =	shalt  }
0x71: {  	_ =	shalt  }
0x72: {  	_ =	shalt  }
0x73: {  	_ =	shalt  }
0x74: {  	_ =	shalt  }
0x75: {  	_ =	shalt  }
0x76: {  	_ =	shalt  }
0x77: {  	_ =	shalt  }
0x78: {  	_ =	shalt  }
0x79: {  	_ =	shalt  }
0x7a: {  	_ =	shalt  }
0x7b: {  	_ =	shalt  }
0x7c: {  	_ =	shalt  }
0x7d: {  	_ =	shalt  }
0x7e: {  	_ =	shalt  }
0x7f: {  	_ =	shalt  }
0x80: {  	_ =	shalt  }
0x81: {  	_ =	shalt  }
0x82: {  	_ =	shalt  }
0x83: {  	_ =	shalt  }
0x84: {  	_ =	shalt  }
0x85: {  	_ =	shalt  }
0x86: {  	_ =	shalt  }
0x87: {  	_ =	shalt  }
.Lfunc_end0:
.L_simem_size_0:
called_computation_lowered:
.L_overlay_start_0:
0x88: {  	s2 =	sld [smem:$0x3FD9]  }
0x89: {  	s3 =	sld [smem:$0x3FFE];
	_ =	sdelay $0x1  }
0x8a: {  	s1 =	srdreg.scid  }
0x8b: {  	s0 =	sand.u32 $0x1, s1  }
0x8c: {  	s17 =	sshll.u32 s0, $0xA;
	s2 =	sadd.s32 s3, s2  }
0x8d: {  	s2 =	sadd.s32 s2, s17  }
0x8e: {  	[smem:$0x3FB7] =	sst s2  }
0x8f: {  	_ = 	snop  }
0x90: {  	s2 =	sld [smem:$0x3FC9]  }
0x91: {  	s18 =	sld [smem:$0x3FC8]  }
0x92: {  	s4 =	sld [smem:$0x3FC7]  }
0x93: {  	s5 =	sld [smem:$0x3FC6]  }
0x94: {  	s6 =	sld [smem:$0x3FC5]  }
0x95: {  	s7 =	sld [smem:$0x3FD0];
	(tm) =	ssettm $0x1  }
0x96: {  	s8 =	sld [smem:$0x3FFB];
	_ =	sdelay $0x3  }
0x97: {  	_ =	strace s8  }
0x98: {  	s8 =	sld [smem:$0x3FFC];
	_ =	sdelay $0x3  }
0x99: {  	_ =	strace s8  }
0x9a: {  	s8 =	sld [smem:$0x3FFD];
	_ =	sdelay $0x3  }
0x9b: {  	_ =	strace s8  }
0x9c: {  	_ =	strace $0x8FFFFFFF  }
0x9d: {  	s19 =	sld [smem:$0x3FDB];
	_ =	sdelay $0x1  }
0x9e: {  	s9 =	simm.s32 $_scs_section_size  }
0x9f: {  	s10 =	simm.s32 $_size__tile_overlayer_lowered;
	s11 =	simm.s32 $_tile_overlayer_lowered  }
0xa0: {  	s22 =	simm.s32 $0x1BFF;
	s21 =	sshll.u32 s11, $0x1;
	s8 =	sadd.s32 s9, s19  }
0xa1: {  	s12 =	simm.s32 $0x0;
	s20 =	sshll.u32 s10, $0x1;
	s10 =	sadd.s32 s21, s8  }
0xa2: {  	[timem:s12], [sflag:s22] =	dma.local [hbm:s10], s20  }
0xa3: {  	_ =	swait.ge [sflag:s22], s20  }
0xa4: {  	s9 =	ssub.s32 $0x0, s20;
	[sflag:s22] =	ssyncset.done $0x0  }
0xa5: {  	[sflag:s22] =	ssyncadd.s32 s9;
	_ =	sdelay $0x1  }
0xa6: {  	s23 =	simm.s32 $0x1B8B  }
0xa7: {  	_ =	swait.ge [sflag:s23], $0x1  }
0xa8: {  	[sflag:s23] =	ssyncset.done $0x0  }
0xa9: {  	s25 =	simm.s32 $0x1B8E;
	s24 =	sld [smem:$0x3FFE];
	[sflag:s23] =	ssyncadd.s32 $0xFFFFFFFF  }
0xaa: {  	s26 =	simm.s32 $execute0_lowered;
	[smem:$0x3FD2] =	sst s25  }
0xab: {  	s10 =	sshll.u32 s26, $0x1;
	_ =	strace $0x80000046;
	[dreg:$0x1] =	wrdreg $0xFFFFFFFF  }
0xac: {  	s28 =	simm.s32 $_size_execute0_lowered;
	s8 =	sadd.s32 s8, s10;
	[dreg:$0x0] =	wrdreg $0x0  }
0xad: {  	s10 =	sshll.u32 s28, $0x1;
	[dreg:$0x2] =	wrdreg s8  }
0xae: {  	[dreg:$0x3] =	wrdreg s10  }
0xaf: {  	[dreg:$0x4] =	wrdreg $0xC0  }
0xb0: {  	_ =	task [dreg:s12], $0x5FFFF  }
0xb1: {  	[dreg:$0x1] =	wrdreg $0xFFFFFFFF  }
0xb2: {  	[dreg:$0x0] =	wrdreg $0x60  }
0xb3: {  	[dreg:$0x2] =	wrdreg s2  }
0xb4: {  	[dreg:$0x3] =	wrdreg s18  }
0xb5: {  	[dreg:$0x4] =	wrdreg s4  }
0xb6: {  	[dreg:$0x5] =	wrdreg s5  }
0xb7: {  	[dreg:$0x6] =	wrdreg s6  }
0xb8: {  	[dreg:$0x7] =	wrdreg s24  }
0xb9: {  	[dreg:$0x8] =	wrdreg s7  }
0xba: {  	[dreg:$0x9] =	wrdreg $0x14C000  }
0xbb: {  	[dreg:$0xa] =	wrdreg $0x151D00  }
0xbc: {  	[dreg:$0xb] =	wrdreg $0x9  }
0xbd: {  	_ =	task.clear_ibuf [dreg:s12], $0xCFFFF;
	_ =	strace $0x90000046  }
0xbe: {  	s29 =	simm.s32 $0x9;
	_ =	strace $0x80000048  }
0xbf: {  	_ =	swait.ge [sflag:s29], $0x1  }
0xc0: {  	[sflag:s29] =	ssyncadd.s32 $0xFFFFFFFF  }
0xc1: {  	_ =	strace $0x90000048  }
0xc2: {  	_ =	sfence  }
0xc3: {  	s30 =	sld [smem:$0x0];
	_ =	sdelay $0x2  }
0xc4: {  	s31 =	sshll.u32 s1, $0xD;
	s1 =	sshrl.u32 s1, $0x2  }
0xc5: {  	s3 =	sand.u32 $0x4000, s31;
	s1 =	sadd.s32 s1, s30  }
0xc6: {  	s0 =	sor.u32 s3, s0;
	s1 =	sshll.u32 s1, $0x11  }
0xc7: {  	s0 =	sor.u32 s1, s0  }
0xc8: {  	s0 =	sadd.s32 $0x8F2B, s0  }
0xc9: {  	[sflag:s0] =	ssyncadd.remote.s32 $0x1  }
0xca: {  	_ =	sfence.sel $0xFFFF  }
0xcb: {  	[dreg:$0x0] =	wrdreg $0xFFFFFFFF;
	(pc) =	sbr.abs _section_cstart, $3  }
0xcc: {  	[dreg:$0x1] =	wrdreg $0xFFFFFFFF  }
0xcd: {  	_ =	task.clear_ibuf [dreg:s12], $0x2FFFF;
	_ =	strace $0x9FFFFFFF  }
0xce: {  	(tm) =	ssettm $0x7FFFFFFF  }
0xcf: {  	_ =	shalt  }
tec
execute0_lowered:
.L_overlay_start_1:
0x0: {  	(tag) =	ssettag $0x1  }
0x1: {  	s0 =	rddreg [dreg:$0x0]  }
0x2: {  	s1 =	rddreg [dreg:$0x1]  }
0x3: {  	s2 =	rddreg [dreg:$0x2]  }
0x4: {  	s3 =	rddreg [dreg:$0x3]  }
0x5: {  	s10 =	rddreg [dreg:$0x4]  }
0x6: {  	s6 =	rddreg [dreg:$0x5]  }
0x7: {  	s17 =	rddreg [dreg:$0x7]  }
0x8: {  	s18 =	rddreg [dreg:$0x8];
	s4 =	simm.s32 $0x0;
	s5 =	srdreg.scid  }
0x9: {  	s15 =	stileid.u32;
	s24 =	simm.s32 $0x2;
	s25 =	simm.s32 $0x1  }
0xa: {  	s26 =	simm.s32 $0x16A70;
	s28 =	simm.s32 $0x16C70;
	s30 =	simm.s32 $0x1AE70  }
0xb: {  	s31 =	simm.s32 $0x3;
	[smem:$0x7FF] =	sst s4;
	s7 =	sand.u32 $0x1, s5  }
0xc: {  	s8 =	sshll.u32 s15, $0xA;
	s5 =	sadd.s32 $0x2000, s6;
	s9 =	sshll.u32 s7, $0x9  }
0xd: {  	p0 =	sne.s32 s15, $0x0;
	s7 =	ssub.s32 $0x2, s7;
	s8 =	sor.u32 s9, s8  }
0xe: {  	_ =	strace $0x80000047;
	s11 =	sshrl.u32 s7, $0x1;
	s9 =	sshll.u32 s8, $0x4  }
0xf: {  	s12 =	sshrl.u32 s8, $0x3;
	s16 =	ssub.s32 s7, s11;
	s14 =	sadd.s32 s9, s6  }
0x10: {  	s6 =	sadd.s32 s0, s12;
	s7 =	sadd.s32 s1, s12;
	s8 =	sadd.s32 s2, s12  }
0x11: {  	v0 =	vlaneseq.u32;
	s9 =	sadd.s32 s3, s12;
	s10 =	sadd.s32 s10, s12;
	s15 =	smax.u32 s16, $0x1  }
0x12: {  	v1 =	vor.u32 $0x10, v0;
	s16 =	sshrl.u32 @!p0 s17, $0x3;
	s17 =	sshrl.u32 @!p0 s18, $0x3;
	s18 =	simm.s32 $0x6000  }
0x13: {  	v2 =	vor.u32 $0x20, v0;
	v3 =	vor.u32 $0x30, v0;
	v4 =	vor.u32 $0x40, v0;
	s0 =	simm.s32 $0x4;
	s1 =	simm.s32 $0x0;
	s11 =	sadd.s32 $0x2C00, s14  }
0x14: {  	v5 =	vor.u32 $0x50, v0;
	v6 =	vor.u32 $0x60, v0;
	v7 =	vor.u32 $0x70, v0;
	s12 =	sadd.s32 $0x3400, s14;
	s13 =	sadd.s32 $0x3C00, s14;
	s14 =	sadd.s32 $0x4400, s14  }
.LBB2_1:
0x15: {  	s2 =	simm.s32 @!p0 $0x1C05;
	s3 =	simm.s32 @!p0 $0x5  }
0x16: {  	[spmem:s16], [sflag:s2] =	dma.local @!p0 [hbm:s5], $0xBA0  }
0x17: {  	_ =	swait.ge @!p0 [sflag:s3], $0xBA0  }
0x18: {  	[sflag:s3] =	ssyncset.done @!p0 $0x0  }
0x19: {  	[sflag:s3] =	ssyncadd.s32 @!p0 $0xFFFFF460  }
0x1a: {  	s19 =	rddreg [dreg:$0x6]  }
0x1b: {  	[spmem:s17], [sflag:s2] =	dma.local @!p0 [hbm:s19], $0x1D40  }
0x1c: {  	_ =	swait.ge @!p0 [sflag:s3], $0x1D40  }
0x1d: {  	[sflag:s3] =	ssyncset.done @!p0 $0x0  }
0x1e: {  	[sflag:s3] =	ssyncadd.s32 @!p0 $0xFFFFE2C0  }
0x1f: {  	[bflag:$0x0] =	sbarrier.arrive $0xFFFF  }
0x20: {  	s22 =	rddreg [dreg:$0x7]  }
0x21: {  	[tilespmem:s4], [sflag:$0x1] =	stream.linear.gather [spmem:s22], $0x5D00, $0x38;
	[tilespmem:$0x1EE70] =	vst v63  }
0x22: {  	s23 =	rddreg [dreg:$0x8]  }
0x23: {  	[tilespmem:s18], [sflag:$0x1] =	stream.linear.gather [spmem:s23], $0xEA00, $0x38;
	[tilespmem:$0x1EE70] =	vst v63  }
0x24: {  	s3 =	simm.s32 $0x16070  }
0x25: {  	[tilespmem:s3], [sflag:$0x2] =	stream.linear.gather [hbm4b:s6+s4], $0x200, $0x38;
	[tilespmem:$0x1EE70] =	vst v63  }
0x26: {  	s19 =	simm.s32 $0x16270  }
0x27: {  	[tilespmem:s19], [sflag:$0x2] =	stream.linear.gather [hbm4b:s7+s4], $0x200, $0x38;
	[tilespmem:$0x1EE70] =	vst v63  }
0x28: {  	s20 =	simm.s32 $0x16470  }
0x29: {  	[tilespmem:s20], [sflag:$0x2] =	stream.linear.gather [hbm4b:s8+s4], $0x200, $0x38;
	[tilespmem:$0x1EE70] =	vst v63  }
0x2a: {  	s21 =	simm.s32 $0x16670  }
0x2b: {  	[tilespmem:s21], [sflag:$0x2] =	stream.linear.gather [hbm4b:s9+s4], $0x200, $0x38;
	[tilespmem:$0x1EE70] =	vst v63  }
0x2c: {  	s22 =	simm.s32 $0x16870  }
0x2d: {  	[tilespmem:s22], [sflag:$0x2] =	stream.linear.gather [hbm4b:s10+s4], $0x200, $0x38;
	[tilespmem:$0x1EE70] =	vst v63  }
0x2e: {  	_ =	swait.ge [sflag:s24], $0x200  }
0x2f: {  	[sflag:s24] =	ssyncset.done $0x0  }
0x30: {  	[sflag:s24] =	ssyncadd.s32 $0xFFFFFE00  }
0x31: {  	_ =	swait.ge [sflag:s24], $0x200  }
0x32: {  	[sflag:s24] =	ssyncset.done $0x0  }
0x33: {  	[sflag:s24] =	ssyncadd.s32 $0xFFFFFE00  }
0x34: {  	_ =	swait.ge [sflag:s24], $0x200  }
0x35: {  	[sflag:s24] =	ssyncset.done $0x0  }
0x36: {  	[sflag:s24] =	ssyncadd.s32 $0xFFFFFE00  }
0x37: {  	_ =	swait.ge [sflag:s24], $0x200  }
0x38: {  	[sflag:s24] =	ssyncset.done $0x0  }
0x39: {  	[sflag:s24] =	ssyncadd.s32 $0xFFFFFE00  }
0x3a: {  	_ =	swait.ge [sflag:s24], $0x200  }
0x3b: {  	[sflag:s24] =	ssyncset.done $0x0  }
0x3c: {  	s23 =	simm.s32 $0x16690;
	[sflag:s24] =	ssyncadd.s32 $0xFFFFFE00  }
0x3d: {  	v8 =	vld [tilespmem:s23+$0x10]  }
0x3e: {  	s19 =	simm.s32 $0x16490  }
0x3f: {  	v9 =	vld [tilespmem:s19+$0x10];
	_ =	sdelay $0x1  }
0x40: {  	v10 =	vld [tilespmem:s23+$0xFFFFFFF0]  }
0x41: {  	v11 =	vld [tilespmem:s23+$0xFFFFFFE0];
	v8 =	vmul.u32 $0x6, v8  }
0x42: {  	v12 =	vld [tilespmem:s23+$0x0]  }
0x43: {  	s20 =	simm.s32 $0x16A90;
	v13 =	vld [tilespmem:s19+$0xFFFFFFE0];
	v8 =	vadd.s32 v9, v8  }
0x44: {  	s21 =	simm.s32 $0x16890;
	v9 =	vld [tilespmem:s19+$0xFFFFFFF0];
	[tilespmem:s20+$0x10] =	vst v8  }
0x45: {  	s22 =	simm.s32 $0x16290;
	v14 =	vld [tilespmem:s21+$0x10]  }
0x46: {  	v8 =	vmul.u32 $0x6, v11;
	v11 =	vld [tilespmem:s22+$0x10]  }
0x47: {  	v15 =	vld [tilespmem:s19+$0x0]  }
0x48: {  	s23 =	simm.s32 $0x16090;
	v10 =	vmul.u32 $0x6, v10;
	v8 =	vadd.s32 v13, v8  }
0x49: {  	v13 =	vld [tilespmem:s23+$0x10];
	[tilespmem:s20+$0xFFFFFFE0] =	vst v8  }
0x4a: {  	v12 =	vmul.u32 $0x6, v12;
	v8 =	vadd.s32 v9, v10;
	v16 =	vld [tilespmem:s21+$0xFFFFFFE0]  }
0x4b: {  	[tilespmem:s20+$0xFFFFFFF0] =	vst v8;
	v8 =	vld [tilespmem:s22+$0xFFFFFFE0];
	v14 =	vmul.u32 $0x12, v14;
	v11 =	vmul.u32 $0x3, v11  }
0x4c: {  	v9 =	vadd.s32 v15, v12;
	v10 =	vld [tilespmem:s21+$0xFFFFFFF0]  }
0x4d: {  	[tilespmem:s20+$0x0] =	vst v9;
	v9 =	vld [tilespmem:s22+$0xFFFFFFF0];
	v12 =	vadd.s32 v14, v11  }
0x4e: {  	s2 =	simm.s32 $0x16C90;
	v11 =	vld [tilespmem:s21+$0x0];
	v14 =	vadd.s32 v13, v12  }
0x4f: {  	s29 =	simm.s32 $0x166D0;
	s3 =	simm.s32 $0x0;
	v13 =	vmul.u32 $0x12, v16;
	v12 =	vld [tilespmem:s22+$0x0];
	[tilespmem:s2+$0x10] =	vst v14  }
.LBB2_2:
0x50: {  	v14 =	vld [tilespmem:s29+$0x10];
	v8 =	vmul.u32 $0x3, v8  }
0x51: {  	s3 =	sadd.s32 $0x4, s3;
	s19 =	sadd.s32 $0x40, s19;
	v15 =	vld [tilespmem:s29+$0xFFFFFFF0];
	v10 =	vmul.u32 $0x12, v10  }
0x52: {  	p1 =	slt.u32 s3, $0x1C;
	v16 =	vld [tilespmem:s19+$0x10];
	v8 =	vadd.s32 v13, v8;
	v9 =	vmul.u32 $0x3, v9  }
0x53: {  	v13 =	vld [tilespmem:s29+$0x0];
	v11 =	vmul.u32 $0x12, v11  }
0x54: {  	v17 =	vld [tilespmem:s29+$0xFFFFFFE0];
	v9 =	vadd.s32 v10, v9;
	v10 =	vmul.u32 $0x3, v12  }
0x55: {  	v12 =	vld [tilespmem:s19+$0xFFFFFFE0];
	v14 =	vmul.u32 $0x6, v14  }
0x56: {  	v15 =	vmul.u32 $0x6, v15;
	v18 =	vld [tilespmem:s19+$0xFFFFFFF0];
	v11 =	vadd.s32 v11, v10  }
0x57: {  	s20 =	sadd.s32 $0x40, s20;
	v10 =	vld [tilespmem:s19+$0x0];
	v14 =	vadd.s32 v16, v14  }
0x58: {  	s21 =	sadd.s32 $0x40, s21;
	v13 =	vmul.u32 $0x6, v13;
	[tilespmem:s20+$0x10] =	vst v14;
	v14 =	vld [tilespmem:s23+$0xFFFFFFE0]  }
0x59: {  	s22 =	sadd.s32 $0x40, s22;
	v16 =	vmul.u32 $0x6, v17;
	v17 =	vld [tilespmem:s21+$0x10]  }
0x5a: {  	v19 =	vld [tilespmem:s22+$0x10]  }
0x5b: {  	v12 =	vadd.s32 v12, v16;
	v15 =	vadd.s32 v18, v15;
	v16 =	vld [tilespmem:s23+$0xFFFFFFF0]  }
0x5c: {  	[tilespmem:s20+$0xFFFFFFE0] =	vst v12;
	v10 =	vadd.s32 v10, v13;
	v12 =	vld [tilespmem:s23+$0x0];
	s23 =	sadd.s32 $0x40, s23  }
0x5d: {  	[tilespmem:s20+$0xFFFFFFF0] =	vst v15;
	v13 =	vld [tilespmem:s23+$0x10];
	v14 =	vadd.s32 v14, v8  }
0x5e: {  	v15 =	vld [tilespmem:s21+$0xFFFFFFE0];
	[tilespmem:s20+$0x0] =	vst v10  }
.Ltmp0:
0x5f: {  	v17 =	vmul.u32 $0x12, v17;
	v8 =	vld [tilespmem:s22+$0xFFFFFFE0];
	v18 =	vmul.u32 $0x3, v19;
	[tilespmem:s2+$0xFFFFFFE0] =	vst v14;
	(pc) =	sbr.rel @p1 .LBB2_2-.Ltmp0, $4  }
0x60: {  	v10 =	vld [tilespmem:s21+$0xFFFFFFF0];
	v14 =	vadd.s32 v16, v9  }
0x61: {  	v9 =	vld [tilespmem:s22+$0xFFFFFFF0];
	v16 =	vadd.s32 v17, v18;
	[tilespmem:s2+$0xFFFFFFF0] =	vst v14;
	v12 =	vadd.s32 v12, v11  }
0x62: {  	v11 =	vld [tilespmem:s21+$0x0];
	v14 =	vadd.s32 v13, v16;
	[tilespmem:s2+$0x0] =	vst v12;
	s2 =	sadd.s32 $0x40, s2  }
0x63: {  	s29 =	sadd.s32 $0x40, s29;
	v13 =	vmul.u32 $0x12, v15;
	v12 =	vld [tilespmem:s22+$0x0];
	[tilespmem:s2+$0x10] =	vst v14  }
0x64: {  	v14 =	vld [tilespmem:s23+$0xFFFFFFE0]  }
0x65: {  	v15 =	vld [tilespmem:s23+$0xFFFFFFF0]  }
0x66: {  	v8 =	vmul.u32 $0x3, v8;
	v16 =	vld [tilespmem:s23+$0x0]  }
0x67: {  	v10 =	vmul.u32 $0x12, v10;
	v9 =	vmul.u32 $0x3, v9  }
0x68: {  	v8 =	vadd.s32 v13, v8;
	v11 =	vmul.u32 $0x12, v11;
	v12 =	vmul.u32 $0x3, v12  }
0x69: {  	v9 =	vadd.s32 v10, v9;
	v8 =	vadd.s32 v14, v8  }
0x6a: {  	s3 =	simm.s32 $0x0;
	v10 =	vadd.s32 v11, v12;
	[tilespmem:s2+$0xFFFFFFE0] =	vst v8;
	v8 =	vadd.s32 v15, v9  }
0x6b: {  	v9 =	vmov s3;
	[tilespmem:s2+$0xFFFFFFF0] =	vst v8;
	v8 =	vadd.s32 v16, v10  }
0x6c: {  	[tilespmem:s2+$0x0] =	vst v8;
	v8 =	vand.u32 $0xFFFFFFFC, v9  }
0x6d: {  	_ =	swait.ge [sflag:s25], $0x5D00;
	v8 =	vbroadcast v8, $0x0  }
0x6e: {  	[sflag:s25] =	ssyncset.done $0x0  }
0x6f: {  	[sflag:s25] =	ssyncadd.s32 $0xFFFFA300  }
0x70: {  	_ =	swait.ge [sflag:s25], $0xEA00  }
0x71: {  	s3 =	simm.s32 $0x2;
	[sflag:s25] =	ssyncset.done $0x0  }
0x72: {  	v9 =	vmov s3;
	[sflag:s25] =	ssyncadd.s32 $0xFFFF1600  }
0x73: {  	v9 =	vand.u32 $0xFFFFFFFE, v9;
	v10 =	vld.idx.msk [tilespmem:v8+s28+$0x0], $0xffff  }
0x74: {  	v9 =	vbroadcast v9, $0x0;
	v8 =	vld.idx.msk [tilespmem:v8+s26+$0x0], $0xffff;
	_ =	sdelay $0x3  }
0x75: {  	v17 =	vshll.u32 v10, $0x7  }
0x76: {  	v18 =	vshll.u32 v8, $0x7;
	v10 =	vor.u32 v0, v17  }
0x77: {  	v8 =	vld.idx.msk [tilespmem:v9+s26+$0x0], $0xffff;
	v11 =	vor.u32 v0, v18  }
0x78: {  	s19 =	simm.s32 $0x3;
	v9 =	vld.idx.msk [tilespmem:v9+s28+$0x0], $0xffff  }
0x79: {  	v12 =	vmov s19;
	_ =	sdelay $0x1  }
0x7a: {  	v10 =	vld.idx.msk [tilespmem:v10+s18+$0x0], $0xffff  }
0x7b: {  	v19 =	vshll.u32 v8, $0x7;
	v8 =	vld.idx.msk [tilespmem:v11+s4+$0x0], $0xffff  }
0x7c: {  	v20 =	vshll.u32 v9, $0x7;
	v11 =	vor.u32 v0, v19  }
0x7d: {  	v9 =	vld.idx.msk [tilespmem:v12+s26+$0x0], $0xffff;
	v13 =	vor.u32 v0, v20  }
0x7e: {  	v14 =	vor.u32 v1, v17;
	v12 =	vld.idx.msk [tilespmem:v12+s28+$0x0], $0xffff  }
0x7f: {  	v15 =	vor.u32 v1, v18  }
0x80: {  	v8 =	vadd.f32 v10, v8  }
0x81: {  	s19 =	simm.s32 $0x16F70;
	v10 =	vld.idx.msk [tilespmem:v11+s4+$0x0], $0xffff  }
0x82: {  	v22 =	vshll.u32 v9, $0x7;
	v9 =	vld.idx.msk [tilespmem:v13+s18+$0x0], $0xffff;
	[tilespmem:s19+$0xFFFFFF00] =	vst v8  }
0x83: {  	v21 =	vshll.u32 v12, $0x7;
	v8 =	vor.u32 v0, v22;
	v11 =	vld.idx.msk [tilespmem:v14+s18+$0x0], $0xffff  }
0x84: {  	v12 =	vor.u32 v0, v21;
	v13 =	vld.idx.msk [tilespmem:v15+s4+$0x0], $0xffff  }
0x85: {  	s20 =	simm.s32 $0x1;
	v14 =	vor.u32 v1, v19  }
0x86: {  	v16 =	vor.u32 v1, v20;
	v15 =	vmov s20  }
0x87: {  	v15 =	vand.u32 $0xFFFFFFFD, v15;
	v9 =	vadd.f32 v9, v10;
	v10 =	vor.u32 v2, v17  }
0x88: {  	v23 =	vor.u32 v2, v18;
	v15 =	vbroadcast v15, $0x0;
	v8 =	vld.idx.msk [tilespmem:v8+s4+$0x0], $0xffff  }
0x89: {  	[tilespmem:s19+$0x0] =	vst v9;
	v9 =	vld.idx.msk [tilespmem:v12+s18+$0x0], $0xffff;
	v11 =	vadd.f32 v11, v13  }
0x8a: {  	v12 =	vld.idx.msk [tilespmem:v14+s4+$0x0], $0xffff  }
0x8b: {  	v13 =	vld.idx.msk [tilespmem:v16+s18+$0x0], $0xffff;
	[tilespmem:s19+$0xFFFFFF10] =	vst v11  }
0x8c: {  	v10 =	vld.idx.msk [tilespmem:v10+s18+$0x0], $0xffff  }
0x8d: {  	v11 =	vor.u32 v1, v22;
	v14 =	vld.idx.msk [tilespmem:v23+s4+$0x0], $0xffff  }
0x8e: {  	v16 =	vld.idx.msk [tilespmem:v15+s28+$0x0], $0xffff;
	v23 =	vor.u32 v1, v21  }
0x8f: {  	v25 =	vor.u32 v2, v20;
	v15 =	vld.idx.msk [tilespmem:v15+s26+$0x0], $0xffff;
	v8 =	vadd.f32 v9, v8  }
0x90: {  	v24 =	vor.u32 v3, v18  }
0x91: {  	v12 =	vadd.f32 v13, v12;
	v13 =	vor.u32 v3, v17;
	[tilespmem:s19+$0x80] =	vst v8  }
0x92: {  	v9 =	vor.u32 v2, v19;
	v11 =	vld.idx.msk [tilespmem:v11+s4+$0x0], $0xffff;
	v10 =	vadd.f32 v10, v14  }
0x93: {  	[tilespmem:s19+$0x10] =	vst v12;
	v8 =	vshll.u32 v16, $0x7;
	v14 =	vld.idx.msk [tilespmem:v23+s18+$0x0], $0xffff  }
0x94: {  	v23 =	vshll.u32 v15, $0x7;
	v25 =	vld.idx.msk [tilespmem:v25+s18+$0x0], $0xffff;
	v12 =	vor.u32 v0, v8;
	[tilespmem:s19+$0xFFFFFF20] =	vst v10  }
0x95: {  	v10 =	vor.u32 v0, v23;
	v15 =	vld.idx.msk [tilespmem:v24+s4+$0x0], $0xffff  }
0x96: {  	v16 =	vor.u32 v2, v22;
	v13 =	vld.idx.msk [tilespmem:v13+s18+$0x0], $0xffff  }
0x97: {  	v9 =	vld.idx.msk [tilespmem:v9+s4+$0x0], $0xffff;
	v24 =	vor.u32 v2, v21  }
0x98: {  	v11 =	vadd.f32 v14, v11  }
0x99: {  	v14 =	vor.u32 v4, v17;
	v12 =	vld.idx.msk [tilespmem:v12+s18+$0x0], $0xffff  }
0x9a: {  	v10 =	vld.idx.msk [tilespmem:v10+s4+$0x0], $0xffff;
	[tilespmem:s19+$0x90] =	vst v11;
	v11 =	vor.u32 v3, v20  }
0x9b: {  	v16 =	vld.idx.msk [tilespmem:v16+s4+$0x0], $0xffff;
	v13 =	vadd.f32 v13, v15;
	v15 =	vor.u32 v4, v18  }
0x9c: {  	v9 =	vadd.f32 v25, v9;
	v25 =	vor.u32 v3, v19;
	v24 =	vld.idx.msk [tilespmem:v24+s18+$0x0], $0xffff  }
0x9d: {  	s21 =	simm.s32 $0x4;
	v26 =	vor.u32 v1, v8;
	[tilespmem:s19+$0xFFFFFF30] =	vst v13  }
0x9e: {  	[tilespmem:s19+$0x20] =	vst v9;
	v13 =	vor.u32 v1, v23;
	v9 =	vld.idx.msk [tilespmem:v14+s18+$0x0], $0xffff;
	v14 =	vmov s21  }
0x9f: {  	v10 =	vadd.f32 v12, v10;
	v12 =	vor.u32 v3, v22;
	v11 =	vld.idx.msk [tilespmem:v11+s18+$0x0], $0xffff;
	v14 =	vand.u32 $0xFFFFFFFC, v14  }
0xa0: {  	v27 =	vor.u32 v3, v21;
	v15 =	vld.idx.msk [tilespmem:v15+s4+$0x0], $0xffff;
	v14 =	vbroadcast v14, $0x0  }
0xa1: {  	s22 =	simm.s32 $0x5;
	[tilespmem:s19+$0xFFFFFF80] =	vst v10;
	v10 =	vadd.f32 v24, v16;
	v16 =	vld.idx.msk [tilespmem:v25+s4+$0x0], $0xffff  }
0xa2: {  	v25 =	vmov s22;
	v24 =	vld.idx.msk [tilespmem:v26+s18+$0x0], $0xffff  }
0xa3: {  	v13 =	vld.idx.msk [tilespmem:v13+s4+$0x0], $0xffff;
	[tilespmem:s19+$0xA0] =	vst v10;
	v10 =	vand.u32 $0xFFFFFFFD, v25;
	v25 =	vor.u32 v5, v17  }
0xa4: {  	s23 =	simm.s32 $0x6;
	v26 =	vor.u32 v4, v20;
	v12 =	vld.idx.msk [tilespmem:v12+s4+$0x0], $0xffff;
	v10 =	vbroadcast v10, $0x0  }
0xa5: {  	v28 =	vmov s23;
	v9 =	vadd.f32 v9, v15;
	v15 =	vld.idx.msk [tilespmem:v27+s18+$0x0], $0xffff  }
0xa6: {  	v27 =	vand.u32 $0xFFFFFFFE, v28;
	v28 =	vld.idx.msk [tilespmem:v14+s28+$0x0], $0xffff;
	v11 =	vadd.f32 v11, v16  }
0xa7: {  	v16 =	vbroadcast v27, $0x0;
	v14 =	vld.idx.msk [tilespmem:v14+s26+$0x0], $0xffff;
	[tilespmem:s19+$0xFFFFFF40] =	vst v9;
	v9 =	vor.u32 v2, v8  }
0xa8: {  	v25 =	vld.idx.msk [tilespmem:v25+s18+$0x0], $0xffff;
	[tilespmem:s19+$0x30] =	vst v11  }
0xa9: {  	s29 =	simm.s32 $0x7;
	v11 =	vadd.f32 v24, v13;
	v24 =	vld.idx.msk [tilespmem:v26+s18+$0x0], $0xffff  }
0xaa: {  	v26 =	vmov s29;
	v13 =	vld.idx.msk [tilespmem:v10+s28+$0x0], $0xffff  }
0xab: {  	v27 =	vld.idx.msk [tilespmem:v10+s26+$0x0], $0xffff;
	[tilespmem:s19+$0xFFFFFF90] =	vst v11  }
0xac: {  	v10 =	vor.u32 v4, v19;
	v29 =	vld.idx.msk [tilespmem:v9+s18+$0x0], $0xffff  }
0xad: {  	v9 =	vshll.u32 v28, $0x7;
	v11 =	vld.idx.msk [tilespmem:v16+s26+$0x0], $0xffff;
	v28 =	vor.u32 v2, v23  }
0xae: {  	v31 =	vld.idx.msk [tilespmem:v16+s28+$0x0], $0xffff;
	v30 =	vor.u32 v0, v9  }
0xaf: {  	v33 =	vor.u32 v4, v22;
	v32 =	vld.idx.msk [tilespmem:v26+s26+$0x0], $0xffff  }
0xb0: {  	v34 =	vor.u32 v4, v21;
	v26 =	vld.idx.msk [tilespmem:v26+s28+$0x0], $0xffff;
	v16 =	vshll.u32 v13, $0x7  }
0xb1: {  	v13 =	vadd.f32 v15, v12;
	v35 =	vld.idx.msk [tilespmem:v10+s4+$0x0], $0xffff;
	v12 =	vshll.u32 v14, $0x7;
	v14 =	vor.u32 v5, v18  }
0xb2: {  	v15 =	vor.u32 v0, v16;
	v28 =	vld.idx.msk [tilespmem:v28+s4+$0x0], $0xffff  }
0xb3: {  	v36 =	vor.u32 v0, v12;
	[tilespmem:s19+$0xB0] =	vst v13;
	v11 =	vshll.u32 v11, $0x7;
	v30 =	vld.idx.msk [tilespmem:v30+s18+$0x0], $0xffff  }
0xb4: {  	v10 =	vshll.u32 v31, $0x7;
	v37 =	vor.u32 v0, v11;
	v31 =	vld.idx.msk [tilespmem:v33+s4+$0x0], $0xffff  }
0xb5: {  	v13 =	vshll.u32 v27, $0x7;
	v27 =	vor.u32 v0, v10;
	v49 =	vld.idx.msk [tilespmem:v34+s18+$0x0], $0xffff  }
0xb6: {  	v50 =	vor.u32 v0, v13;
	v39 =	vld.idx.msk [tilespmem:v14+s4+$0x0], $0xffff  }
0xb7: {  	v14 =	vor.u32 v3, v23;
	v38 =	vld.idx.msk [tilespmem:v15+s18+$0x0], $0xffff  }
0xb8: {  	v36 =	vld.idx.msk [tilespmem:v36+s4+$0x0], $0xffff;
	v15 =	vor.u32 v3, v8  }
0xb9: {  	v51 =	vor.u32 v5, v22;
	v28 =	vadd.f32 v29, v28;
	v29 =	vld.idx.msk [tilespmem:v37+s4+$0x0], $0xffff  }
0xba: {  	v40 =	vor.u32 v5, v21;
	v27 =	vld.idx.msk [tilespmem:v27+s18+$0x0], $0xffff  }
0xbb: {  	v48 =	vor.u32 v6, v18;
	v34 =	vld.idx.msk [tilespmem:v50+s4+$0x0], $0xffff;
	v31 =	vadd.f32 v49, v31;
	[tilespmem:s19+$0xFFFFFFA0] =	vst v28  }
0xbc: {  	v28 =	vor.u32 v5, v19;
	v41 =	vld.idx.msk [tilespmem:v14+s4+$0x0], $0xffff;
	v14 =	vadd.f32 v24, v35  }
0xbd: {  	v52 =	vor.u32 v1, v9;
	[tilespmem:s19+$0xC0] =	vst v31;
	v25 =	vadd.f32 v25, v39;
	v53 =	vld.idx.msk [tilespmem:v15+s18+$0x0], $0xffff  }
0xbe: {  	v24 =	vor.u32 v1, v12;
	v54 =	vld.idx.msk [tilespmem:v51+s4+$0x0], $0xffff;
	[tilespmem:s19+$0x40] =	vst v14  }
0xbf: {  	v31 =	vor.u32 v5, v20;
	v30 =	vadd.f32 v30, v36;
	v14 =	vshll.u32 v26, $0x7;
	v26 =	vld.idx.msk [tilespmem:v40+s18+$0x0], $0xffff;
	[tilespmem:s19+$0xFFFFFF50] =	vst v25  }
0xc0: {  	s20 =	simm.s32 $0x17170;
	v56 =	vor.u32 v1, v16;
	v34 =	vadd.f32 v38, v34;
	v38 =	vld.idx.msk [tilespmem:v48+s4+$0x0], $0xffff  }
0xc1: {  	v42 =	vor.u32 v1, v11;
	[tilespmem:s20+$0xFFFFFF00] =	vst v30;
	v28 =	vld.idx.msk [tilespmem:v28+s4+$0x0], $0xffff  }
0xc2: {  	v59 =	vor.u32 v1, v10;
	v15 =	vshll.u32 v32, $0x7;
	v33 =	vld.idx.msk [tilespmem:v52+s18+$0x0], $0xffff  }
0xc3: {  	v55 =	vor.u32 v0, v15;
	v27 =	vadd.f32 v27, v29;
	v24 =	vld.idx.msk [tilespmem:v24+s4+$0x0], $0xffff  }
0xc4: {  	v30 =	vor.u32 v0, v14;
	v31 =	vld.idx.msk [tilespmem:v31+s18+$0x0], $0xffff;
	[tilespmem:s20+$0xFFFFFF80] =	vst v34  }
0xc5: {  	v57 =	vor.u32 v4, v8;
	[tilespmem:s20+$0x0] =	vst v27;
	v32 =	vld.idx.msk [tilespmem:v56+s18+$0x0], $0xffff  }
0xc6: {  	v29 =	vor.u32 v4, v23;
	v63 =	vld.idx.msk [tilespmem:v42+s4+$0x0], $0xffff  }
0xc7: {  	v58 =	vor.u32 v6, v21;
	v35 =	vadd.f32 v53, v41;
	v34 =	vld.idx.msk [tilespmem:v59+s18+$0x0], $0xffff  }
0xc8: {  	v46 =	vor.u32 v6, v22;
	v36 =	vld.idx.msk [tilespmem:v55+s4+$0x0], $0xffff  }
0xc9: {  	v60 =	vor.u32 v6, v17;
	v26 =	vadd.f32 v26, v54;
	v30 =	vld.idx.msk [tilespmem:v30+s18+$0x0], $0xffff;
	[tilespmem:s19+$0xFFFFFFB0] =	vst v35  }
0xca: {  	v47 =	vor.u32 v1, v13;
	v61 =	vld.idx.msk [tilespmem:v57+s18+$0x0], $0xffff  }
0xcb: {  	[tilespmem:s19+$0xD0] =	vst v26;
	v26 =	vor.u32 v2, v9;
	v29 =	vld.idx.msk [tilespmem:v29+s4+$0x0], $0xffff  }
0xcc: {  	v62 =	vor.u32 v2, v12;
	v27 =	vld.idx.msk [tilespmem:v58+s18+$0x0], $0xffff;
	v24 =	vadd.f32 v33, v24  }
0xcd: {  	v45 =	vor.u32 v1, v15;
	v35 =	vld.idx.msk [tilespmem:v46+s4+$0x0], $0xffff  }
0xce: {  	v25 =	vor.u32 v1, v14;
	[tilespmem:s20+$0xFFFFFF10] =	vst v24;
	v24 =	vadd.f32 v30, v36;
	v30 =	vld.idx.msk [tilespmem:v60+s18+$0x0], $0xffff  }
0xcf: {  	v50 =	vor.u32 v2, v11;
	v36 =	vld.idx.msk [tilespmem:v47+s4+$0x0], $0xffff  }
0xd0: {  	v51 =	vor.u32 v2, v10;
	v26 =	vld.idx.msk [tilespmem:v26+s18+$0x0], $0xffff  }
0xd1: {  	v49 =	vor.u32 v5, v23;
	v34 =	vadd.f32 v34, v63;
	[tilespmem:s20+$0x80] =	vst v24;
	v24 =	vld.idx.msk [tilespmem:v62+s4+$0x0], $0xffff  }
0xd2: {  	v52 =	vor.u32 v5, v8;
	v29 =	vadd.f32 v61, v29;
	v33 =	vld.idx.msk [tilespmem:v45+s4+$0x0], $0xffff  }
0xd3: {  	v22 =	vor.u32 v7, v22;
	[tilespmem:s20+$0x10] =	vst v34;
	v25 =	vld.idx.msk [tilespmem:v25+s18+$0x0], $0xffff  }
0xd4: {  	v28 =	vadd.f32 v31, v28;
	v31 =	vld.idx.msk [tilespmem:v50+s4+$0x0], $0xffff;
	[tilespmem:s19+$0xFFFFFFC0] =	vst v29;
	v29 =	vor.u32 v6, v20  }
0xd5: {  	v53 =	vor.u32 v3, v12;
	v56 =	vld.idx.msk [tilespmem:v51+s18+$0x0], $0xffff;
	v27 =	vadd.f32 v27, v35  }
0xd6: {  	v55 =	vor.u32 v2, v15;
	v54 =	vld.idx.msk [tilespmem:v49+s4+$0x0], $0xffff  }
0xd7: {  	v57 =	vld.idx.msk [tilespmem:v52+s18+$0x0], $0xffff;
	[tilespmem:s19+$0xE0] =	vst v27;
	v24 =	vadd.f32 v26, v24;
	v26 =	vor.u32 v2, v14  }
0xd8: {  	[tilespmem:s19+$0x50] =	vst v28;
	v28 =	vor.u32 v3, v9;
	v22 =	vld.idx.msk [tilespmem:v22+s4+$0x0], $0xffff;
	v25 =	vadd.f32 v25, v33  }
0xd9: {  	v21 =	vor.u32 v7, v21;
	[tilespmem:s20+$0xFFFFFF20] =	vst v24;
	v24 =	vld.idx.msk [tilespmem:v29+s18+$0x0], $0xffff  }
0xda: {  	v18 =	vor.u32 v7, v18;
	[tilespmem:s20+$0x90] =	vst v25;
	v25 =	vld.idx.msk [tilespmem:v53+s4+$0x0], $0xffff  }
0xdb: {  	v17 =	vor.u32 v7, v17;
	v58 =	vld.idx.msk [tilespmem:v55+s4+$0x0], $0xffff  }
0xdc: {  	v29 =	vadd.f32 v30, v38;
	v30 =	vor.u32 v6, v19;
	v26 =	vld.idx.msk [tilespmem:v26+s18+$0x0], $0xffff  }
0xdd: {  	v27 =	vld.idx.msk [tilespmem:v28+s18+$0x0], $0xffff;
	v28 =	vor.u32 v6, v8  }
0xde: {  	v59 =	vor.u32 v6, v23;
	v21 =	vld.idx.msk [tilespmem:v21+s18+$0x0], $0xffff;
	[tilespmem:s19+$0xFFFFFF60] =	vst v29  }
0xdf: {  	v61 =	vor.u32 v3, v15;
	v29 =	vadd.f32 v57, v54;
	v60 =	vld.idx.msk [tilespmem:v18+s4+$0x0], $0xffff  }
0xe0: {  	v63 =	vor.u32 v4, v9;
	v34 =	vor.u32 v3, v10;
	v62 =	vld.idx.msk [tilespmem:v17+s18+$0x0], $0xffff  }
0xe1: {  	v17 =	vor.u32 v7, v23;
	[tilespmem:s19+$0xFFFFFFD0] =	vst v29;
	v29 =	vld.idx.msk [tilespmem:v30+s4+$0x0], $0xffff;
	v23 =	vadd.f32 v26, v58  }
0xe2: {  	v31 =	vadd.f32 v56, v31;
	v33 =	vor.u32 v4, v12;
	v26 =	vld.idx.msk [tilespmem:v28+s18+$0x0], $0xffff;
	v28 =	vadd.f32 v27, v25  }
0xe3: {  	v27 =	vld.idx.msk [tilespmem:v59+s4+$0x0], $0xffff;
	v25 =	vadd.f32 v32, v36;
	v32 =	vor.u32 v3, v11;
	[tilespmem:s20+$0xA0] =	vst v23  }
0xe4: {  	v20 =	vor.u32 v7, v20;
	v30 =	vor.u32 v7, v19;
	[tilespmem:s20+$0xFFFFFF30] =	vst v28;
	v28 =	vld.idx.msk [tilespmem:v61+s4+$0x0], $0xffff  }
0xe5: {  	s21 =	simm.s32 $0x8;
	[tilespmem:s20+$0x20] =	vst v31;
	v18 =	vor.u32 v7, v13;
	v23 =	vadd.f32 v62, v60;
	v31 =	vld.idx.msk [tilespmem:v63+s18+$0x0], $0xffff  }
.LBB2_4:
0xe6: {  	v19 =	vmov s21;
	p1 =	slt.u32 s21, $0x7C;
	v34 =	vld.idx.msk [tilespmem:v34+s18+$0x0], $0xffff;
	v24 =	vadd.f32 v24, v29;
	s2 =	smov.u32 s21;
	s21 =	sadd.s32 $0x4, s21  }
0xe7: {  	v19 =	vand.u32 $0xFFFFFFFC, v19;
	s3 =	sadd.s32 $0x1, s2;
	v29 =	vld.idx.msk [tilespmem:v33+s4+$0x0], $0xffff;
	v33 =	vor.u32 v3, v14;
	[tilespmem:s19+$0xFFFFFF70] =	vst v23;
	v23 =	vor.u32 v7, v8  }
0xe8: {  	v26 =	vadd.f32 v26, v27;
	v8 =	vmovc v16;
	v19 =	vbroadcast v19, $0x0;
	v35 =	vmov s3;
	v32 =	vld.idx.msk [tilespmem:v32+s4+$0x0], $0xffff;
	[tilespmem:s19+$0x60] =	vst v24  }
0xe9: {  	s3 =	sadd.s32 $0x2, s2;
	v21 =	vadd.f32 v21, v22;
	v16 =	vand.u32 $0xFFFFFFFD, v35;
	v24 =	vld.idx.msk [tilespmem:v30+s4+$0x0], $0xffff  }
0xea: {  	v22 =	vmov s3;
	v16 =	vbroadcast v16, $0x0;
	[tilespmem:s19+$0xFFFFFFE0] =	vst v26;
	v20 =	vld.idx.msk [tilespmem:v20+s18+$0x0], $0xffff  }
0xeb: {  	v22 =	vand.u32 $0xFFFFFFFE, v22;
	v26 =	vor.u32 v5, v9;
	v27 =	vld.idx.msk [tilespmem:v17+s4+$0x0], $0xffff;
	[tilespmem:s19+$0xF0] =	vst v21;
	v17 =	vmov v18  }
0xec: {  	v18 =	vbroadcast v22, $0x0;
	v21 =	vor.u32 v4, v10;
	v22 =	vld.idx.msk [tilespmem:v23+s18+$0x0], $0xffff  }
0xed: {  	v23 =	vadd.f32 v31, v29;
	v29 =	vld.idx.msk [tilespmem:v33+s18+$0x0], $0xffff  }
0xee: {  	v31 =	vadd.f32 v34, v32;
	v30 =	vld.idx.msk [tilespmem:v19+s28+$0x0], $0xffff  }
0xef: {  	v19 =	vld.idx.msk [tilespmem:v19+s26+$0x0], $0xffff;
	[tilespmem:s20+$0xFFFFFF40] =	vst v23;
	v23 =	vor.u32 v2, v8  }
0xf0: {  	v20 =	vadd.f32 v20, v24;
	v32 =	vld.idx.msk [tilespmem:v26+s18+$0x0], $0xffff;
	[tilespmem:s20+$0x30] =	vst v31  }
0xf1: {  	s2 =	sadd.s32 $0x3, s2;
	v24 =	vld.idx.msk [tilespmem:v21+s18+$0x0], $0xffff  }
0xf2: {  	v31 =	vmov s2;
	v21 =	vadd.f32 v22, v27;
	v26 =	vld.idx.msk [tilespmem:v16+s28+$0x0], $0xffff;
	[tilespmem:s19+$0x70] =	vst v20  }
0xf3: {  	v20 =	vld.idx.msk [tilespmem:v16+s26+$0x0], $0xffff;
	[tilespmem:s20+$0xFFFFFF90] =	vst v25;
	v16 =	vadd.f32 v29, v28  }
0xf4: {  	v27 =	vor.u32 v4, v11;
	v25 =	vld.idx.msk [tilespmem:v23+s18+$0x0], $0xffff;
	[tilespmem:s19+$0xFFFFFFF0] =	vst v21;
	s19 =	smov.u32 s20  }
0xf5: {  	v29 =	vor.u32 v2, v13;
	v21 =	vshll.u32 v30, $0x7;
	v28 =	vld.idx.msk [tilespmem:v18+s26+$0x0], $0xffff;
	[tilespmem:s20+$0xB0] =	vst v16  }
0xf6: {  	v30 =	vor.u32 v0, v21;
	v33 =	vld.idx.msk [tilespmem:v18+s28+$0x0], $0xffff  }
0xf7: {  	v35 =	vor.u32 v4, v15;
	v34 =	vld.idx.msk [tilespmem:v31+s26+$0x0], $0xffff  }
0xf8: {  	v36 =	vor.u32 v4, v14;
	v16 =	vshll.u32 v26, $0x7;
	v31 =	vld.idx.msk [tilespmem:v31+s28+$0x0], $0xffff  }
0xf9: {  	v22 =	vshll.u32 v19, $0x7;
	v23 =	vshll.u32 v20, $0x7;
	v37 =	vor.u32 v0, v16;
	v27 =	vld.idx.msk [tilespmem:v27+s4+$0x0], $0xffff  }
0xfa: {  	v38 =	vor.u32 v5, v12;
	v18 =	vor.u32 v7, v23;
	v29 =	vld.idx.msk [tilespmem:v29+s4+$0x0], $0xffff  }
0xfb: {  	v39 =	vor.u32 v0, v22;
	v20 =	vshll.u32 v28, $0x7;
	v30 =	vld.idx.msk [tilespmem:v30+s18+$0x0], $0xffff  }
0xfc: {  	v28 =	vor.u32 v0, v20;
	v19 =	vshll.u32 v33, $0x7;
	v33 =	vld.idx.msk [tilespmem:v35+s4+$0x0], $0xffff  }
0xfd: {  	v35 =	vor.u32 v0, v19;
	v26 =	vshll.u32 v34, $0x7;
	v34 =	vld.idx.msk [tilespmem:v36+s18+$0x0], $0xffff  }
0xfe: {  	v36 =	vor.u32 v0, v23;
	v37 =	vld.idx.msk [tilespmem:v37+s18+$0x0], $0xffff  }
0xff: {  	v40 =	vor.u32 v3, v13;
	v24 =	vadd.f32 v24, v27;
	v38 =	vld.idx.msk [tilespmem:v38+s4+$0x0], $0xffff  }
0x100: {  	v25 =	vadd.f32 v25, v29;
	v29 =	vor.u32 v3, v8;
	v27 =	vld.idx.msk [tilespmem:v39+s4+$0x0], $0xffff;
	v39 =	vor.u32 v1, v21  }
0x101: {  	v28 =	vld.idx.msk [tilespmem:v28+s4+$0x0], $0xffff;
	[tilespmem:s20+$0x40] =	vst v24;
	v24 =	vor.u32 v5, v15  }
0x102: {  	v41 =	vor.u32 v5, v14;
	s20 =	sadd.s32 $0x200, s20;
	v35 =	vld.idx.msk [tilespmem:v35+s18+$0x0], $0xffff  }
0x103: {  	v33 =	vadd.f32 v34, v33;
	v36 =	vld.idx.msk [tilespmem:v36+s4+$0x0], $0xffff;
	[tilespmem:s19+$0xFFFFFFA0] =	vst v25;
	v25 =	vor.u32 v5, v11  }
0x104: {  	v34 =	vor.u32 v1, v22;
	v40 =	vld.idx.msk [tilespmem:v40+s4+$0x0], $0xffff  }
0x105: {  	v42 =	vor.u32 v0, v26;
	v32 =	vadd.f32 v32, v38;
	v29 =	vld.idx.msk [tilespmem:v29+s18+$0x0], $0xffff;
	[tilespmem:s19+$0xC0] =	vst v33  }
0x106: {  	v30 =	vadd.f32 v30, v27;
	v33 =	vor.u32 v5, v10;
	v24 =	vld.idx.msk [tilespmem:v24+s4+$0x0], $0xffff  }
0x107: {  	v27 =	vshll.u32 v31, $0x7;
	[tilespmem:s19+$0xFFFFFF50] =	vst v32;
	v31 =	vld.idx.msk [tilespmem:v41+s18+$0x0], $0xffff  }
0x108: {  	v28 =	vadd.f32 v35, v28;
	[tilespmem:s20+$0xFFFFFF00] =	vst v30;
	v30 =	vor.u32 v0, v27;
	v25 =	vld.idx.msk [tilespmem:v25+s4+$0x0], $0xffff  }
0x109: {  	v35 =	vadd.f32 v37, v36;
	v36 =	vor.u32 v1, v16;
	v32 =	vld.idx.msk [tilespmem:v39+s18+$0x0], $0xffff  }
0x10a: {  	v34 =	vld.idx.msk [tilespmem:v34+s4+$0x0], $0xffff;
	[tilespmem:s20+$0x0] =	vst v28;
	v28 =	vor.u32 v4, v8  }
0x10b: {  	v38 =	vor.u32 v6, v14;
	v37 =	vor.u32 v1, v20;
	v29 =	vadd.f32 v29, v40;
	v33 =	vld.idx.msk [tilespmem:v33+s18+$0x0], $0xffff  }
0x10c: {  	v39 =	vor.u32 v1, v23;
	v40 =	vld.idx.msk [tilespmem:v42+s4+$0x0], $0xffff  }
0x10d: {  	v24 =	vadd.f32 v31, v24;
	[tilespmem:s20+$0xFFFFFF80] =	vst v35;
	v35 =	vor.u32 v1, v19;
	v30 =	vld.idx.msk [tilespmem:v30+s18+$0x0], $0xffff  }
0x10e: {  	v31 =	vld.idx.msk [tilespmem:v36+s18+$0x0], $0xffff;
	[tilespmem:s19+$0xFFFFFFB0] =	vst v29;
	v29 =	vor.u32 v4, v13  }
0x10f: {  	v36 =	vor.u32 v6, v9;
	v28 =	vld.idx.msk [tilespmem:v28+s18+$0x0], $0xffff;
	[tilespmem:s19+$0xD0] =	vst v24  }
0x110: {  	v41 =	vor.u32 v2, v21;
	v24 =	vor.u32 v2, v22;
	v38 =	vld.idx.msk [tilespmem:v38+s18+$0x0], $0xffff  }
0x111: {  	v32 =	vadd.f32 v32, v34;
	v25 =	vadd.f32 v33, v25;
	v34 =	vld.idx.msk [tilespmem:v37+s4+$0x0], $0xffff;
	v37 =	vor.u32 v1, v26  }
0x112: {  	v33 =	vld.idx.msk [tilespmem:v35+s18+$0x0], $0xffff;
	v35 =	vor.u32 v1, v27  }
0x113: {  	v30 =	vadd.f32 v30, v40;
	[tilespmem:s20+$0xFFFFFF10] =	vst v32;
	v29 =	vld.idx.msk [tilespmem:v29+s4+$0x0], $0xffff  }
0x114: {  	v32 =	vld.idx.msk [tilespmem:v36+s18+$0x0], $0xffff;
	[tilespmem:s19+$0x50] =	vst v25;
	v25 =	vor.u32 v6, v15  }
0x115: {  	v36 =	vld.idx.msk [tilespmem:v41+s18+$0x0], $0xffff;
	[tilespmem:s20+$0x80] =	vst v30  }
0x116: {  	v30 =	vor.u32 v6, v12;
	v24 =	vld.idx.msk [tilespmem:v24+s4+$0x0], $0xffff  }
0x117: {  	v40 =	vor.u32 v5, v13;
	v37 =	vld.idx.msk [tilespmem:v37+s4+$0x0], $0xffff  }
0x118: {  	v33 =	vadd.f32 v33, v34;
	v34 =	vor.u32 v2, v20;
	v35 =	vld.idx.msk [tilespmem:v35+s18+$0x0], $0xffff  }
0x119: {  	v41 =	vor.u32 v2, v19;
	v28 =	vadd.f32 v28, v29;
	v25 =	vld.idx.msk [tilespmem:v25+s4+$0x0], $0xffff  }
0x11a: {  	v29 =	vld.idx.msk [tilespmem:v39+s4+$0x0], $0xffff;
	[tilespmem:s20+$0x10] =	vst v33;
	v33 =	vor.u32 v5, v8  }
0x11b: {  	v30 =	vld.idx.msk [tilespmem:v30+s4+$0x0], $0xffff;
	[tilespmem:s19+$0xFFFFFFC0] =	vst v28;
	v28 =	vor.u32 v6, v10  }
0x11c: {  	v24 =	vadd.f32 v36, v24;
	v36 =	vor.u32 v3, v22;
	v39 =	vld.idx.msk [tilespmem:v40+s4+$0x0], $0xffff  }
0x11d: {  	v42 =	vor.u32 v2, v27;
	v40 =	vor.u32 v2, v26;
	v34 =	vld.idx.msk [tilespmem:v34+s4+$0x0], $0xffff  }
0x11e: {  	[tilespmem:s20+$0xFFFFFF20] =	vst v24;
	v41 =	vld.idx.msk [tilespmem:v41+s18+$0x0], $0xffff;
	v24 =	vadd.f32 v35, v37  }
0x11f: {  	v35 =	vor.u32 v3, v21;
	v37 =	vadd.f32 v38, v25;
	v33 =	vld.idx.msk [tilespmem:v33+s18+$0x0], $0xffff  }
0x120: {  	v25 =	vadd.f32 v31, v29;
	[tilespmem:s20+$0x90] =	vst v24;
	v24 =	vld.idx.msk [tilespmem:v28+s18+$0x0], $0xffff;
	v28 =	vor.u32 v7, v15;
	v15 =	vmov v26  }
0x121: {  	v29 =	vor.u32 v7, v12;
	v12 =	vmov v22;
	v26 =	vadd.f32 v32, v30;
	v31 =	vld.idx.msk [tilespmem:v36+s4+$0x0], $0xffff;
	[tilespmem:s19+$0xE0] =	vst v37  }
0x122: {  	v32 =	vor.u32 v7, v9;
	v9 =	vmov v21;
	v30 =	vld.idx.msk [tilespmem:v40+s4+$0x0], $0xffff  }
0x123: {  	v21 =	vld.idx.msk [tilespmem:v42+s18+$0x0], $0xffff;
	[tilespmem:s19+$0xFFFFFF60] =	vst v26;
	v26 =	vor.u32 v6, v11  }
0x124: {  	v36 =	vor.u32 v6, v8;
	v35 =	vld.idx.msk [tilespmem:v35+s18+$0x0], $0xffff  }
0x125: {  	v37 =	vor.u32 v6, v13;
	v13 =	vmov v23;
	v33 =	vadd.f32 v33, v39;
	v22 =	vld.idx.msk [tilespmem:v28+s4+$0x0], $0xffff  }
0x126: {  	v23 =	vadd.f32 v41, v34;
	v28 =	vor.u32 v7, v14;
	v14 =	vmov v27;
	v38 =	vld.idx.msk [tilespmem:v29+s4+$0x0], $0xffff  }
0x127: {  	v39 =	vor.u32 v3, v15;
	v40 =	vld.idx.msk [tilespmem:v32+s18+$0x0], $0xffff  }
0x128: {  	v41 =	vor.u32 v4, v9;
	[tilespmem:s19+$0xFFFFFFD0] =	vst v33;
	v29 =	vld.idx.msk [tilespmem:v26+s4+$0x0], $0xffff  }
.Ltmp1:
0x129: {  	v34 =	vor.u32 v3, v19;
	v21 =	vadd.f32 v21, v30;
	[tilespmem:s20+$0x20] =	vst v23;
	v26 =	vld.idx.msk [tilespmem:v36+s18+$0x0], $0xffff;
	(pc) =	sbr.rel @p1 .LBB2_4-.Ltmp1, $4  }
0x12a: {  	v33 =	vor.u32 v4, v12;
	v23 =	vadd.f32 v35, v31;
	v27 =	vld.idx.msk [tilespmem:v37+s4+$0x0], $0xffff  }
0x12b: {  	v32 =	vor.u32 v3, v20;
	[tilespmem:s20+$0xA0] =	vst v21;
	v21 =	vld.idx.msk [tilespmem:v28+s18+$0x0], $0xffff  }
0x12c: {  	v30 =	vor.u32 v7, v11;
	v11 =	vmov v20;
	[tilespmem:s20+$0xFFFFFF30] =	vst v23;
	v28 =	vld.idx.msk [tilespmem:v39+s4+$0x0], $0xffff  }
0x12d: {  	v20 =	vor.u32 v7, v10;
	v10 =	vmov v19;
	v23 =	vadd.f32 v40, v38;
	v31 =	vld.idx.msk [tilespmem:v41+s18+$0x0], $0xffff  }
0x12e: {  	v19 =	vor.u32 v2, v16  }
0x12f: {  	v35 =	vor.u32 v2, v13;
	_ =	sdelay $0x1  }
0x130: {  	v36 =	vor.u32 v3, v14  }
0x131: {  	[tilespmem:s20+$0xFFFFFF90] =	vst v25  }
0x132: {  	v19 =	vld.idx.msk [tilespmem:v19+s18+$0x0], $0xffff  }
0x133: {  	v25 =	vld.idx.msk [tilespmem:v35+s4+$0x0], $0xffff;
	_ =	sdelay $0x1  }
0x134: {  	v57 =	vld.idx.msk [tilespmem:v36+s18+$0x0], $0xffff  }
0x135: {  	v58 =	vor.u32 v3, v13  }
0x136: {  	v37 =	vor.u32 v3, v16  }
0x137: {  	v34 =	vld.idx.msk [tilespmem:v34+s18+$0x0], $0xffff;
	v38 =	vor.u32 v4, v15;
	v19 =	vadd.f32 v19, v25  }
0x138: {  	v59 =	vor.u32 v4, v14;
	v25 =	vld.idx.msk [tilespmem:v33+s4+$0x0], $0xffff  }
0x139: {  	v32 =	vld.idx.msk [tilespmem:v32+s4+$0x0], $0xffff;
	v28 =	vadd.f32 v57, v28;
	[tilespmem:s20+$0xFFFFFFA0] =	vst v19  }
0x13a: {  	v19 =	vld.idx.msk [tilespmem:v58+s4+$0x0], $0xffff  }
0x13b: {  	v60 =	vor.u32 v5, v9;
	[tilespmem:s20+$0xB0] =	vst v28;
	v28 =	vld.idx.msk [tilespmem:v37+s18+$0x0], $0xffff  }
0x13c: {  	v61 =	vor.u32 v4, v10;
	v62 =	vld.idx.msk [tilespmem:v38+s4+$0x0], $0xffff  }
0x13d: {  	v33 =	vld.idx.msk [tilespmem:v59+s18+$0x0], $0xffff;
	v25 =	vadd.f32 v31, v25;
	v31 =	vor.u32 v4, v11  }
0x13e: {  	v63 =	vor.u32 v4, v16;
	v32 =	vadd.f32 v34, v32  }
0x13f: {  	[tilespmem:s20+$0xFFFFFF40] =	vst v25;
	v25 =	vor.u32 v4, v13  }
0x140: {  	v40 =	vor.u32 v5, v15;
	[tilespmem:s20+$0x30] =	vst v32;
	v35 =	vld.idx.msk [tilespmem:v60+s18+$0x0], $0xffff;
	v19 =	vadd.f32 v28, v19  }
0x141: {  	v41 =	vor.u32 v5, v14;
	v28 =	vld.idx.msk [tilespmem:v61+s18+$0x0], $0xffff  }
0x142: {  	v42 =	vor.u32 v5, v12;
	v33 =	vadd.f32 v33, v62;
	v31 =	vld.idx.msk [tilespmem:v31+s4+$0x0], $0xffff;
	[tilespmem:s20+$0xFFFFFFB0] =	vst v19  }
0x143: {  	v19 =	vld.idx.msk [tilespmem:v63+s18+$0x0], $0xffff  }
0x144: {  	[tilespmem:s20+$0xC0] =	vst v33;
	v25 =	vld.idx.msk [tilespmem:v25+s4+$0x0], $0xffff  }
0x145: {  	v24 =	vadd.f32 v24, v29;
	v29 =	vor.u32 v5, v11;
	v32 =	vld.idx.msk [tilespmem:v40+s4+$0x0], $0xffff  }
0x146: {  	v43 =	vor.u32 v5, v10;
	v44 =	vld.idx.msk [tilespmem:v41+s18+$0x0], $0xffff  }
0x147: {  	[tilespmem:s19+$0x60] =	vst v24;
	v24 =	vld.idx.msk [tilespmem:v42+s4+$0x0], $0xffff;
	v28 =	vadd.f32 v28, v31;
	v31 =	vor.u32 v5, v13  }
0x148: {  	v45 =	vor.u32 v5, v16;
	v30 =	vld.idx.msk [tilespmem:v30+s4+$0x0], $0xffff  }
0x149: {  	v20 =	vld.idx.msk [tilespmem:v20+s18+$0x0], $0xffff;
	[tilespmem:s20+$0x40] =	vst v28;
	v28 =	vor.u32 v6, v14;
	v19 =	vadd.f32 v19, v25  }
0x14a: {  	v25 =	vld.idx.msk [tilespmem:v29+s4+$0x0], $0xffff;
	v29 =	vor.u32 v6, v9  }
0x14b: {  	v46 =	vor.u32 v6, v15;
	v32 =	vadd.f32 v44, v32;
	v33 =	vld.idx.msk [tilespmem:v43+s18+$0x0], $0xffff;
	[tilespmem:s20+$0xFFFFFFC0] =	vst v19  }
0x14c: {  	v19 =	vadd.f32 v35, v24;
	v31 =	vld.idx.msk [tilespmem:v31+s4+$0x0], $0xffff  }
0x14d: {  	[tilespmem:s20+$0xD0] =	vst v32;
	v24 =	vor.u32 v6, v12;
	v47 =	vld.idx.msk [tilespmem:v45+s18+$0x0], $0xffff  }
0x14e: {  	v26 =	vadd.f32 v26, v27;
	[tilespmem:s20+$0xFFFFFF50] =	vst v19;
	v19 =	vld.idx.msk [tilespmem:v28+s18+$0x0], $0xffff;
	v28 =	vor.u32 v6, v10  }
0x14f: {  	v27 =	vld.idx.msk [tilespmem:v29+s18+$0x0], $0xffff;
	v29 =	vor.u32 v6, v11  }
0x150: {  	v49 =	vor.u32 v6, v16;
	[tilespmem:s19+$0xFFFFFFE0] =	vst v26;
	v48 =	vld.idx.msk [tilespmem:v46+s4+$0x0], $0xffff;
	v25 =	vadd.f32 v33, v25  }
0x151: {  	v17 =	vld.idx.msk [tilespmem:v17+s4+$0x0], $0xffff;
	v13 =	vor.u32 v6, v13  }
0x152: {  	v8 =	vor.u32 v7, v8;
	v24 =	vld.idx.msk [tilespmem:v24+s4+$0x0], $0xffff;
	[tilespmem:s20+$0x50] =	vst v25;
	v25 =	vadd.f32 v47, v31  }
0x153: {  	v15 =	vor.u32 v7, v15;
	v26 =	vld.idx.msk [tilespmem:v28+s18+$0x0], $0xffff  }
0x154: {  	v14 =	vor.u32 v7, v14;
	[tilespmem:s20+$0xFFFFFFD0] =	vst v25;
	v25 =	vld.idx.msk [tilespmem:v29+s4+$0x0], $0xffff  }
0x155: {  	v12 =	vor.u32 v7, v12;
	v19 =	vadd.f32 v19, v48;
	v28 =	vld.idx.msk [tilespmem:v49+s18+$0x0], $0xffff  }
0x156: {  	v9 =	vor.u32 v7, v9;
	v13 =	vld.idx.msk [tilespmem:v13+s4+$0x0], $0xffff  }
0x157: {  	v8 =	vld.idx.msk [tilespmem:v8+s18+$0x0], $0xffff;
	v11 =	vor.u32 v7, v11;
	v24 =	vadd.f32 v27, v24;
	[tilespmem:s20+$0xE0] =	vst v19  }
0x158: {  	v10 =	vor.u32 v7, v10;
	v15 =	vld.idx.msk [tilespmem:v15+s4+$0x0], $0xffff  }
0x159: {  	v14 =	vld.idx.msk [tilespmem:v14+s18+$0x0], $0xffff;
	[tilespmem:s20+$0xFFFFFF60] =	vst v24;
	v19 =	vadd.f32 v26, v25  }
0x15a: {  	v16 =	vor.u32 v7, v16;
	v12 =	vld.idx.msk [tilespmem:v12+s4+$0x0], $0xffff  }
0x15b: {  	v9 =	vld.idx.msk [tilespmem:v9+s18+$0x0], $0xffff;
	v13 =	vadd.f32 v28, v13;
	[tilespmem:s20+$0x60] =	vst v19  }
0x15c: {  	v11 =	vld.idx.msk [tilespmem:v11+s4+$0x0], $0xffff  }
0x15d: {  	[tilespmem:s20+$0xFFFFFFE0] =	vst v13;
	v10 =	vld.idx.msk [tilespmem:v10+s18+$0x0], $0xffff  }
0x15e: {  	v13 =	vadd.f32 v21, v22;
	v18 =	vld.idx.msk [tilespmem:v18+s4+$0x0], $0xffff  }
0x15f: {  	s2 =	simm.s32 $0x82;
	[tilespmem:s19+$0xFFFFFF70] =	vst v23;
	v8 =	vadd.f32 v8, v17;
	v16 =	vld.idx.msk [tilespmem:v16+s18+$0x0], $0xffff  }
0x160: {  	v19 =	vadd.f32 v20, v30;
	[tilespmem:s19+$0xF0] =	vst v13;
	v13 =	vmov s2  }
0x161: {  	s29 =	simm.s32 $0x80;
	[tilespmem:s19+$0xFFFFFFF0] =	vst v8;
	v9 =	vadd.f32 v9, v12;
	v12 =	vand.u32 $0xFFFFFFFE, v13  }
0x162: {  	v8 =	vadd.f32 v14, v15;
	[tilespmem:s19+$0x70] =	vst v19;
	v13 =	vmov s29;
	v12 =	vbroadcast v12, $0x0  }
0x163: {  	[tilespmem:s20+$0xFFFFFF70] =	vst v9;
	v9 =	vadd.f32 v10, v11;
	v10 =	vand.u32 $0xFFFFFFFC, v13  }
0x164: {  	[tilespmem:s20+$0xF0] =	vst v8;
	v8 =	vadd.f32 v16, v18;
	v10 =	vbroadcast v10, $0x0  }
0x165: {  	[tilespmem:s20+$0x70] =	vst v9  }
0x166: {  	s23 =	simm.s32 $0x16E70;
	[tilespmem:s20+$0xFFFFFFF0] =	vst v8  }
0x167: {  	[hbm4b:s11+s4] =	stream.linear.scatter [tilespmem:s23], [sflag:$0x3], $0x4000, $0x38;
	[tilespmem:$0x1EE70] =	vst v63  }
0x168: {  	v8 =	vld.idx.msk [tilespmem:v12+s26+$0x0], $0xffff  }
0x169: {  	s3 =	simm.s32 $0x83;
	v9 =	vld.idx.msk [tilespmem:v12+s28+$0x0], $0xffff  }
0x16a: {  	v12 =	vmov s3;
	v11 =	vld.idx.msk [tilespmem:v10+s26+$0x0], $0xffff  }
0x16b: {  	v13 =	vld.idx.msk [tilespmem:v10+s28+$0x0], $0xffff;
	_ =	sdelay $0x1  }
0x16c: {  	v24 =	vshll.u32 v8, $0x7  }
0x16d: {  	v22 =	vshll.u32 v9, $0x7;
	v8 =	vor.u32 v0, v24  }
0x16e: {  	v14 =	vor.u32 v0, v22;
	v10 =	vshll.u32 v11, $0x7;
	v11 =	vld.idx.msk [tilespmem:v12+s26+$0x0], $0xffff  }
0x16f: {  	s19 =	simm.s32 $0x81;
	v15 =	vld.idx.msk [tilespmem:v12+s28+$0x0], $0xffff;
	v9 =	vshll.u32 v13, $0x7;
	v16 =	vor.u32 v0, v10  }
0x170: {  	v12 =	vmov s19;
	v13 =	vor.u32 v0, v9  }
0x171: {  	v12 =	vand.u32 $0xFFFFFFFD, v12  }
0x172: {  	v17 =	vbroadcast v12, $0x0;
	v8 =	vld.idx.msk [tilespmem:v8+s4+$0x0], $0xffff  }
0x173: {  	v12 =	vshll.u32 v11, $0x7;
	v11 =	vld.idx.msk [tilespmem:v14+s18+$0x0], $0xffff  }
0x174: {  	v21 =	vshll.u32 v15, $0x7;
	v14 =	vld.idx.msk [tilespmem:v16+s4+$0x0], $0xffff;
	v15 =	vor.u32 v0, v12  }
0x175: {  	v16 =	vor.u32 v0, v21;
	v13 =	vld.idx.msk [tilespmem:v13+s18+$0x0], $0xffff  }
0x176: {  	v18 =	vor.u32 v1, v24  }
0x177: {  	v19 =	vor.u32 v1, v22  }
0x178: {  	v20 =	vor.u32 v1, v10;
	v23 =	vld.idx.msk [tilespmem:v17+s26+$0x0], $0xffff;
	v8 =	vadd.f32 v11, v8  }
0x179: {  	s19 =	simm.s32 $0x1AE70;
	v11 =	vld.idx.msk [tilespmem:v15+s4+$0x0], $0xffff;
	v15 =	vor.u32 v1, v9  }
0x17a: {  	v16 =	vld.idx.msk [tilespmem:v16+s18+$0x0], $0xffff;
	v13 =	vadd.f32 v13, v14;
	[tilespmem:s19+$0x100] =	vst v8  }
0x17b: {  	v8 =	vld.idx.msk [tilespmem:v18+s4+$0x0], $0xffff  }
0x17c: {  	[tilespmem:s19+$0x0] =	vst v13;
	v13 =	vld.idx.msk [tilespmem:v19+s18+$0x0], $0xffff  }
0x17d: {  	v14 =	vor.u32 v1, v12;
	v18 =	vld.idx.msk [tilespmem:v20+s4+$0x0], $0xffff  }
0x17e: {  	v19 =	vor.u32 v1, v21;
	v15 =	vld.idx.msk [tilespmem:v15+s18+$0x0], $0xffff  }
0x17f: {  	v17 =	vld.idx.msk [tilespmem:v17+s28+$0x0], $0xffff;
	v11 =	vadd.f32 v16, v11;
	v16 =	vor.u32 v2, v24  }
0x180: {  	v20 =	vor.u32 v2, v22  }
0x181: {  	v25 =	vor.u32 v2, v9;
	[tilespmem:s19+$0x180] =	vst v11;
	v11 =	vadd.f32 v13, v8  }
0x182: {  	v13 =	vor.u32 v2, v10;
	v14 =	vld.idx.msk [tilespmem:v14+s4+$0x0], $0xffff  }
0x183: {  	v8 =	vshll.u32 v23, $0x7;
	v19 =	vld.idx.msk [tilespmem:v19+s18+$0x0], $0xffff;
	[tilespmem:s19+$0x110] =	vst v11;
	v15 =	vadd.f32 v15, v18  }
0x184: {  	v11 =	vshll.u32 v17, $0x7;
	v18 =	vor.u32 v0, v8;
	v16 =	vld.idx.msk [tilespmem:v16+s4+$0x0], $0xffff  }
0x185: {  	v17 =	vor.u32 v0, v11;
	[tilespmem:s19+$0x10] =	vst v15;
	v15 =	vld.idx.msk [tilespmem:v20+s18+$0x0], $0xffff  }
0x186: {  	v20 =	vor.u32 v2, v21;
	v23 =	vld.idx.msk [tilespmem:v25+s18+$0x0], $0xffff  }
0x187: {  	v25 =	vor.u32 v2, v12;
	v13 =	vld.idx.msk [tilespmem:v13+s4+$0x0], $0xffff  }
0x188: {  	s29 =	simm.s32 $0x85;
	v14 =	vadd.f32 v19, v14;
	v19 =	vor.u32 v3, v22  }
0x189: {  	v29 =	vmov s29;
	v26 =	vor.u32 v3, v24;
	v18 =	vld.idx.msk [tilespmem:v18+s4+$0x0], $0xffff  }
0x18a: {  	v29 =	vand.u32 $0xFFFFFFFD, v29;
	v17 =	vld.idx.msk [tilespmem:v17+s18+$0x0], $0xffff;
	[tilespmem:s19+$0x190] =	vst v14;
	v14 =	vor.u32 v3, v10;
	v15 =	vadd.f32 v15, v16  }
0x18b: {  	v29 =	vbroadcast v29, $0x0;
	v16 =	vld.idx.msk [tilespmem:v20+s18+$0x0], $0xffff;
	v20 =	vor.u32 v3, v9  }
0x18c: {  	v25 =	vld.idx.msk [tilespmem:v25+s4+$0x0], $0xffff;
	v13 =	vadd.f32 v23, v13;
	[tilespmem:s19+$0x120] =	vst v15  }
0x18d: {  	v23 =	vor.u32 v1, v11;
	v19 =	vld.idx.msk [tilespmem:v19+s18+$0x0], $0xffff  }
0x18e: {  	v15 =	vor.u32 v1, v8;
	[tilespmem:s19+$0x20] =	vst v13;
	v13 =	vld.idx.msk [tilespmem:v26+s4+$0x0], $0xffff  }
0x18f: {  	v17 =	vadd.f32 v17, v18;
	v18 =	vor.u32 v3, v12;
	v14 =	vld.idx.msk [tilespmem:v14+s4+$0x0], $0xffff  }
0x190: {  	s20 =	simm.s32 $0x84;
	v26 =	vor.u32 v3, v21;
	v20 =	vld.idx.msk [tilespmem:v20+s18+$0x0], $0xffff  }
0x191: {  	v52 =	vld.idx.msk [tilespmem:v29+s28+$0x0], $0xffff;
	[tilespmem:s19+$0x80] =	vst v17;
	v17 =	vmov s20;
	v16 =	vadd.f32 v16, v25;
	v25 =	vor.u32 v4, v24  }
0x192: {  	v27 =	vor.u32 v4, v22;
	v17 =	vand.u32 $0xFFFFFFFC, v17;
	v23 =	vld.idx.msk [tilespmem:v23+s18+$0x0], $0xffff  }
0x193: {  	s21 =	simm.s32 $0x86;
	v15 =	vld.idx.msk [tilespmem:v15+s4+$0x0], $0xffff;
	[tilespmem:s19+$0x1A0] =	vst v16;
	v16 =	vbroadcast v17, $0x0;
	v13 =	vadd.f32 v19, v13;
	v17 =	vor.u32 v4, v10  }
0x194: {  	v19 =	vmov s21;
	v18 =	vld.idx.msk [tilespmem:v18+s4+$0x0], $0xffff  }
0x195: {  	v19 =	vand.u32 $0xFFFFFFFE, v19;
	v26 =	vld.idx.msk [tilespmem:v26+s18+$0x0], $0xffff;
	[tilespmem:s19+$0x130] =	vst v13;
	v13 =	vadd.f32 v20, v14  }
0x196: {  	v14 =	vbroadcast v19, $0x0;
	v20 =	vor.u32 v4, v9;
	v19 =	vld.idx.msk [tilespmem:v25+s4+$0x0], $0xffff  }
0x197: {  	s22 =	simm.s32 $0x87;
	[tilespmem:s19+$0x30] =	vst v13;
	v13 =	vld.idx.msk [tilespmem:v27+s18+$0x0], $0xffff  }
0x198: {  	v27 =	vmov s22;
	v25 =	vld.idx.msk [tilespmem:v17+s4+$0x0], $0xffff  }
0x199: {  	v17 =	vld.idx.msk [tilespmem:v16+s26+$0x0], $0xffff  }
0x19a: {  	v28 =	vor.u32 v4, v21;
	v16 =	vld.idx.msk [tilespmem:v16+s28+$0x0], $0xffff  }
0x19b: {  	v20 =	vld.idx.msk [tilespmem:v20+s18+$0x0], $0xffff  }
0x19c: {  	v18 =	vadd.f32 v26, v18;
	v26 =	vor.u32 v4, v12;
	v30 =	vld.idx.msk [tilespmem:v14+s26+$0x0], $0xffff  }
0x19d: {  	v31 =	vor.u32 v5, v24;
	v13 =	vadd.f32 v13, v19;
	v19 =	vld.idx.msk [tilespmem:v27+s28+$0x0], $0xffff  }
0x19e: {  	v50 =	vor.u32 v5, v22;
	[tilespmem:s19+$0x1B0] =	vst v18;
	v18 =	vld.idx.msk [tilespmem:v27+s26+$0x0], $0xffff  }
0x19f: {  	v27 =	vld.idx.msk [tilespmem:v28+s18+$0x0], $0xffff;
	v28 =	vor.u32 v2, v11  }
0x1a0: {  	v51 =	vor.u32 v2, v8;
	v14 =	vld.idx.msk [tilespmem:v14+s28+$0x0], $0xffff  }
0x1a1: {  	v15 =	vadd.f32 v23, v15;
	v17 =	vshll.u32 v17, $0x7;
	[tilespmem:s19+$0x140] =	vst v13;
	v26 =	vld.idx.msk [tilespmem:v26+s4+$0x0], $0xffff  }
0x1a2: {  	v16 =	vshll.u32 v16, $0x7;
	v13 =	vor.u32 v0, v17;
	v31 =	vld.idx.msk [tilespmem:v31+s4+$0x0], $0xffff  }
0x1a3: {  	[tilespmem:s19+$0x90] =	vst v15;
	v23 =	vor.u32 v0, v16;
	v32 =	vld.idx.msk [tilespmem:v50+s18+$0x0], $0xffff  }
0x1a4: {  	v54 =	vor.u32 v5, v10;
	v20 =	vadd.f32 v20, v25;
	v28 =	vld.idx.msk [tilespmem:v28+s18+$0x0], $0xffff  }
0x1a5: {  	v25 =	vor.u32 v5, v12;
	v18 =	vshll.u32 v18, $0x7;
	v15 =	vshll.u32 v19, $0x7;
	v19 =	vld.idx.msk [tilespmem:v51+s4+$0x0], $0xffff  }
0x1a6: {  	[tilespmem:s19+$0x40] =	vst v20;
	v20 =	vld.idx.msk [tilespmem:v29+s26+$0x0], $0xffff;
	v55 =	vor.u32 v0, v18  }
0x1a7: {  	v56 =	vor.u32 v0, v15;
	v26 =	vadd.f32 v27, v26;
	v53 =	vld.idx.msk [tilespmem:v13+s4+$0x0], $0xffff  }
0x1a8: {  	v59 =	vor.u32 v6, v22;
	v14 =	vshll.u32 v14, $0x7;
	v23 =	vld.idx.msk [tilespmem:v23+s18+$0x0], $0xffff  }
0x1a9: {  	v27 =	vor.u32 v0, v14;
	v13 =	vshll.u32 v30, $0x7;
	v30 =	vld.idx.msk [tilespmem:v54+s4+$0x0], $0xffff;
	[tilespmem:s19+$0x1C0] =	vst v26  }
0x1aa: {  	v58 =	vor.u32 v3, v8;
	v31 =	vadd.f32 v32, v31;
	v25 =	vld.idx.msk [tilespmem:v25+s4+$0x0], $0xffff  }
0x1ab: {  	v29 =	vor.u32 v0, v13;
	v57 =	vld.idx.msk [tilespmem:v55+s4+$0x0], $0xffff  }
0x1ac: {  	v26 =	vor.u32 v6, v24;
	v19 =	vadd.f32 v28, v19;
	[tilespmem:s19+$0x150] =	vst v31;
	v33 =	vld.idx.msk [tilespmem:v56+s18+$0x0], $0xffff  }
0x1ad: {  	v60 =	vor.u32 v1, v17;
	v32 =	vld.idx.msk [tilespmem:v59+s18+$0x0], $0xffff  }
0x1ae: {  	v31 =	vor.u32 v1, v16;
	v27 =	vld.idx.msk [tilespmem:v27+s18+$0x0], $0xffff;
	[tilespmem:s19+$0xA0] =	vst v19  }
0x1af: {  	v28 =	vor.u32 v3, v11;
	v19 =	vshll.u32 v20, $0x7;
	v37 =	vld.idx.msk [tilespmem:v58+s4+$0x0], $0xffff;
	v23 =	vadd.f32 v23, v53  }
0x1b0: {  	s20 =	simm.s32 $0x1B070;
	v61 =	vor.u32 v0, v19;
	v29 =	vld.idx.msk [tilespmem:v29+s4+$0x0], $0xffff  }
0x1b1: {  	v49 =	vor.u32 v5, v21;
	v26 =	vld.idx.msk [tilespmem:v26+s4+$0x0], $0xffff;
	[tilespmem:s20+$0x0] =	vst v23  }
0x1b2: {  	v20 =	vor.u32 v1, v18;
	v38 =	vld.idx.msk [tilespmem:v60+s4+$0x0], $0xffff  }
0x1b3: {  	v39 =	vor.u32 v1, v15;
	v31 =	vld.idx.msk [tilespmem:v31+s18+$0x0], $0xffff  }
0x1b4: {  	v28 =	vld.idx.msk [tilespmem:v28+s18+$0x0], $0xffff;
	v23 =	vor.u32 v1, v13;
	v33 =	vadd.f32 v33, v57  }
0x1b5: {  	v62 =	vor.u32 v1, v14;
	v44 =	vld.idx.msk [tilespmem:v61+s4+$0x0], $0xffff  }
0x1b6: {  	v51 =	vor.u32 v2, v17;
	[tilespmem:s20+$0x180] =	vst v33;
	v33 =	vld.idx.msk [tilespmem:v49+s18+$0x0], $0xffff;
	v27 =	vadd.f32 v27, v29  }
0x1b7: {  	v63 =	vor.u32 v4, v8;
	v29 =	vld.idx.msk [tilespmem:v20+s4+$0x0], $0xffff;
	v20 =	vshll.u32 v52, $0x7  }
0x1b8: {  	v46 =	vld.idx.msk [tilespmem:v39+s18+$0x0], $0xffff;
	v45 =	vor.u32 v0, v20;
	[tilespmem:s20+$0x100] =	vst v27;
	v31 =	vadd.f32 v31, v38  }
0x1b9: {  	v47 =	vor.u32 v4, v11;
	v40 =	vld.idx.msk [tilespmem:v23+s4+$0x0], $0xffff;
	v23 =	vadd.f32 v28, v37  }
0x1ba: {  	v27 =	vor.u32 v5, v9;
	v28 =	vld.idx.msk [tilespmem:v62+s18+$0x0], $0xffff;
	[tilespmem:s20+$0x10] =	vst v31  }
0x1bb: {  	[tilespmem:s19+$0xB0] =	vst v23;
	v23 =	vadd.f32 v32, v26;
	v26 =	vor.u32 v2, v16;
	v55 =	vld.idx.msk [tilespmem:v51+s4+$0x0], $0xffff  }
0x1bc: {  	v22 =	vor.u32 v7, v22;
	v48 =	vld.idx.msk [tilespmem:v63+s4+$0x0], $0xffff  }
0x1bd: {  	v58 =	vor.u32 v6, v21;
	v35 =	vld.idx.msk [tilespmem:v45+s18+$0x0], $0xffff  }
0x1be: {  	v50 =	vor.u32 v2, v13;
	v31 =	vld.idx.msk [tilespmem:v47+s18+$0x0], $0xffff  }
0x1bf: {  	v53 =	vor.u32 v2, v14;
	v25 =	vadd.f32 v33, v25;
	v27 =	vld.idx.msk [tilespmem:v27+s18+$0x0], $0xffff  }
0x1c0: {  	[tilespmem:s19+$0x160] =	vst v23;
	v28 =	vadd.f32 v28, v40;
	v52 =	vld.idx.msk [tilespmem:v26+s18+$0x0], $0xffff;
	v26 =	vor.u32 v2, v18  }
0x1c1: {  	[tilespmem:s19+$0x1D0] =	vst v25;
	v23 =	vld.idx.msk [tilespmem:v22+s18+$0x0], $0xffff;
	v22 =	vor.u32 v2, v15  }
0x1c2: {  	v60 =	vor.u32 v1, v20;
	v29 =	vadd.f32 v46, v29;
	v41 =	vld.idx.msk [tilespmem:v58+s18+$0x0], $0xffff;
	[tilespmem:s20+$0x110] =	vst v28  }
0x1c3: {  	v56 =	vor.u32 v6, v10;
	v28 =	vor.u32 v1, v19;
	v54 =	vld.idx.msk [tilespmem:v50+s4+$0x0], $0xffff  }
0x1c4: {  	[tilespmem:s20+$0x190] =	vst v29;
	v34 =	vadd.f32 v35, v44;
	v27 =	vadd.f32 v27, v30;
	v30 =	vld.idx.msk [tilespmem:v53+s18+$0x0], $0xffff  }
0x1c5: {  	v57 =	vld.idx.msk [tilespmem:v26+s4+$0x0], $0xffff;
	v26 =	vadd.f32 v31, v48;
	v31 =	vor.u32 v6, v12  }
0x1c6: {  	v29 =	vor.u32 v5, v11;
	v22 =	vld.idx.msk [tilespmem:v22+s18+$0x0], $0xffff;
	[tilespmem:s20+$0x80] =	vst v34  }
0x1c7: {  	v59 =	vor.u32 v5, v8;
	v32 =	vld.idx.msk [tilespmem:v60+s18+$0x0], $0xffff  }
0x1c8: {  	[tilespmem:s19+$0x50] =	vst v27;
	v27 =	vor.u32 v3, v17;
	v28 =	vld.idx.msk [tilespmem:v28+s4+$0x0], $0xffff  }
0x1c9: {  	v61 =	vor.u32 v3, v14;
	v25 =	vadd.f32 v52, v55;
	[tilespmem:s19+$0xC0] =	vst v26;
	v26 =	vld.idx.msk [tilespmem:v56+s4+$0x0], $0xffff  }
0x1ca: {  	v62 =	vld.idx.msk [tilespmem:v31+s4+$0x0], $0xffff;
	v31 =	vor.u32 v3, v18  }
0x1cb: {  	v42 =	vor.u32 v3, v13;
	[tilespmem:s20+$0x20] =	vst v25;
	v25 =	vadd.f32 v30, v54;
	v29 =	vld.idx.msk [tilespmem:v29+s18+$0x0], $0xffff  }
0x1cc: {  	v38 =	vor.u32 v6, v9;
	v34 =	vld.idx.msk [tilespmem:v59+s4+$0x0], $0xffff;
	v63 =	vadd.f32 v22, v57  }
0x1cd: {  	v37 =	vor.u32 v7, v24;
	v27 =	vld.idx.msk [tilespmem:v27+s4+$0x0], $0xffff;
	[tilespmem:s20+$0x120] =	vst v25  }
0x1ce: {  	v35 =	vor.u32 v3, v16;
	v30 =	vld.idx.msk [tilespmem:v61+s18+$0x0], $0xffff;
	[tilespmem:s20+$0x1A0] =	vst v63  }
0x1cf: {  	v36 =	vor.u32 v6, v8;
	v33 =	vor.u32 v6, v11;
	v25 =	vor.u32 v2, v20;
	v24 =	vld.idx.msk [tilespmem:v31+s4+$0x0], $0xffff  }
0x1d0: {  	s21 =	simm.s32 $0x4;
	v22 =	vor.u32 v7, v21;
	v21 =	vor.u32 v7, v15;
	v31 =	vld.idx.msk [tilespmem:v42+s4+$0x0], $0xffff;
	v39 =	vadd.f32 v41, v62  }
.LBB2_6:
0x1d1: {  	s2 =	sadd.s32 $0x84, s21;
	s3 =	sadd.s32 $0x85, s21;
	s22 =	sadd.s32 $0x86, s21;
	v40 =	vor.u32 v3, v15;
	v38 =	vld.idx.msk [tilespmem:v38+s18+$0x0], $0xffff;
	v29 =	vadd.f32 v29, v34;
	v34 =	vor.u32 v7, v12  }
0x1d2: {  	v43 =	vor.u32 v4, v13;
	v12 =	vmovc v18;
	v41 =	vmov s2;
	v42 =	vmov s3;
	v37 =	vld.idx.msk [tilespmem:v37+s4+$0x0], $0xffff;
	[tilespmem:s19+$0x1E0] =	vst v39;
	s2 =	smov.u32 s21;
	s21 =	sadd.s32 $0x4, s21  }
0x1d3: {  	v18 =	vand.u32 $0xFFFFFFFC, v41;
	v39 =	vand.u32 $0xFFFFFFFD, v42;
	v41 =	vmov s22;
	p1 =	slt.u32 s21, $0x7C;
	v35 =	vld.idx.msk [tilespmem:v35+s18+$0x0], $0xffff;
	[tilespmem:s19+$0xD0] =	vst v29  }
0x1d4: {  	v28 =	vadd.f32 v32, v28;
	v18 =	vbroadcast v18, $0x0;
	v29 =	vand.u32 $0xFFFFFFFE, v41;
	v32 =	vld.idx.msk [tilespmem:v36+s4+$0x0], $0xffff  }
0x1d5: {  	v36 =	vbroadcast v39, $0x0;
	v39 =	vor.u32 v7, v10;
	v10 =	vmovc v17;
	v29 =	vbroadcast v29, $0x0;
	v33 =	vld.idx.msk [tilespmem:v33+s18+$0x0], $0xffff  }
0x1d6: {  	v17 =	vadd.f32 v30, v31;
	v30 =	vor.u32 v7, v9;
	v31 =	vor.u32 v7, v11;
	v41 =	vld.idx.msk [tilespmem:v22+s18+$0x0], $0xffff  }
0x1d7: {  	v9 =	vmov v16;
	v38 =	vadd.f32 v38, v26;
	[tilespmem:s20+$0x90] =	vst v28;
	v28 =	vor.u32 v4, v14;
	v40 =	vld.idx.msk [tilespmem:v40+s18+$0x0], $0xffff  }
0x1d8: {  	v16 =	vor.u32 v4, v10;
	v22 =	vmov v21;
	[tilespmem:s20+$0x130] =	vst v17;
	v17 =	vadd.f32 v23, v37;
	v23 =	vld.idx.msk [tilespmem:v34+s4+$0x0], $0xffff  }
0x1d9: {  	v21 =	vadd.f32 v35, v27;
	v27 =	vor.u32 v7, v8;
	v8 =	vmov v19;
	v26 =	vld.idx.msk [tilespmem:v43+s4+$0x0], $0xffff;
	[tilespmem:s19+$0x60] =	vst v38  }
0x1da: {  	v11 =	vmov v20;
	v19 =	vld.idx.msk [tilespmem:v39+s4+$0x0], $0xffff;
	[tilespmem:s19+$0x170] =	vst v17  }
0x1db: {  	v20 =	vadd.f32 v33, v32;
	[tilespmem:s20+$0x30] =	vst v21;
	v17 =	vld.idx.msk [tilespmem:v30+s18+$0x0], $0xffff  }
0x1dc: {  	v21 =	vld.idx.msk [tilespmem:v28+s18+$0x0], $0xffff  }
0x1dd: {  	v28 =	vld.idx.msk [tilespmem:v16+s4+$0x0], $0xffff;
	v16 =	vor.u32 v4, v9;
	[tilespmem:s19+$0xE0] =	vst v20  }
0x1de: {  	v23 =	vadd.f32 v41, v23;
	v20 =	vld.idx.msk [tilespmem:v31+s18+$0x0], $0xffff  }
0x1df: {  	s2 =	sadd.s32 $0x87, s2;
	v27 =	vld.idx.msk [tilespmem:v27+s4+$0x0], $0xffff  }
0x1e0: {  	v31 =	vmov s2;
	v30 =	vld.idx.msk [tilespmem:v18+s26+$0x0], $0xffff;
	[tilespmem:s19+$0x1F0] =	vst v23  }
0x1e1: {  	v23 =	vadd.f32 v40, v24;
	v17 =	vadd.f32 v17, v19;
	v18 =	vld.idx.msk [tilespmem:v18+s28+$0x0], $0xffff  }
0x1e2: {  	v19 =	vld.idx.msk [tilespmem:v16+s18+$0x0], $0xffff;
	v16 =	vadd.f32 v21, v26;
	v21 =	vor.u32 v4, v15  }
0x1e3: {  	v26 =	vor.u32 v5, v13;
	v24 =	vld.idx.msk [tilespmem:v29+s26+$0x0], $0xffff;
	[tilespmem:s20+$0x1B0] =	vst v23  }
0x1e4: {  	v23 =	vld.idx.msk [tilespmem:v29+s28+$0x0], $0xffff;
	[tilespmem:s20+$0x140] =	vst v16;
	v29 =	vor.u32 v4, v12  }
0x1e5: {  	v33 =	vor.u32 v5, v14;
	v20 =	vadd.f32 v20, v27;
	v32 =	vld.idx.msk [tilespmem:v31+s28+$0x0], $0xffff;
	[tilespmem:s19+$0x70] =	vst v17  }
0x1e6: {  	v17 =	vshll.u32 v30, $0x7;
	v27 =	vld.idx.msk [tilespmem:v31+s26+$0x0], $0xffff  }
0x1e7: {  	v30 =	vor.u32 v0, v17;
	v16 =	vshll.u32 v18, $0x7;
	v31 =	vld.idx.msk [tilespmem:v21+s18+$0x0], $0xffff;
	[tilespmem:s19+$0xF0] =	vst v20;
	s19 =	smov.u32 s20  }
0x1e8: {  	v18 =	vadd.f32 v19, v28;
	v19 =	vld.idx.msk [tilespmem:v26+s4+$0x0], $0xffff  }
0x1e9: {  	v20 =	vor.u32 v2, v8;
	v28 =	vld.idx.msk [tilespmem:v29+s4+$0x0], $0xffff  }
0x1ea: {  	v29 =	vor.u32 v0, v16;
	v23 =	vshll.u32 v23, $0x7;
	[tilespmem:s20+$0x40] =	vst v18;
	v33 =	vld.idx.msk [tilespmem:v33+s18+$0x0], $0xffff  }
0x1eb: {  	v34 =	vld.idx.msk [tilespmem:v36+s28+$0x0], $0xffff  }
0x1ec: {  	v26 =	vshll.u32 v32, $0x7;
	v18 =	vshll.u32 v27, $0x7;
	v27 =	vor.u32 v5, v10;
	v30 =	vld.idx.msk [tilespmem:v30+s4+$0x0], $0xffff  }
0x1ed: {  	v35 =	vor.u32 v0, v26;
	v21 =	vor.u32 v7, v26;
	v32 =	vor.u32 v0, v18;
	v25 =	vld.idx.msk [tilespmem:v25+s18+$0x0], $0xffff  }
0x1ee: {  	v37 =	vor.u32 v5, v12;
	s20 =	sadd.s32 $0x200, s20;
	v20 =	vld.idx.msk [tilespmem:v20+s4+$0x0], $0xffff  }
0x1ef: {  	v24 =	vshll.u32 v24, $0x7;
	v29 =	vld.idx.msk [tilespmem:v29+s18+$0x0], $0xffff  }
0x1f0: {  	v38 =	vor.u32 v1, v17;
	v39 =	vor.u32 v0, v24;
	v28 =	vadd.f32 v31, v28;
	v36 =	vld.idx.msk [tilespmem:v36+s26+$0x0], $0xffff  }
0x1f1: {  	v31 =	vor.u32 v0, v23;
	v19 =	vadd.f32 v33, v19;
	v27 =	vld.idx.msk [tilespmem:v27+s4+$0x0], $0xffff  }
0x1f2: {  	v33 =	vor.u32 v3, v8;
	v32 =	vld.idx.msk [tilespmem:v32+s4+$0x0], $0xffff;
	[tilespmem:s19+$0x1C0] =	vst v28  }
0x1f3: {  	v28 =	vor.u32 v6, v13;
	[tilespmem:s19+$0x150] =	vst v19;
	v37 =	vld.idx.msk [tilespmem:v37+s4+$0x0], $0xffff  }
0x1f4: {  	v19 =	vadd.f32 v25, v20;
	v20 =	vor.u32 v3, v11;
	v35 =	vld.idx.msk [tilespmem:v35+s18+$0x0], $0xffff  }
0x1f5: {  	v25 =	vadd.f32 v29, v30;
	v30 =	vor.u32 v6, v14;
	v29 =	vld.idx.msk [tilespmem:v39+s4+$0x0], $0xffff  }
0x1f6: {  	v31 =	vld.idx.msk [tilespmem:v31+s18+$0x0], $0xffff;
	[tilespmem:s19+$0xA0] =	vst v19  }
0x1f7: {  	v39 =	vor.u32 v1, v26;
	[tilespmem:s20+$0x0] =	vst v25;
	v25 =	vor.u32 v1, v16;
	v33 =	vld.idx.msk [tilespmem:v33+s4+$0x0], $0xffff  }
0x1f8: {  	v19 =	vshll.u32 v36, $0x7;
	v36 =	vor.u32 v1, v18;
	v28 =	vld.idx.msk [tilespmem:v28+s4+$0x0], $0xffff  }
0x1f9: {  	v41 =	vor.u32 v1, v24;
	v40 =	vor.u32 v0, v19;
	v42 =	vld.idx.msk [tilespmem:v20+s18+$0x0], $0xffff  }
0x1fa: {  	v43 =	vor.u32 v2, v17;
	v44 =	vor.u32 v1, v23;
	v20 =	vadd.f32 v35, v32;
	v30 =	vld.idx.msk [tilespmem:v30+s18+$0x0], $0xffff  }
0x1fb: {  	v32 =	vld.idx.msk [tilespmem:v38+s4+$0x0], $0xffff  }
0x1fc: {  	v29 =	vadd.f32 v31, v29;
	v25 =	vld.idx.msk [tilespmem:v25+s18+$0x0], $0xffff;
	[tilespmem:s20+$0x180] =	vst v20  }
0x1fd: {  	v20 =	vshll.u32 v34, $0x7;
	v34 =	vor.u32 v4, v8;
	v31 =	vld.idx.msk [tilespmem:v36+s4+$0x0], $0xffff  }
0x1fe: {  	v36 =	vor.u32 v0, v20;
	v35 =	vld.idx.msk [tilespmem:v40+s4+$0x0], $0xffff;
	[tilespmem:s20+$0x100] =	vst v29;
	v29 =	vor.u32 v5, v9  }
0x1ff: {  	v33 =	vadd.f32 v42, v33;
	v38 =	vld.idx.msk [tilespmem:v41+s4+$0x0], $0xffff  }
0x200: {  	v28 =	vadd.f32 v30, v28;
	v30 =	vor.u32 v7, v14;
	v14 =	vmov v23;
	v40 =	vld.idx.msk [tilespmem:v44+s18+$0x0], $0xffff  }
0x201: {  	v41 =	vor.u32 v2, v26;
	v39 =	vld.idx.msk [tilespmem:v39+s18+$0x0], $0xffff;
	[tilespmem:s19+$0xB0] =	vst v33;
	v33 =	vor.u32 v4, v11  }
0x202: {  	v23 =	vadd.f32 v25, v32;
	v25 =	vor.u32 v2, v16;
	v32 =	vld.idx.msk [tilespmem:v34+s4+$0x0], $0xffff;
	[tilespmem:s19+$0x160] =	vst v28  }
0x203: {  	v28 =	vld.idx.msk [tilespmem:v29+s18+$0x0], $0xffff;
	v29 =	vor.u32 v5, v15  }
0x204: {  	[tilespmem:s20+$0x10] =	vst v23;
	v34 =	vld.idx.msk [tilespmem:v36+s18+$0x0], $0xffff;
	v36 =	vor.u32 v2, v24  }
0x205: {  	v42 =	vor.u32 v2, v14;
	v23 =	vld.idx.msk [tilespmem:v30+s18+$0x0], $0xffff  }
0x206: {  	v30 =	vadd.f32 v40, v38;
	v33 =	vld.idx.msk [tilespmem:v33+s18+$0x0], $0xffff  }
0x207: {  	v40 =	vor.u32 v1, v20;
	v38 =	vor.u32 v2, v18;
	v31 =	vadd.f32 v39, v31;
	v25 =	vld.idx.msk [tilespmem:v25+s18+$0x0], $0xffff  }
0x208: {  	v39 =	vor.u32 v1, v19;
	[tilespmem:s20+$0x110] =	vst v30;
	v29 =	vld.idx.msk [tilespmem:v29+s18+$0x0], $0xffff  }
0x209: {  	v27 =	vadd.f32 v28, v27;
	v30 =	vld.idx.msk [tilespmem:v36+s4+$0x0], $0xffff;
	[tilespmem:s20+$0x190] =	vst v31  }
0x20a: {  	v28 =	vadd.f32 v34, v35;
	v34 =	vor.u32 v5, v11;
	v31 =	vld.idx.msk [tilespmem:v43+s4+$0x0], $0xffff  }
0x20b: {  	v35 =	vld.idx.msk [tilespmem:v41+s18+$0x0], $0xffff;
	[tilespmem:s19+$0x50] =	vst v27;
	v27 =	vor.u32 v6, v10  }
0x20c: {  	v32 =	vadd.f32 v33, v32;
	v33 =	vor.u32 v6, v12;
	[tilespmem:s20+$0x80] =	vst v28;
	v36 =	vld.idx.msk [tilespmem:v38+s4+$0x0], $0xffff  }
0x20d: {  	v41 =	vor.u32 v6, v15;
	v15 =	vmov v26;
	v38 =	vld.idx.msk [tilespmem:v42+s18+$0x0], $0xffff  }
0x20e: {  	v37 =	vadd.f32 v29, v37;
	v28 =	vld.idx.msk [tilespmem:v39+s4+$0x0], $0xffff;
	[tilespmem:s19+$0xC0] =	vst v32;
	v32 =	vor.u32 v5, v8  }
0x20f: {  	v39 =	vor.u32 v3, v17;
	v29 =	vld.idx.msk [tilespmem:v34+s18+$0x0], $0xffff  }
0x210: {  	v25 =	vadd.f32 v25, v31;
	v26 =	vld.idx.msk [tilespmem:v27+s4+$0x0], $0xffff;
	[tilespmem:s19+$0x1D0] =	vst v37  }
0x211: {  	v31 =	vor.u32 v3, v14;
	v42 =	vld.idx.msk [tilespmem:v33+s4+$0x0], $0xffff  }
0x212: {  	v43 =	vor.u32 v3, v24;
	v33 =	vor.u32 v3, v18;
	[tilespmem:s20+$0x20] =	vst v25;
	v41 =	vld.idx.msk [tilespmem:v41+s18+$0x0], $0xffff  }
0x213: {  	v36 =	vadd.f32 v35, v36;
	v25 =	vor.u32 v2, v20;
	v30 =	vadd.f32 v38, v30;
	v34 =	vld.idx.msk [tilespmem:v32+s4+$0x0], $0xffff  }
.Ltmp2:
0x214: {  	v38 =	vor.u32 v6, v9;
	v27 =	vld.idx.msk [tilespmem:v39+s4+$0x0], $0xffff;
	(pc) =	sbr.rel @p1 .LBB2_6-.Ltmp2, $4  }
0x215: {  	v37 =	vor.u32 v7, v13;
	v13 =	vmov v24;
	v32 =	vld.idx.msk [tilespmem:v40+s18+$0x0], $0xffff;
	[tilespmem:s20+$0x120] =	vst v30  }
0x216: {  	v35 =	vor.u32 v3, v16;
	v30 =	vld.idx.msk [tilespmem:v31+s18+$0x0], $0xffff;
	[tilespmem:s20+$0x1A0] =	vst v36  }
0x217: {  	v36 =	vor.u32 v6, v8;
	v24 =	vld.idx.msk [tilespmem:v33+s4+$0x0], $0xffff;
	v33 =	vor.u32 v6, v11  }
0x218: {  	v39 =	vadd.f32 v41, v42;
	v31 =	vld.idx.msk [tilespmem:v43+s4+$0x0], $0xffff  }
0x219: {  	_ = 	snop  }
0x21a: {  	v40 =	vor.u32 v2, v19  }
0x21b: {  	v28 =	vadd.f32 v32, v28;
	_ =	sdelay $0x1  }
0x21c: {  	v51 =	vld.idx.msk [tilespmem:v38+s18+$0x0], $0xffff;
	[tilespmem:s20+$0x90] =	vst v28  }
0x21d: {  	v25 =	vld.idx.msk [tilespmem:v25+s18+$0x0], $0xffff  }
0x21e: {  	v28 =	vor.u32 v3, v15;
	v52 =	vld.idx.msk [tilespmem:v40+s4+$0x0], $0xffff  }
0x21f: {  	v29 =	vadd.f32 v29, v34;
	v37 =	vld.idx.msk [tilespmem:v37+s4+$0x0], $0xffff  }
0x220: {  	v12 =	vor.u32 v7, v12;
	v35 =	vld.idx.msk [tilespmem:v35+s18+$0x0], $0xffff;
	[tilespmem:s19+$0x1E0] =	vst v39  }
0x221: {  	v53 =	vor.u32 v3, v19;
	[tilespmem:s19+$0xD0] =	vst v29;
	v22 =	vld.idx.msk [tilespmem:v22+s18+$0x0], $0xffff  }
0x222: {  	v54 =	vor.u32 v3, v20;
	v29 =	vld.idx.msk [tilespmem:v36+s4+$0x0], $0xffff  }
0x223: {  	v55 =	vor.u32 v4, v13;
	v28 =	vld.idx.msk [tilespmem:v28+s18+$0x0], $0xffff;
	v25 =	vadd.f32 v25, v52  }
0x224: {  	v58 =	vor.u32 v4, v17;
	v33 =	vld.idx.msk [tilespmem:v33+s18+$0x0], $0xffff;
	v30 =	vadd.f32 v30, v31  }
0x225: {  	v31 =	vor.u32 v4, v14;
	v12 =	vld.idx.msk [tilespmem:v12+s4+$0x0], $0xffff;
	[tilespmem:s20+$0xA0] =	vst v25  }
0x226: {  	v27 =	vadd.f32 v35, v27;
	[tilespmem:s20+$0x130] =	vst v30;
	v30 =	vor.u32 v4, v18;
	v56 =	vld.idx.msk [tilespmem:v53+s4+$0x0], $0xffff  }
0x227: {  	v25 =	vadd.f32 v51, v26;
	v26 =	vor.u32 v4, v15;
	v57 =	vld.idx.msk [tilespmem:v54+s18+$0x0], $0xffff  }
0x228: {  	v11 =	vor.u32 v7, v11;
	v59 =	vld.idx.msk [tilespmem:v55+s4+$0x0], $0xffff;
	[tilespmem:s20+$0x30] =	vst v27;
	v24 =	vadd.f32 v28, v24  }
0x229: {  	v60 =	vld.idx.msk [tilespmem:v58+s4+$0x0], $0xffff;
	[tilespmem:s19+$0x60] =	vst v25;
	v25 =	vor.u32 v4, v16  }
0x22a: {  	v29 =	vadd.f32 v33, v29;
	v28 =	vld.idx.msk [tilespmem:v31+s18+$0x0], $0xffff;
	[tilespmem:s20+$0x1B0] =	vst v24;
	v24 =	vor.u32 v4, v19  }
0x22b: {  	v31 =	vor.u32 v4, v20;
	v27 =	vld.idx.msk [tilespmem:v30+s4+$0x0], $0xffff  }
0x22c: {  	v8 =	vor.u32 v7, v8;
	[tilespmem:s19+$0xE0] =	vst v29;
	v26 =	vld.idx.msk [tilespmem:v26+s18+$0x0], $0xffff;
	v30 =	vadd.f32 v57, v56  }
0x22d: {  	v62 =	vor.u32 v5, v14;
	v11 =	vld.idx.msk [tilespmem:v11+s18+$0x0], $0xffff  }
0x22e: {  	v61 =	vor.u32 v5, v13;
	v25 =	vld.idx.msk [tilespmem:v25+s18+$0x0], $0xffff;
	[tilespmem:s20+$0xB0] =	vst v30  }
0x22f: {  	v28 =	vadd.f32 v28, v59;
	v30 =	vor.u32 v5, v18;
	v24 =	vld.idx.msk [tilespmem:v24+s4+$0x0], $0xffff  }
0x230: {  	v63 =	vor.u32 v5, v15;
	v31 =	vld.idx.msk [tilespmem:v31+s18+$0x0], $0xffff  }
0x231: {  	v8 =	vld.idx.msk [tilespmem:v8+s4+$0x0], $0xffff;
	[tilespmem:s20+$0x140] =	vst v28;
	v28 =	vor.u32 v5, v17;
	v26 =	vadd.f32 v26, v27  }
0x232: {  	v40 =	vor.u32 v5, v16;
	v41 =	vld.idx.msk [tilespmem:v62+s18+$0x0], $0xffff  }
0x233: {  	v27 =	vld.idx.msk [tilespmem:v61+s4+$0x0], $0xffff;
	v25 =	vadd.f32 v25, v60;
	[tilespmem:s20+$0x1C0] =	vst v26;
	v26 =	vor.u32 v5, v20  }
0x234: {  	v42 =	vor.u32 v5, v19;
	v30 =	vld.idx.msk [tilespmem:v30+s4+$0x0], $0xffff  }
0x235: {  	v10 =	vor.u32 v7, v10;
	[tilespmem:s20+$0x40] =	vst v25;
	v25 =	vld.idx.msk [tilespmem:v63+s18+$0x0], $0xffff;
	v24 =	vadd.f32 v31, v24  }
0x236: {  	v31 =	vor.u32 v6, v13;
	v28 =	vld.idx.msk [tilespmem:v28+s4+$0x0], $0xffff  }
0x237: {  	v43 =	vor.u32 v6, v14;
	v34 =	vld.idx.msk [tilespmem:v40+s18+$0x0], $0xffff;
	[tilespmem:s20+$0xC0] =	vst v24  }
0x238: {  	v24 =	vadd.f32 v41, v27;
	v27 =	vor.u32 v6, v18;
	v26 =	vld.idx.msk [tilespmem:v26+s18+$0x0], $0xffff  }
0x239: {  	v15 =	vor.u32 v6, v15;
	v29 =	vld.idx.msk [tilespmem:v42+s4+$0x0], $0xffff  }
0x23a: {  	v10 =	vld.idx.msk [tilespmem:v10+s4+$0x0], $0xffff;
	[tilespmem:s20+$0x150] =	vst v24;
	v24 =	vor.u32 v6, v17;
	v25 =	vadd.f32 v25, v30  }
0x23b: {  	v30 =	vld.idx.msk [tilespmem:v31+s4+$0x0], $0xffff;
	v31 =	vor.u32 v6, v16  }
0x23c: {  	v45 =	vor.u32 v6, v20;
	v44 =	vld.idx.msk [tilespmem:v43+s18+$0x0], $0xffff;
	v28 =	vadd.f32 v34, v28;
	[tilespmem:s20+$0x1D0] =	vst v25  }
0x23d: {  	v25 =	vor.u32 v6, v19;
	v27 =	vld.idx.msk [tilespmem:v27+s4+$0x0], $0xffff  }
0x23e: {  	v9 =	vor.u32 v7, v9;
	[tilespmem:s20+$0x50] =	vst v28;
	v15 =	vld.idx.msk [tilespmem:v15+s18+$0x0], $0xffff;
	v26 =	vadd.f32 v26, v29  }
0x23f: {  	v14 =	vor.u32 v7, v14;
	v24 =	vld.idx.msk [tilespmem:v24+s4+$0x0], $0xffff  }
0x240: {  	v13 =	vor.u32 v7, v13;
	v28 =	vld.idx.msk [tilespmem:v31+s18+$0x0], $0xffff;
	[tilespmem:s20+$0xD0] =	vst v26  }
0x241: {  	v26 =	vadd.f32 v44, v30;
	v29 =	vld.idx.msk [tilespmem:v45+s18+$0x0], $0xffff  }
0x242: {  	v18 =	vor.u32 v7, v18;
	v25 =	vld.idx.msk [tilespmem:v25+s4+$0x0], $0xffff  }
0x243: {  	v9 =	vld.idx.msk [tilespmem:v9+s18+$0x0], $0xffff;
	v17 =	vor.u32 v7, v17;
	[tilespmem:s20+$0x160] =	vst v26;
	v15 =	vadd.f32 v15, v27  }
0x244: {  	v16 =	vor.u32 v7, v16;
	v14 =	vld.idx.msk [tilespmem:v14+s18+$0x0], $0xffff  }
0x245: {  	v13 =	vld.idx.msk [tilespmem:v13+s4+$0x0], $0xffff;
	[tilespmem:s20+$0x1E0] =	vst v15;
	v15 =	vor.u32 v7, v20;
	v20 =	vadd.f32 v28, v24  }
0x246: {  	v19 =	vor.u32 v7, v19;
	v21 =	vld.idx.msk [tilespmem:v21+s18+$0x0], $0xffff  }
0x247: {  	v18 =	vld.idx.msk [tilespmem:v18+s4+$0x0], $0xffff;
	[tilespmem:s20+$0x60] =	vst v20;
	v20 =	vadd.f32 v29, v25  }
0x248: {  	v17 =	vld.idx.msk [tilespmem:v17+s4+$0x0], $0xffff  }
0x249: {  	v23 =	vadd.f32 v23, v37;
	v16 =	vld.idx.msk [tilespmem:v16+s18+$0x0], $0xffff;
	[tilespmem:s20+$0xE0] =	vst v20  }
0x24a: {  	v12 =	vadd.f32 v22, v12;
	v15 =	vld.idx.msk [tilespmem:v15+s18+$0x0], $0xffff  }
0x24b: {  	[tilespmem:s19+$0x170] =	vst v23;
	v9 =	vadd.f32 v9, v10;
	v10 =	vld.idx.msk [tilespmem:v19+s4+$0x0], $0xffff  }
0x24c: {  	[tilespmem:s19+$0x1F0] =	vst v12;
	v8 =	vadd.f32 v11, v8  }
0x24d: {  	[tilespmem:s19+$0x70] =	vst v9;
	v9 =	vadd.f32 v14, v13  }
0x24e: {  	s2 =	simm.s32 $0x102;
	[tilespmem:s19+$0xF0] =	vst v8;
	v8 =	vadd.f32 v21, v18  }
0x24f: {  	v11 =	vmov s2;
	[tilespmem:s20+$0x170] =	vst v9;
	v9 =	vadd.f32 v16, v17  }
0x250: {  	s29 =	simm.s32 $0x100;
	[tilespmem:s20+$0x1F0] =	vst v8;
	v8 =	vadd.f32 v15, v10;
	v10 =	vand.u32 $0xFFFFFFFE, v11  }
0x251: {  	[tilespmem:s20+$0x70] =	vst v9;
	v9 =	vmov s29;
	v10 =	vbroadcast v10, $0x0  }
0x252: {  	[tilespmem:s20+$0xF0] =	vst v8;
	v8 =	vand.u32 $0xFFFFFFFC, v9  }
0x253: {  	[hbm4b:s12+s4] =	stream.linear.scatter [tilespmem:s30], [sflag:$0x4], $0x4000, $0x38;
	v8 =	vbroadcast v8, $0x0;
	[tilespmem:$0x1EE70] =	vst v63  }
0x254: {  	_ =	swait.ge [sflag:s31], $0x4000  }
0x255: {  	[sflag:s31] =	ssyncset.done $0x0  }
0x256: {  	[sflag:s31] =	ssyncadd.s32 $0xFFFFC000  }
0x257: {  	v9 =	vld.idx.msk [tilespmem:v10+s26+$0x0], $0xffff  }
0x258: {  	s3 =	simm.s32 $0x103;
	v10 =	vld.idx.msk [tilespmem:v10+s28+$0x0], $0xffff  }
0x259: {  	v12 =	vmov s3;
	v11 =	vld.idx.msk [tilespmem:v8+s26+$0x0], $0xffff  }
0x25a: {  	v8 =	vld.idx.msk [tilespmem:v8+s28+$0x0], $0xffff;
	_ =	sdelay $0x1  }
0x25b: {  	v24 =	vshll.u32 v9, $0x7  }
0x25c: {  	v22 =	vshll.u32 v10, $0x7;
	v13 =	vor.u32 v0, v24  }
0x25d: {  	v14 =	vor.u32 v0, v22;
	v10 =	vshll.u32 v11, $0x7;
	v11 =	vld.idx.msk [tilespmem:v12+s26+$0x0], $0xffff  }
0x25e: {  	s19 =	simm.s32 $0x101;
	v15 =	vld.idx.msk [tilespmem:v12+s28+$0x0], $0xffff;
	v9 =	vshll.u32 v8, $0x7;
	v16 =	vor.u32 v0, v10  }
0x25f: {  	v8 =	vmov s19;
	v17 =	vor.u32 v0, v9  }
0x260: {  	v8 =	vand.u32 $0xFFFFFFFD, v8  }
0x261: {  	v8 =	vbroadcast v8, $0x0;
	v13 =	vld.idx.msk [tilespmem:v13+s4+$0x0], $0xffff  }
0x262: {  	v12 =	vshll.u32 v11, $0x7;
	v11 =	vld.idx.msk [tilespmem:v14+s18+$0x0], $0xffff  }
0x263: {  	v21 =	vshll.u32 v15, $0x7;
	v14 =	vld.idx.msk [tilespmem:v16+s4+$0x0], $0xffff;
	v15 =	vor.u32 v0, v12  }
0x264: {  	v16 =	vor.u32 v0, v21;
	v17 =	vld.idx.msk [tilespmem:v17+s18+$0x0], $0xffff  }
0x265: {  	v18 =	vor.u32 v1, v24  }
0x266: {  	v19 =	vor.u32 v1, v22  }
0x267: {  	v20 =	vor.u32 v1, v10;
	v23 =	vld.idx.msk [tilespmem:v8+s26+$0x0], $0xffff;
	v11 =	vadd.f32 v11, v13  }
0x268: {  	s19 =	simm.s32 $0x16F70;
	v13 =	vld.idx.msk [tilespmem:v15+s4+$0x0], $0xffff;
	v15 =	vor.u32 v1, v9  }
0x269: {  	v16 =	vld.idx.msk [tilespmem:v16+s18+$0x0], $0xffff;
	v14 =	vadd.f32 v17, v14;
	[tilespmem:s19+$0x0] =	vst v11  }
0x26a: {  	v11 =	vld.idx.msk [tilespmem:v18+s4+$0x0], $0xffff  }
0x26b: {  	[tilespmem:s19+$0xFFFFFF00] =	vst v14;
	v14 =	vld.idx.msk [tilespmem:v19+s18+$0x0], $0xffff  }
0x26c: {  	v17 =	vor.u32 v1, v12;
	v18 =	vld.idx.msk [tilespmem:v20+s4+$0x0], $0xffff  }
0x26d: {  	v19 =	vor.u32 v1, v21;
	v15 =	vld.idx.msk [tilespmem:v15+s18+$0x0], $0xffff  }
0x26e: {  	v20 =	vld.idx.msk [tilespmem:v8+s28+$0x0], $0xffff;
	v8 =	vadd.f32 v16, v13;
	v13 =	vor.u32 v2, v24  }
0x26f: {  	v16 =	vor.u32 v2, v22  }
0x270: {  	v25 =	vor.u32 v2, v9;
	[tilespmem:s19+$0x80] =	vst v8;
	v11 =	vadd.f32 v14, v11  }
0x271: {  	v14 =	vor.u32 v2, v10;
	v17 =	vld.idx.msk [tilespmem:v17+s4+$0x0], $0xffff  }
0x272: {  	v8 =	vshll.u32 v23, $0x7;
	v19 =	vld.idx.msk [tilespmem:v19+s18+$0x0], $0xffff;
	[tilespmem:s19+$0x10] =	vst v11;
	v15 =	vadd.f32 v15, v18  }
0x273: {  	v11 =	vshll.u32 v20, $0x7;
	v18 =	vor.u32 v0, v8;
	v13 =	vld.idx.msk [tilespmem:v13+s4+$0x0], $0xffff  }
0x274: {  	v20 =	vor.u32 v0, v11;
	[tilespmem:s19+$0xFFFFFF10] =	vst v15;
	v15 =	vld.idx.msk [tilespmem:v16+s18+$0x0], $0xffff  }
0x275: {  	v16 =	vor.u32 v2, v21;
	v23 =	vld.idx.msk [tilespmem:v25+s18+$0x0], $0xffff  }
0x276: {  	v25 =	vor.u32 v2, v12;
	v14 =	vld.idx.msk [tilespmem:v14+s4+$0x0], $0xffff  }
0x277: {  	s29 =	simm.s32 $0x105;
	v17 =	vadd.f32 v19, v17;
	v19 =	vor.u32 v3, v22  }
0x278: {  	v29 =	vmov s29;
	v26 =	vor.u32 v3, v24;
	v18 =	vld.idx.msk [tilespmem:v18+s4+$0x0], $0xffff  }
0x279: {  	v29 =	vand.u32 $0xFFFFFFFD, v29;
	v20 =	vld.idx.msk [tilespmem:v20+s18+$0x0], $0xffff;
	[tilespmem:s19+$0x90] =	vst v17;
	v17 =	vor.u32 v3, v10;
	v13 =	vadd.f32 v15, v13  }
0x27a: {  	v29 =	vbroadcast v29, $0x0;
	v15 =	vld.idx.msk [tilespmem:v16+s18+$0x0], $0xffff;
	v16 =	vor.u32 v3, v9  }
0x27b: {  	v25 =	vld.idx.msk [tilespmem:v25+s4+$0x0], $0xffff;
	v14 =	vadd.f32 v23, v14;
	[tilespmem:s19+$0x20] =	vst v13  }
0x27c: {  	v23 =	vor.u32 v1, v11;
	v19 =	vld.idx.msk [tilespmem:v19+s18+$0x0], $0xffff  }
0x27d: {  	v13 =	vor.u32 v1, v8;
	[tilespmem:s19+$0xFFFFFF20] =	vst v14;
	v14 =	vld.idx.msk [tilespmem:v26+s4+$0x0], $0xffff  }
0x27e: {  	v18 =	vadd.f32 v20, v18;
	v20 =	vor.u32 v3, v12;
	v17 =	vld.idx.msk [tilespmem:v17+s4+$0x0], $0xffff  }
0x27f: {  	s20 =	simm.s32 $0x104;
	v26 =	vor.u32 v3, v21;
	v16 =	vld.idx.msk [tilespmem:v16+s18+$0x0], $0xffff  }
0x280: {  	v49 =	vld.idx.msk [tilespmem:v29+s28+$0x0], $0xffff;
	[tilespmem:s19+$0xFFFFFF80] =	vst v18;
	v18 =	vmov s20;
	v15 =	vadd.f32 v15, v25;
	v25 =	vor.u32 v4, v24  }
0x281: {  	v27 =	vor.u32 v4, v22;
	v18 =	vand.u32 $0xFFFFFFFC, v18;
	v23 =	vld.idx.msk [tilespmem:v23+s18+$0x0], $0xffff  }
0x282: {  	s21 =	simm.s32 $0x106;
	v13 =	vld.idx.msk [tilespmem:v13+s4+$0x0], $0xffff;
	[tilespmem:s19+$0xA0] =	vst v15;
	v15 =	vbroadcast v18, $0x0;
	v14 =	vadd.f32 v19, v14;
	v18 =	vor.u32 v4, v10  }
0x283: {  	v19 =	vld.idx.msk [tilespmem:v20+s4+$0x0], $0xffff;
	v20 =	vmov s21  }
0x284: {  	v26 =	vld.idx.msk [tilespmem:v26+s18+$0x0], $0xffff;
	v20 =	vand.u32 $0xFFFFFFFE, v20;
	[tilespmem:s19+$0x30] =	vst v14;
	v14 =	vadd.f32 v16, v17  }
0x285: {  	v16 =	vbroadcast v20, $0x0;
	v17 =	vld.idx.msk [tilespmem:v25+s4+$0x0], $0xffff;
	v20 =	vor.u32 v4, v9  }
0x286: {  	[tilespmem:s19+$0xFFFFFF30] =	vst v14;
	v14 =	vld.idx.msk [tilespmem:v27+s18+$0x0], $0xffff  }
0x287: {  	s22 =	simm.s32 $0x107;
	v25 =	vld.idx.msk [tilespmem:v18+s4+$0x0], $0xffff  }
0x288: {  	v27 =	vmov s22;
	v18 =	vld.idx.msk [tilespmem:v15+s26+$0x0], $0xffff  }
0x289: {  	v28 =	vor.u32 v4, v21;
	v15 =	vld.idx.msk [tilespmem:v15+s28+$0x0], $0xffff  }
0x28a: {  	v20 =	vld.idx.msk [tilespmem:v20+s18+$0x0], $0xffff  }
0x28b: {  	v46 =	vor.u32 v4, v12;
	v19 =	vadd.f32 v26, v19;
	v30 =	vld.idx.msk [tilespmem:v16+s26+$0x0], $0xffff  }
0x28c: {  	v31 =	vor.u32 v5, v24;
	v26 =	vld.idx.msk [tilespmem:v16+s28+$0x0], $0xffff  }
0x28d: {  	v48 =	vor.u32 v5, v22;
	[tilespmem:s19+$0xB0] =	vst v19;
	v47 =	vld.idx.msk [tilespmem:v27+s28+$0x0], $0xffff  }
0x28e: {  	v14 =	vadd.f32 v14, v17;
	v19 =	vld.idx.msk [tilespmem:v28+s18+$0x0], $0xffff  }
0x28f: {  	v17 =	vshll.u32 v18, $0x7;
	v18 =	vld.idx.msk [tilespmem:v27+s26+$0x0], $0xffff;
	v27 =	vor.u32 v2, v11  }
0x290: {  	v51 =	vor.u32 v5, v10;
	v13 =	vadd.f32 v23, v13;
	v32 =	vld.idx.msk [tilespmem:v46+s4+$0x0], $0xffff;
	[tilespmem:s19+$0x40] =	vst v14  }
0x291: {  	v28 =	vld.idx.msk [tilespmem:v31+s4+$0x0], $0xffff;
	v31 =	vor.u32 v2, v8;
	v20 =	vadd.f32 v20, v25  }
0x292: {  	[tilespmem:s19+$0xFFFFFF90] =	vst v13;
	v16 =	vshll.u32 v15, $0x7;
	v14 =	vor.u32 v0, v17;
	v34 =	vld.idx.msk [tilespmem:v48+s18+$0x0], $0xffff  }
0x293: {  	v23 =	vor.u32 v0, v16;
	v15 =	vshll.u32 v47, $0x7;
	[tilespmem:s19+$0xFFFFFF40] =	vst v20;
	v20 =	vld.idx.msk [tilespmem:v29+s26+$0x0], $0xffff  }
0x294: {  	v33 =	vor.u32 v0, v15;
	v18 =	vshll.u32 v18, $0x7;
	v27 =	vld.idx.msk [tilespmem:v27+s18+$0x0], $0xffff  }
0x295: {  	v13 =	vshll.u32 v30, $0x7;
	v30 =	vld.idx.msk [tilespmem:v51+s4+$0x0], $0xffff;
	v52 =	vor.u32 v0, v18  }
0x296: {  	v25 =	vld.idx.msk [tilespmem:v31+s4+$0x0], $0xffff;
	v31 =	vor.u32 v5, v12  }
0x297: {  	v50 =	vld.idx.msk [tilespmem:v14+s4+$0x0], $0xffff;
	v14 =	vshll.u32 v26, $0x7;
	v26 =	vor.u32 v0, v13  }
0x298: {  	v19 =	vadd.f32 v19, v32;
	v23 =	vld.idx.msk [tilespmem:v23+s18+$0x0], $0xffff;
	v29 =	vor.u32 v0, v14  }
0x299: {  	v54 =	vor.u32 v3, v8;
	v33 =	vld.idx.msk [tilespmem:v33+s18+$0x0], $0xffff  }
0x29a: {  	v55 =	vor.u32 v6, v24;
	[tilespmem:s19+$0xC0] =	vst v19;
	v53 =	vld.idx.msk [tilespmem:v52+s4+$0x0], $0xffff  }
0x29b: {  	v56 =	vor.u32 v1, v17;
	v31 =	vld.idx.msk [tilespmem:v31+s4+$0x0], $0xffff;
	v19 =	vadd.f32 v27, v25  }
0x29c: {  	v25 =	vor.u32 v3, v11;
	v27 =	vadd.f32 v34, v28;
	v26 =	vld.idx.msk [tilespmem:v26+s4+$0x0], $0xffff  }
0x29d: {  	v28 =	vor.u32 v6, v22;
	v23 =	vadd.f32 v23, v50;
	v29 =	vld.idx.msk [tilespmem:v29+s18+$0x0], $0xffff;
	[tilespmem:s19+$0xFFFFFFA0] =	vst v19  }
0x29e: {  	s20 =	simm.s32 $0x17170;
	[tilespmem:s19+$0x50] =	vst v27;
	v27 =	vor.u32 v1, v16;
	v37 =	vld.idx.msk [tilespmem:v54+s4+$0x0], $0xffff  }
0x29f: {  	v19 =	vshll.u32 v20, $0x7;
	v20 =	vor.u32 v1, v18;
	[tilespmem:s20+$0xFFFFFF00] =	vst v23;
	v57 =	vld.idx.msk [tilespmem:v55+s4+$0x0], $0xffff  }
0x2a0: {  	v58 =	vor.u32 v0, v19;
	v34 =	vld.idx.msk [tilespmem:v56+s4+$0x0], $0xffff  }
0x2a1: {  	v23 =	vor.u32 v1, v13;
	v25 =	vld.idx.msk [tilespmem:v25+s18+$0x0], $0xffff;
	v32 =	vadd.f32 v33, v53  }
0x2a2: {  	v60 =	vor.u32 v1, v15;
	v28 =	vld.idx.msk [tilespmem:v28+s18+$0x0], $0xffff  }
0x2a3: {  	v59 =	vor.u32 v1, v14;
	v26 =	vadd.f32 v29, v26;
	v27 =	vld.idx.msk [tilespmem:v27+s18+$0x0], $0xffff;
	[tilespmem:s20+$0x80] =	vst v32  }
0x2a4: {  	v61 =	vor.u32 v4, v8;
	v29 =	vld.idx.msk [tilespmem:v20+s4+$0x0], $0xffff  }
0x2a5: {  	v20 =	vshll.u32 v49, $0x7;
	v62 =	vld.idx.msk [tilespmem:v58+s4+$0x0], $0xffff;
	[tilespmem:s20+$0x0] =	vst v26;
	v26 =	vor.u32 v5, v9  }
0x2a6: {  	v63 =	vor.u32 v0, v20;
	v44 =	vld.idx.msk [tilespmem:v23+s4+$0x0], $0xffff;
	v23 =	vadd.f32 v25, v37  }
0x2a7: {  	v46 =	vor.u32 v4, v11;
	v45 =	vld.idx.msk [tilespmem:v60+s18+$0x0], $0xffff  }
0x2a8: {  	v22 =	vor.u32 v7, v22;
	v25 =	vld.idx.msk [tilespmem:v59+s18+$0x0], $0xffff;
	[tilespmem:s19+$0xFFFFFFB0] =	vst v23  }
0x2a9: {  	v50 =	vor.u32 v2, v17;
	v23 =	vadd.f32 v28, v57;
	v32 =	vld.idx.msk [tilespmem:v61+s4+$0x0], $0xffff  }
0x2aa: {  	v28 =	vor.u32 v2, v16;
	v27 =	vadd.f32 v27, v34;
	v26 =	vld.idx.msk [tilespmem:v26+s18+$0x0], $0xffff  }
0x2ab: {  	v47 =	vor.u32 v5, v21;
	[tilespmem:s19+$0x60] =	vst v23;
	v48 =	vld.idx.msk [tilespmem:v63+s18+$0x0], $0xffff  }
0x2ac: {  	v49 =	vor.u32 v2, v13;
	[tilespmem:s20+$0xFFFFFF10] =	vst v27;
	v27 =	vld.idx.msk [tilespmem:v46+s18+$0x0], $0xffff  }
0x2ad: {  	v52 =	vor.u32 v2, v14;
	v23 =	vld.idx.msk [tilespmem:v22+s18+$0x0], $0xffff  }
0x2ae: {  	v22 =	vor.u32 v2, v15;
	v25 =	vadd.f32 v25, v44;
	v55 =	vld.idx.msk [tilespmem:v50+s4+$0x0], $0xffff  }
0x2af: {  	v56 =	vor.u32 v6, v10;
	v51 =	vld.idx.msk [tilespmem:v28+s18+$0x0], $0xffff  }
0x2b0: {  	v29 =	vadd.f32 v45, v29;
	v28 =	vor.u32 v2, v18;
	[tilespmem:s20+$0x10] =	vst v25;
	v25 =	vld.idx.msk [tilespmem:v47+s18+$0x0], $0xffff  }
0x2b1: {  	v53 =	vor.u32 v1, v19;
	v54 =	vld.idx.msk [tilespmem:v49+s4+$0x0], $0xffff;
	v26 =	vadd.f32 v26, v30  }
0x2b2: {  	[tilespmem:s20+$0x90] =	vst v29;
	v29 =	vor.u32 v5, v11;
	v30 =	vld.idx.msk [tilespmem:v52+s18+$0x0], $0xffff  }
0x2b3: {  	v60 =	vor.u32 v1, v20;
	v34 =	vadd.f32 v48, v62;
	v22 =	vld.idx.msk [tilespmem:v22+s18+$0x0], $0xffff;
	[tilespmem:s19+$0xFFFFFF50] =	vst v26  }
0x2b4: {  	v58 =	vor.u32 v6, v12;
	v27 =	vadd.f32 v27, v32;
	v26 =	vld.idx.msk [tilespmem:v56+s4+$0x0], $0xffff  }
0x2b5: {  	v59 =	vor.u32 v6, v21;
	[tilespmem:s20+$0xFFFFFF80] =	vst v34;
	v57 =	vld.idx.msk [tilespmem:v28+s4+$0x0], $0xffff  }
0x2b6: {  	[tilespmem:s19+$0xFFFFFFC0] =	vst v27;
	v27 =	vor.u32 v5, v8;
	v28 =	vld.idx.msk [tilespmem:v53+s4+$0x0], $0xffff;
	v25 =	vadd.f32 v25, v31  }
0x2b7: {  	v31 =	vor.u32 v3, v17;
	v29 =	vld.idx.msk [tilespmem:v29+s18+$0x0], $0xffff  }
0x2b8: {  	v61 =	vor.u32 v3, v14;
	v32 =	vld.idx.msk [tilespmem:v60+s18+$0x0], $0xffff;
	[tilespmem:s19+$0xD0] =	vst v25;
	v25 =	vadd.f32 v51, v55  }
0x2b9: {  	v43 =	vor.u32 v3, v13;
	v62 =	vld.idx.msk [tilespmem:v58+s4+$0x0], $0xffff  }
0x2ba: {  	v41 =	vor.u32 v3, v18;
	v42 =	vld.idx.msk [tilespmem:v59+s18+$0x0], $0xffff;
	[tilespmem:s20+$0xFFFFFF20] =	vst v25;
	v25 =	vadd.f32 v30, v54  }
0x2bb: {  	v38 =	vor.u32 v6, v9;
	v34 =	vld.idx.msk [tilespmem:v27+s4+$0x0], $0xffff  }
0x2bc: {  	v37 =	vor.u32 v7, v24;
	v63 =	vadd.f32 v22, v57;
	v27 =	vld.idx.msk [tilespmem:v31+s4+$0x0], $0xffff;
	[tilespmem:s20+$0x20] =	vst v25  }
0x2bd: {  	v36 =	vor.u32 v6, v8;
	v35 =	vor.u32 v3, v16;
	v30 =	vld.idx.msk [tilespmem:v61+s18+$0x0], $0xffff  }
0x2be: {  	v33 =	vor.u32 v6, v11;
	v22 =	vor.u32 v7, v21;
	[tilespmem:s20+$0xA0] =	vst v63;
	v31 =	vld.idx.msk [tilespmem:v43+s4+$0x0], $0xffff  }
0x2bf: {  	s21 =	simm.s32 $0x4;
	v21 =	vor.u32 v7, v15;
	v25 =	vor.u32 v2, v20;
	v24 =	vld.idx.msk [tilespmem:v41+s4+$0x0], $0xffff;
	v39 =	vadd.f32 v42, v62  }
.LBB2_8:
0x2c0: {  	s2 =	sadd.s32 $0x104, s21;
	s3 =	sadd.s32 $0x105, s21;
	s22 =	sadd.s32 $0x106, s21;
	v40 =	vor.u32 v3, v15;
	v38 =	vld.idx.msk [tilespmem:v38+s18+$0x0], $0xffff;
	v29 =	vadd.f32 v29, v34;
	v34 =	vor.u32 v7, v12  }
0x2c1: {  	v43 =	vor.u32 v4, v13;
	v12 =	vmovc v18;
	v41 =	vmov s2;
	v42 =	vmov s3;
	v37 =	vld.idx.msk [tilespmem:v37+s4+$0x0], $0xffff;
	[tilespmem:s19+$0xE0] =	vst v39;
	s2 =	smov.u32 s21;
	s21 =	sadd.s32 $0x4, s21  }
0x2c2: {  	v18 =	vand.u32 $0xFFFFFFFC, v41;
	v39 =	vand.u32 $0xFFFFFFFD, v42;
	v41 =	vmov s22;
	p1 =	slt.u32 s21, $0x7C;
	v35 =	vld.idx.msk [tilespmem:v35+s18+$0x0], $0xffff;
	[tilespmem:s19+$0xFFFFFFD0] =	vst v29  }
0x2c3: {  	v28 =	vadd.f32 v32, v28;
	v18 =	vbroadcast v18, $0x0;
	v29 =	vand.u32 $0xFFFFFFFE, v41;
	v32 =	vld.idx.msk [tilespmem:v36+s4+$0x0], $0xffff  }
0x2c4: {  	v36 =	vbroadcast v39, $0x0;
	v39 =	vor.u32 v7, v10;
	v10 =	vmovc v17;
	v29 =	vbroadcast v29, $0x0;
	v33 =	vld.idx.msk [tilespmem:v33+s18+$0x0], $0xffff  }
0x2c5: {  	v17 =	vadd.f32 v30, v31;
	v30 =	vor.u32 v7, v9;
	v31 =	vor.u32 v7, v11;
	v41 =	vld.idx.msk [tilespmem:v22+s18+$0x0], $0xffff  }
0x2c6: {  	v9 =	vmov v16;
	v38 =	vadd.f32 v38, v26;
	[tilespmem:s20+$0xFFFFFF90] =	vst v28;
	v28 =	vor.u32 v4, v14;
	v40 =	vld.idx.msk [tilespmem:v40+s18+$0x0], $0xffff  }
0x2c7: {  	v16 =	vor.u32 v4, v10;
	v22 =	vmov v21;
	[tilespmem:s20+$0x30] =	vst v17;
	v17 =	vadd.f32 v23, v37;
	v23 =	vld.idx.msk [tilespmem:v34+s4+$0x0], $0xffff  }
0x2c8: {  	v21 =	vadd.f32 v35, v27;
	v27 =	vor.u32 v7, v8;
	v8 =	vmov v19;
	v26 =	vld.idx.msk [tilespmem:v43+s4+$0x0], $0xffff;
	[tilespmem:s19+$0xFFFFFF60] =	vst v38  }
0x2c9: {  	v11 =	vmov v20;
	v19 =	vld.idx.msk [tilespmem:v39+s4+$0x0], $0xffff;
	[tilespmem:s19+$0x70] =	vst v17  }
0x2ca: {  	v20 =	vadd.f32 v33, v32;
	[tilespmem:s20+$0xFFFFFF30] =	vst v21;
	v17 =	vld.idx.msk [tilespmem:v30+s18+$0x0], $0xffff  }
0x2cb: {  	v21 =	vld.idx.msk [tilespmem:v28+s18+$0x0], $0xffff  }
0x2cc: {  	v28 =	vld.idx.msk [tilespmem:v16+s4+$0x0], $0xffff;
	v16 =	vor.u32 v4, v9;
	[tilespmem:s19+$0xFFFFFFE0] =	vst v20  }
0x2cd: {  	v23 =	vadd.f32 v41, v23;
	v20 =	vld.idx.msk [tilespmem:v31+s18+$0x0], $0xffff  }
0x2ce: {  	s2 =	sadd.s32 $0x107, s2;
	v27 =	vld.idx.msk [tilespmem:v27+s4+$0x0], $0xffff  }
0x2cf: {  	v31 =	vmov s2;
	v30 =	vld.idx.msk [tilespmem:v18+s26+$0x0], $0xffff;
	[tilespmem:s19+$0xF0] =	vst v23  }
0x2d0: {  	v23 =	vadd.f32 v40, v24;
	v17 =	vadd.f32 v17, v19;
	v18 =	vld.idx.msk [tilespmem:v18+s28+$0x0], $0xffff  }
0x2d1: {  	v19 =	vld.idx.msk [tilespmem:v16+s18+$0x0], $0xffff;
	v16 =	vadd.f32 v21, v26;
	v21 =	vor.u32 v4, v15  }
0x2d2: {  	v26 =	vor.u32 v5, v13;
	v24 =	vld.idx.msk [tilespmem:v29+s26+$0x0], $0xffff;
	[tilespmem:s20+$0xB0] =	vst v23  }
0x2d3: {  	v23 =	vld.idx.msk [tilespmem:v29+s28+$0x0], $0xffff;
	[tilespmem:s20+$0x40] =	vst v16;
	v29 =	vor.u32 v4, v12  }
0x2d4: {  	v33 =	vor.u32 v5, v14;
	v20 =	vadd.f32 v20, v27;
	v32 =	vld.idx.msk [tilespmem:v31+s28+$0x0], $0xffff;
	[tilespmem:s19+$0xFFFFFF70] =	vst v17  }
0x2d5: {  	v17 =	vshll.u32 v30, $0x7;
	v27 =	vld.idx.msk [tilespmem:v31+s26+$0x0], $0xffff  }
0x2d6: {  	v30 =	vor.u32 v0, v17;
	v16 =	vshll.u32 v18, $0x7;
	v31 =	vld.idx.msk [tilespmem:v21+s18+$0x0], $0xffff;
	[tilespmem:s19+$0xFFFFFFF0] =	vst v20;
	s19 =	smov.u32 s20  }
0x2d7: {  	v18 =	vadd.f32 v19, v28;
	v19 =	vld.idx.msk [tilespmem:v26+s4+$0x0], $0xffff  }
0x2d8: {  	v20 =	vor.u32 v2, v8;
	v28 =	vld.idx.msk [tilespmem:v29+s4+$0x0], $0xffff  }
0x2d9: {  	v29 =	vor.u32 v0, v16;
	v23 =	vshll.u32 v23, $0x7;
	[tilespmem:s20+$0xFFFFFF40] =	vst v18;
	v33 =	vld.idx.msk [tilespmem:v33+s18+$0x0], $0xffff  }
0x2da: {  	v34 =	vld.idx.msk [tilespmem:v36+s28+$0x0], $0xffff  }
0x2db: {  	v26 =	vshll.u32 v32, $0x7;
	v18 =	vshll.u32 v27, $0x7;
	v27 =	vor.u32 v5, v10;
	v30 =	vld.idx.msk [tilespmem:v30+s4+$0x0], $0xffff  }
0x2dc: {  	v35 =	vor.u32 v0, v26;
	v21 =	vor.u32 v7, v26;
	v32 =	vor.u32 v0, v18;
	v25 =	vld.idx.msk [tilespmem:v25+s18+$0x0], $0xffff  }
0x2dd: {  	v37 =	vor.u32 v5, v12;
	s20 =	sadd.s32 $0x200, s20;
	v20 =	vld.idx.msk [tilespmem:v20+s4+$0x0], $0xffff  }
0x2de: {  	v24 =	vshll.u32 v24, $0x7;
	v29 =	vld.idx.msk [tilespmem:v29+s18+$0x0], $0xffff  }
0x2df: {  	v38 =	vor.u32 v1, v17;
	v39 =	vor.u32 v0, v24;
	v28 =	vadd.f32 v31, v28;
	v36 =	vld.idx.msk [tilespmem:v36+s26+$0x0], $0xffff  }
0x2e0: {  	v31 =	vor.u32 v0, v23;
	v19 =	vadd.f32 v33, v19;
	v27 =	vld.idx.msk [tilespmem:v27+s4+$0x0], $0xffff  }
0x2e1: {  	v33 =	vor.u32 v3, v8;
	v32 =	vld.idx.msk [tilespmem:v32+s4+$0x0], $0xffff;
	[tilespmem:s19+$0xC0] =	vst v28  }
0x2e2: {  	v28 =	vor.u32 v6, v13;
	[tilespmem:s19+$0x50] =	vst v19;
	v37 =	vld.idx.msk [tilespmem:v37+s4+$0x0], $0xffff  }
0x2e3: {  	v19 =	vadd.f32 v25, v20;
	v20 =	vor.u32 v3, v11;
	v35 =	vld.idx.msk [tilespmem:v35+s18+$0x0], $0xffff  }
0x2e4: {  	v25 =	vadd.f32 v29, v30;
	v30 =	vor.u32 v6, v14;
	v29 =	vld.idx.msk [tilespmem:v39+s4+$0x0], $0xffff  }
0x2e5: {  	v31 =	vld.idx.msk [tilespmem:v31+s18+$0x0], $0xffff;
	[tilespmem:s19+$0xFFFFFFA0] =	vst v19  }
0x2e6: {  	v39 =	vor.u32 v1, v26;
	[tilespmem:s20+$0xFFFFFF00] =	vst v25;
	v25 =	vor.u32 v1, v16;
	v33 =	vld.idx.msk [tilespmem:v33+s4+$0x0], $0xffff  }
0x2e7: {  	v19 =	vshll.u32 v36, $0x7;
	v36 =	vor.u32 v1, v18;
	v28 =	vld.idx.msk [tilespmem:v28+s4+$0x0], $0xffff  }
0x2e8: {  	v41 =	vor.u32 v1, v24;
	v40 =	vor.u32 v0, v19;
	v42 =	vld.idx.msk [tilespmem:v20+s18+$0x0], $0xffff  }
0x2e9: {  	v43 =	vor.u32 v2, v17;
	v44 =	vor.u32 v1, v23;
	v20 =	vadd.f32 v35, v32;
	v30 =	vld.idx.msk [tilespmem:v30+s18+$0x0], $0xffff  }
0x2ea: {  	v32 =	vld.idx.msk [tilespmem:v38+s4+$0x0], $0xffff  }
0x2eb: {  	v29 =	vadd.f32 v31, v29;
	v25 =	vld.idx.msk [tilespmem:v25+s18+$0x0], $0xffff;
	[tilespmem:s20+$0x80] =	vst v20  }
0x2ec: {  	v20 =	vshll.u32 v34, $0x7;
	v34 =	vor.u32 v4, v8;
	v31 =	vld.idx.msk [tilespmem:v36+s4+$0x0], $0xffff  }
0x2ed: {  	v36 =	vor.u32 v0, v20;
	v35 =	vld.idx.msk [tilespmem:v40+s4+$0x0], $0xffff;
	[tilespmem:s20+$0x0] =	vst v29;
	v29 =	vor.u32 v5, v9  }
0x2ee: {  	v33 =	vadd.f32 v42, v33;
	v38 =	vld.idx.msk [tilespmem:v41+s4+$0x0], $0xffff  }
0x2ef: {  	v28 =	vadd.f32 v30, v28;
	v30 =	vor.u32 v7, v14;
	v14 =	vmov v23;
	v40 =	vld.idx.msk [tilespmem:v44+s18+$0x0], $0xffff  }
0x2f0: {  	v41 =	vor.u32 v2, v26;
	v39 =	vld.idx.msk [tilespmem:v39+s18+$0x0], $0xffff;
	[tilespmem:s19+$0xFFFFFFB0] =	vst v33;
	v33 =	vor.u32 v4, v11  }
0x2f1: {  	v23 =	vadd.f32 v25, v32;
	v25 =	vor.u32 v2, v16;
	v32 =	vld.idx.msk [tilespmem:v34+s4+$0x0], $0xffff;
	[tilespmem:s19+$0x60] =	vst v28  }
0x2f2: {  	v28 =	vld.idx.msk [tilespmem:v29+s18+$0x0], $0xffff;
	v29 =	vor.u32 v5, v15  }
0x2f3: {  	[tilespmem:s20+$0xFFFFFF10] =	vst v23;
	v34 =	vld.idx.msk [tilespmem:v36+s18+$0x0], $0xffff;
	v36 =	vor.u32 v2, v24  }
0x2f4: {  	v42 =	vor.u32 v2, v14;
	v23 =	vld.idx.msk [tilespmem:v30+s18+$0x0], $0xffff  }
0x2f5: {  	v30 =	vadd.f32 v40, v38;
	v33 =	vld.idx.msk [tilespmem:v33+s18+$0x0], $0xffff  }
0x2f6: {  	v40 =	vor.u32 v1, v20;
	v38 =	vor.u32 v2, v18;
	v31 =	vadd.f32 v39, v31;
	v25 =	vld.idx.msk [tilespmem:v25+s18+$0x0], $0xffff  }
0x2f7: {  	v39 =	vor.u32 v1, v19;
	[tilespmem:s20+$0x10] =	vst v30;
	v29 =	vld.idx.msk [tilespmem:v29+s18+$0x0], $0xffff  }
0x2f8: {  	v27 =	vadd.f32 v28, v27;
	v30 =	vld.idx.msk [tilespmem:v36+s4+$0x0], $0xffff;
	[tilespmem:s20+$0x90] =	vst v31  }
0x2f9: {  	v28 =	vadd.f32 v34, v35;
	v34 =	vor.u32 v5, v11;
	v31 =	vld.idx.msk [tilespmem:v43+s4+$0x0], $0xffff  }
0x2fa: {  	v35 =	vld.idx.msk [tilespmem:v41+s18+$0x0], $0xffff;
	[tilespmem:s19+$0xFFFFFF50] =	vst v27;
	v27 =	vor.u32 v6, v10  }
0x2fb: {  	v32 =	vadd.f32 v33, v32;
	v33 =	vor.u32 v6, v12;
	[tilespmem:s20+$0xFFFFFF80] =	vst v28;
	v36 =	vld.idx.msk [tilespmem:v38+s4+$0x0], $0xffff  }
0x2fc: {  	v41 =	vor.u32 v6, v15;
	v15 =	vmov v26;
	v38 =	vld.idx.msk [tilespmem:v42+s18+$0x0], $0xffff  }
0x2fd: {  	v37 =	vadd.f32 v29, v37;
	v28 =	vld.idx.msk [tilespmem:v39+s4+$0x0], $0xffff;
	[tilespmem:s19+$0xFFFFFFC0] =	vst v32;
	v32 =	vor.u32 v5, v8  }
0x2fe: {  	v39 =	vor.u32 v3, v17;
	v29 =	vld.idx.msk [tilespmem:v34+s18+$0x0], $0xffff  }
0x2ff: {  	v25 =	vadd.f32 v25, v31;
	v26 =	vld.idx.msk [tilespmem:v27+s4+$0x0], $0xffff;
	[tilespmem:s19+$0xD0] =	vst v37  }
0x300: {  	v31 =	vor.u32 v3, v14;
	v42 =	vld.idx.msk [tilespmem:v33+s4+$0x0], $0xffff  }
0x301: {  	v43 =	vor.u32 v3, v24;
	v33 =	vor.u32 v3, v18;
	[tilespmem:s20+$0xFFFFFF20] =	vst v25;
	v41 =	vld.idx.msk [tilespmem:v41+s18+$0x0], $0xffff  }
0x302: {  	v36 =	vadd.f32 v35, v36;
	v25 =	vor.u32 v2, v20;
	v30 =	vadd.f32 v38, v30;
	v34 =	vld.idx.msk [tilespmem:v32+s4+$0x0], $0xffff  }
.Ltmp3:
0x303: {  	v38 =	vor.u32 v6, v9;
	v27 =	vld.idx.msk [tilespmem:v39+s4+$0x0], $0xffff;
	(pc) =	sbr.rel @p1 .LBB2_8-.Ltmp3, $4  }
0x304: {  	v37 =	vor.u32 v7, v13;
	v13 =	vmov v24;
	v32 =	vld.idx.msk [tilespmem:v40+s18+$0x0], $0xffff;
	[tilespmem:s20+$0x20] =	vst v30  }
0x305: {  	v35 =	vor.u32 v3, v16;
	v30 =	vld.idx.msk [tilespmem:v31+s18+$0x0], $0xffff;
	[tilespmem:s20+$0xA0] =	vst v36  }
0x306: {  	v36 =	vor.u32 v6, v8;
	v24 =	vld.idx.msk [tilespmem:v33+s4+$0x0], $0xffff;
	v33 =	vor.u32 v6, v11  }
0x307: {  	v39 =	vadd.f32 v41, v42;
	v31 =	vld.idx.msk [tilespmem:v43+s4+$0x0], $0xffff  }
0x308: {  	_ = 	snop  }
0x309: {  	v40 =	vor.u32 v2, v19  }
0x30a: {  	v28 =	vadd.f32 v32, v28;
	_ =	sdelay $0x1  }
0x30b: {  	v51 =	vld.idx.msk [tilespmem:v38+s18+$0x0], $0xffff;
	[tilespmem:s20+$0xFFFFFF90] =	vst v28  }
0x30c: {  	v25 =	vld.idx.msk [tilespmem:v25+s18+$0x0], $0xffff  }
0x30d: {  	v28 =	vor.u32 v3, v15;
	v52 =	vld.idx.msk [tilespmem:v40+s4+$0x0], $0xffff  }
0x30e: {  	v29 =	vadd.f32 v29, v34;
	v37 =	vld.idx.msk [tilespmem:v37+s4+$0x0], $0xffff  }
0x30f: {  	v12 =	vor.u32 v7, v12;
	v35 =	vld.idx.msk [tilespmem:v35+s18+$0x0], $0xffff;
	[tilespmem:s19+$0xE0] =	vst v39  }
0x310: {  	v53 =	vor.u32 v3, v19;
	[tilespmem:s19+$0xFFFFFFD0] =	vst v29;
	v22 =	vld.idx.msk [tilespmem:v22+s18+$0x0], $0xffff  }
0x311: {  	v54 =	vor.u32 v3, v20;
	v29 =	vld.idx.msk [tilespmem:v36+s4+$0x0], $0xffff  }
0x312: {  	v55 =	vor.u32 v4, v13;
	v28 =	vld.idx.msk [tilespmem:v28+s18+$0x0], $0xffff;
	v25 =	vadd.f32 v25, v52  }
0x313: {  	v58 =	vor.u32 v4, v17;
	v33 =	vld.idx.msk [tilespmem:v33+s18+$0x0], $0xffff;
	v30 =	vadd.f32 v30, v31  }
0x314: {  	v31 =	vor.u32 v4, v14;
	v12 =	vld.idx.msk [tilespmem:v12+s4+$0x0], $0xffff;
	[tilespmem:s20+$0xFFFFFFA0] =	vst v25  }
0x315: {  	v27 =	vadd.f32 v35, v27;
	[tilespmem:s20+$0x30] =	vst v30;
	v30 =	vor.u32 v4, v18;
	v56 =	vld.idx.msk [tilespmem:v53+s4+$0x0], $0xffff  }
0x316: {  	v25 =	vadd.f32 v51, v26;
	v26 =	vor.u32 v4, v15;
	v57 =	vld.idx.msk [tilespmem:v54+s18+$0x0], $0xffff  }
0x317: {  	v11 =	vor.u32 v7, v11;
	v59 =	vld.idx.msk [tilespmem:v55+s4+$0x0], $0xffff;
	[tilespmem:s20+$0xFFFFFF30] =	vst v27;
	v24 =	vadd.f32 v28, v24  }
0x318: {  	v60 =	vld.idx.msk [tilespmem:v58+s4+$0x0], $0xffff;
	[tilespmem:s19+$0xFFFFFF60] =	vst v25;
	v25 =	vor.u32 v4, v16  }
0x319: {  	v29 =	vadd.f32 v33, v29;
	v28 =	vld.idx.msk [tilespmem:v31+s18+$0x0], $0xffff;
	[tilespmem:s20+$0xB0] =	vst v24;
	v24 =	vor.u32 v4, v19  }
0x31a: {  	v31 =	vor.u32 v4, v20;
	v27 =	vld.idx.msk [tilespmem:v30+s4+$0x0], $0xffff  }
0x31b: {  	v8 =	vor.u32 v7, v8;
	[tilespmem:s19+$0xFFFFFFE0] =	vst v29;
	v26 =	vld.idx.msk [tilespmem:v26+s18+$0x0], $0xffff;
	v30 =	vadd.f32 v57, v56  }
0x31c: {  	v62 =	vor.u32 v5, v14;
	v11 =	vld.idx.msk [tilespmem:v11+s18+$0x0], $0xffff  }
0x31d: {  	v61 =	vor.u32 v5, v13;
	v25 =	vld.idx.msk [tilespmem:v25+s18+$0x0], $0xffff;
	[tilespmem:s20+$0xFFFFFFB0] =	vst v30  }
0x31e: {  	v28 =	vadd.f32 v28, v59;
	v30 =	vor.u32 v5, v18;
	v24 =	vld.idx.msk [tilespmem:v24+s4+$0x0], $0xffff  }
0x31f: {  	v63 =	vor.u32 v5, v15;
	v31 =	vld.idx.msk [tilespmem:v31+s18+$0x0], $0xffff  }
0x320: {  	v8 =	vld.idx.msk [tilespmem:v8+s4+$0x0], $0xffff;
	[tilespmem:s20+$0x40] =	vst v28;
	v28 =	vor.u32 v5, v17;
	v26 =	vadd.f32 v26, v27  }
0x321: {  	v40 =	vor.u32 v5, v16;
	v41 =	vld.idx.msk [tilespmem:v62+s18+$0x0], $0xffff  }
0x322: {  	v27 =	vld.idx.msk [tilespmem:v61+s4+$0x0], $0xffff;
	v25 =	vadd.f32 v25, v60;
	[tilespmem:s20+$0xC0] =	vst v26;
	v26 =	vor.u32 v5, v20  }
0x323: {  	v42 =	vor.u32 v5, v19;
	v30 =	vld.idx.msk [tilespmem:v30+s4+$0x0], $0xffff  }
0x324: {  	v10 =	vor.u32 v7, v10;
	[tilespmem:s20+$0xFFFFFF40] =	vst v25;
	v25 =	vld.idx.msk [tilespmem:v63+s18+$0x0], $0xffff;
	v24 =	vadd.f32 v31, v24  }
0x325: {  	v31 =	vor.u32 v6, v13;
	v28 =	vld.idx.msk [tilespmem:v28+s4+$0x0], $0xffff  }
0x326: {  	v43 =	vor.u32 v6, v14;
	v34 =	vld.idx.msk [tilespmem:v40+s18+$0x0], $0xffff;
	[tilespmem:s20+$0xFFFFFFC0] =	vst v24  }
0x327: {  	v24 =	vadd.f32 v41, v27;
	v27 =	vor.u32 v6, v18;
	v26 =	vld.idx.msk [tilespmem:v26+s18+$0x0], $0xffff  }
0x328: {  	v15 =	vor.u32 v6, v15;
	v29 =	vld.idx.msk [tilespmem:v42+s4+$0x0], $0xffff  }
0x329: {  	v10 =	vld.idx.msk [tilespmem:v10+s4+$0x0], $0xffff;
	[tilespmem:s20+$0x50] =	vst v24;
	v24 =	vor.u32 v6, v17;
	v25 =	vadd.f32 v25, v30  }
0x32a: {  	v30 =	vld.idx.msk [tilespmem:v31+s4+$0x0], $0xffff;
	v31 =	vor.u32 v6, v16  }
0x32b: {  	v45 =	vor.u32 v6, v20;
	v44 =	vld.idx.msk [tilespmem:v43+s18+$0x0], $0xffff;
	v28 =	vadd.f32 v34, v28;
	[tilespmem:s20+$0xD0] =	vst v25  }
0x32c: {  	v25 =	vor.u32 v6, v19;
	v27 =	vld.idx.msk [tilespmem:v27+s4+$0x0], $0xffff  }
0x32d: {  	v9 =	vor.u32 v7, v9;
	[tilespmem:s20+$0xFFFFFF50] =	vst v28;
	v15 =	vld.idx.msk [tilespmem:v15+s18+$0x0], $0xffff;
	v26 =	vadd.f32 v26, v29  }
0x32e: {  	v14 =	vor.u32 v7, v14;
	v24 =	vld.idx.msk [tilespmem:v24+s4+$0x0], $0xffff  }
0x32f: {  	v13 =	vor.u32 v7, v13;
	v28 =	vld.idx.msk [tilespmem:v31+s18+$0x0], $0xffff;
	[tilespmem:s20+$0xFFFFFFD0] =	vst v26  }
0x330: {  	v26 =	vadd.f32 v44, v30;
	v29 =	vld.idx.msk [tilespmem:v45+s18+$0x0], $0xffff  }
0x331: {  	v18 =	vor.u32 v7, v18;
	v25 =	vld.idx.msk [tilespmem:v25+s4+$0x0], $0xffff  }
0x332: {  	v9 =	vld.idx.msk [tilespmem:v9+s18+$0x0], $0xffff;
	v17 =	vor.u32 v7, v17;
	[tilespmem:s20+$0x60] =	vst v26;
	v15 =	vadd.f32 v15, v27  }
0x333: {  	v16 =	vor.u32 v7, v16;
	v14 =	vld.idx.msk [tilespmem:v14+s18+$0x0], $0xffff  }
0x334: {  	v13 =	vld.idx.msk [tilespmem:v13+s4+$0x0], $0xffff;
	[tilespmem:s20+$0xE0] =	vst v15;
	v15 =	vor.u32 v7, v20;
	v20 =	vadd.f32 v28, v24  }
0x335: {  	v19 =	vor.u32 v7, v19;
	v21 =	vld.idx.msk [tilespmem:v21+s18+$0x0], $0xffff  }
0x336: {  	v18 =	vld.idx.msk [tilespmem:v18+s4+$0x0], $0xffff;
	[tilespmem:s20+$0xFFFFFF60] =	vst v20;
	v20 =	vadd.f32 v29, v25  }
0x337: {  	v17 =	vld.idx.msk [tilespmem:v17+s4+$0x0], $0xffff  }
0x338: {  	v23 =	vadd.f32 v23, v37;
	v16 =	vld.idx.msk [tilespmem:v16+s18+$0x0], $0xffff;
	[tilespmem:s20+$0xFFFFFFE0] =	vst v20  }
0x339: {  	v12 =	vadd.f32 v22, v12;
	v15 =	vld.idx.msk [tilespmem:v15+s18+$0x0], $0xffff  }
0x33a: {  	[tilespmem:s19+$0x70] =	vst v23;
	v9 =	vadd.f32 v9, v10;
	v10 =	vld.idx.msk [tilespmem:v19+s4+$0x0], $0xffff  }
0x33b: {  	[tilespmem:s19+$0xF0] =	vst v12;
	v8 =	vadd.f32 v11, v8  }
0x33c: {  	[tilespmem:s19+$0xFFFFFF70] =	vst v9;
	v9 =	vadd.f32 v14, v13  }
0x33d: {  	s2 =	simm.s32 $0x182;
	[tilespmem:s19+$0xFFFFFFF0] =	vst v8;
	v8 =	vadd.f32 v21, v18  }
0x33e: {  	v11 =	vmov s2;
	[tilespmem:s20+$0x70] =	vst v9;
	v9 =	vadd.f32 v16, v17  }
0x33f: {  	s3 =	simm.s32 $0x180;
	[tilespmem:s20+$0xF0] =	vst v8;
	v8 =	vadd.f32 v15, v10;
	v10 =	vand.u32 $0xFFFFFFFE, v11  }
0x340: {  	[tilespmem:s20+$0xFFFFFF70] =	vst v9;
	v9 =	vmov s3;
	v10 =	vbroadcast v10, $0x0  }
0x341: {  	[tilespmem:s20+$0xFFFFFFF0] =	vst v8;
	v8 =	vand.u32 $0xFFFFFFFC, v9  }
0x342: {  	[hbm4b:s13+s4] =	stream.linear.scatter [tilespmem:s23], [sflag:$0x3], $0x4000, $0x38;
	v8 =	vbroadcast v8, $0x0;
	[tilespmem:$0x1EE70] =	vst v63  }
0x343: {  	_ =	swait.ge [sflag:s0], $0x4000  }
0x344: {  	[sflag:s0] =	ssyncset.done $0x0  }
0x345: {  	[sflag:s0] =	ssyncadd.s32 $0xFFFFC000  }
0x346: {  	v9 =	vld.idx.msk [tilespmem:v10+s26+$0x0], $0xffff  }
0x347: {  	s19 =	simm.s32 $0x183;
	v10 =	vld.idx.msk [tilespmem:v10+s28+$0x0], $0xffff  }
0x348: {  	v12 =	vmov s19;
	v11 =	vld.idx.msk [tilespmem:v8+s26+$0x0], $0xffff  }
0x349: {  	v8 =	vld.idx.msk [tilespmem:v8+s28+$0x0], $0xffff;
	_ =	sdelay $0x1  }
0x34a: {  	v24 =	vshll.u32 v9, $0x7  }
0x34b: {  	v22 =	vshll.u32 v10, $0x7;
	v13 =	vor.u32 v0, v24  }
0x34c: {  	v14 =	vor.u32 v0, v22;
	v10 =	vshll.u32 v11, $0x7;
	v11 =	vld.idx.msk [tilespmem:v12+s26+$0x0], $0xffff  }
0x34d: {  	s20 =	simm.s32 $0x181;
	v15 =	vld.idx.msk [tilespmem:v12+s28+$0x0], $0xffff;
	v9 =	vshll.u32 v8, $0x7;
	v16 =	vor.u32 v0, v10  }
0x34e: {  	v8 =	vmov s20;
	v17 =	vor.u32 v0, v9  }
0x34f: {  	v8 =	vand.u32 $0xFFFFFFFD, v8  }
0x350: {  	v8 =	vbroadcast v8, $0x0;
	v13 =	vld.idx.msk [tilespmem:v13+s4+$0x0], $0xffff  }
0x351: {  	v12 =	vshll.u32 v11, $0x7;
	v11 =	vld.idx.msk [tilespmem:v14+s18+$0x0], $0xffff  }
0x352: {  	v21 =	vshll.u32 v15, $0x7;
	v14 =	vld.idx.msk [tilespmem:v16+s4+$0x0], $0xffff;
	v15 =	vor.u32 v0, v12  }
0x353: {  	v16 =	vor.u32 v0, v21;
	v17 =	vld.idx.msk [tilespmem:v17+s18+$0x0], $0xffff  }
0x354: {  	v18 =	vor.u32 v1, v24  }
0x355: {  	v19 =	vor.u32 v1, v22  }
0x356: {  	v20 =	vor.u32 v1, v10;
	v23 =	vld.idx.msk [tilespmem:v8+s26+$0x0], $0xffff;
	v11 =	vadd.f32 v11, v13  }
0x357: {  	s19 =	simm.s32 $0x1AE70;
	v13 =	vld.idx.msk [tilespmem:v15+s4+$0x0], $0xffff;
	v15 =	vor.u32 v1, v9  }
0x358: {  	v16 =	vld.idx.msk [tilespmem:v16+s18+$0x0], $0xffff;
	v14 =	vadd.f32 v17, v14;
	[tilespmem:s19+$0x100] =	vst v11  }
0x359: {  	v11 =	vld.idx.msk [tilespmem:v18+s4+$0x0], $0xffff  }
0x35a: {  	[tilespmem:s19+$0x0] =	vst v14;
	v14 =	vld.idx.msk [tilespmem:v19+s18+$0x0], $0xffff  }
0x35b: {  	v17 =	vor.u32 v1, v12;
	v18 =	vld.idx.msk [tilespmem:v20+s4+$0x0], $0xffff  }
0x35c: {  	v19 =	vor.u32 v1, v21;
	v15 =	vld.idx.msk [tilespmem:v15+s18+$0x0], $0xffff  }
0x35d: {  	v20 =	vld.idx.msk [tilespmem:v8+s28+$0x0], $0xffff;
	v8 =	vadd.f32 v16, v13;
	v13 =	vor.u32 v2, v24  }
0x35e: {  	v16 =	vor.u32 v2, v22  }
0x35f: {  	v25 =	vor.u32 v2, v9;
	[tilespmem:s19+$0x180] =	vst v8;
	v11 =	vadd.f32 v14, v11  }
0x360: {  	v14 =	vor.u32 v2, v10;
	v17 =	vld.idx.msk [tilespmem:v17+s4+$0x0], $0xffff  }
0x361: {  	v8 =	vshll.u32 v23, $0x7;
	v19 =	vld.idx.msk [tilespmem:v19+s18+$0x0], $0xffff;
	[tilespmem:s19+$0x110] =	vst v11;
	v15 =	vadd.f32 v15, v18  }
0x362: {  	v11 =	vshll.u32 v20, $0x7;
	v18 =	vor.u32 v0, v8;
	v13 =	vld.idx.msk [tilespmem:v13+s4+$0x0], $0xffff  }
0x363: {  	v20 =	vor.u32 v0, v11;
	[tilespmem:s19+$0x10] =	vst v15;
	v15 =	vld.idx.msk [tilespmem:v16+s18+$0x0], $0xffff  }
0x364: {  	v16 =	vor.u32 v2, v21;
	v23 =	vld.idx.msk [tilespmem:v25+s18+$0x0], $0xffff  }
0x365: {  	v25 =	vor.u32 v2, v12;
	v14 =	vld.idx.msk [tilespmem:v14+s4+$0x0], $0xffff  }
0x366: {  	s29 =	simm.s32 $0x185;
	v17 =	vadd.f32 v19, v17;
	v19 =	vor.u32 v3, v22  }
0x367: {  	v29 =	vmov s29;
	v26 =	vor.u32 v3, v24;
	v18 =	vld.idx.msk [tilespmem:v18+s4+$0x0], $0xffff  }
0x368: {  	v29 =	vand.u32 $0xFFFFFFFD, v29;
	v20 =	vld.idx.msk [tilespmem:v20+s18+$0x0], $0xffff;
	[tilespmem:s19+$0x190] =	vst v17;
	v17 =	vor.u32 v3, v10;
	v13 =	vadd.f32 v15, v13  }
0x369: {  	v29 =	vbroadcast v29, $0x0;
	v15 =	vld.idx.msk [tilespmem:v16+s18+$0x0], $0xffff;
	v16 =	vor.u32 v3, v9  }
0x36a: {  	v25 =	vld.idx.msk [tilespmem:v25+s4+$0x0], $0xffff;
	v14 =	vadd.f32 v23, v14;
	[tilespmem:s19+$0x120] =	vst v13  }
0x36b: {  	v23 =	vor.u32 v1, v11;
	v19 =	vld.idx.msk [tilespmem:v19+s18+$0x0], $0xffff  }
0x36c: {  	v13 =	vor.u32 v1, v8;
	[tilespmem:s19+$0x20] =	vst v14;
	v14 =	vld.idx.msk [tilespmem:v26+s4+$0x0], $0xffff  }
0x36d: {  	v18 =	vadd.f32 v20, v18;
	v20 =	vor.u32 v3, v12;
	v17 =	vld.idx.msk [tilespmem:v17+s4+$0x0], $0xffff  }
0x36e: {  	s21 =	simm.s32 $0x184;
	v26 =	vor.u32 v3, v21;
	v16 =	vld.idx.msk [tilespmem:v16+s18+$0x0], $0xffff  }
0x36f: {  	v49 =	vld.idx.msk [tilespmem:v29+s28+$0x0], $0xffff;
	[tilespmem:s19+$0x80] =	vst v18;
	v18 =	vmov s21;
	v15 =	vadd.f32 v15, v25;
	v25 =	vor.u32 v4, v24  }
0x370: {  	v27 =	vor.u32 v4, v22;
	v18 =	vand.u32 $0xFFFFFFFC, v18;
	v23 =	vld.idx.msk [tilespmem:v23+s18+$0x0], $0xffff  }
0x371: {  	s22 =	simm.s32 $0x186;
	v13 =	vld.idx.msk [tilespmem:v13+s4+$0x0], $0xffff;
	[tilespmem:s19+$0x1A0] =	vst v15;
	v15 =	vbroadcast v18, $0x0;
	v14 =	vadd.f32 v19, v14;
	v18 =	vor.u32 v4, v10  }
0x372: {  	v19 =	vld.idx.msk [tilespmem:v20+s4+$0x0], $0xffff;
	v20 =	vmov s22  }
0x373: {  	v26 =	vld.idx.msk [tilespmem:v26+s18+$0x0], $0xffff;
	v20 =	vand.u32 $0xFFFFFFFE, v20;
	[tilespmem:s19+$0x130] =	vst v14;
	v14 =	vadd.f32 v16, v17  }
0x374: {  	v16 =	vbroadcast v20, $0x0;
	v17 =	vld.idx.msk [tilespmem:v25+s4+$0x0], $0xffff;
	v20 =	vor.u32 v4, v9  }
0x375: {  	[tilespmem:s19+$0x30] =	vst v14;
	v14 =	vld.idx.msk [tilespmem:v27+s18+$0x0], $0xffff  }
0x376: {  	s23 =	simm.s32 $0x187;
	v25 =	vld.idx.msk [tilespmem:v18+s4+$0x0], $0xffff  }
0x377: {  	v27 =	vmov s23;
	v18 =	vld.idx.msk [tilespmem:v15+s26+$0x0], $0xffff  }
0x378: {  	v28 =	vor.u32 v4, v21;
	v15 =	vld.idx.msk [tilespmem:v15+s28+$0x0], $0xffff  }
0x379: {  	v20 =	vld.idx.msk [tilespmem:v20+s18+$0x0], $0xffff  }
0x37a: {  	v46 =	vor.u32 v4, v12;
	v19 =	vadd.f32 v26, v19;
	v30 =	vld.idx.msk [tilespmem:v16+s26+$0x0], $0xffff  }
0x37b: {  	v31 =	vor.u32 v5, v24;
	v26 =	vld.idx.msk [tilespmem:v16+s28+$0x0], $0xffff  }
0x37c: {  	v48 =	vor.u32 v5, v22;
	[tilespmem:s19+$0x1B0] =	vst v19;
	v47 =	vld.idx.msk [tilespmem:v27+s28+$0x0], $0xffff  }
0x37d: {  	v14 =	vadd.f32 v14, v17;
	v19 =	vld.idx.msk [tilespmem:v28+s18+$0x0], $0xffff  }
0x37e: {  	v17 =	vshll.u32 v18, $0x7;
	v18 =	vld.idx.msk [tilespmem:v27+s26+$0x0], $0xffff;
	v27 =	vor.u32 v2, v11  }
0x37f: {  	v51 =	vor.u32 v5, v10;
	v13 =	vadd.f32 v23, v13;
	v32 =	vld.idx.msk [tilespmem:v46+s4+$0x0], $0xffff;
	[tilespmem:s19+$0x140] =	vst v14  }
0x380: {  	v28 =	vld.idx.msk [tilespmem:v31+s4+$0x0], $0xffff;
	v31 =	vor.u32 v2, v8;
	v20 =	vadd.f32 v20, v25  }
0x381: {  	[tilespmem:s19+$0x90] =	vst v13;
	v16 =	vshll.u32 v15, $0x7;
	v14 =	vor.u32 v0, v17;
	v34 =	vld.idx.msk [tilespmem:v48+s18+$0x0], $0xffff  }
0x382: {  	v23 =	vor.u32 v0, v16;
	v15 =	vshll.u32 v47, $0x7;
	[tilespmem:s19+$0x40] =	vst v20;
	v20 =	vld.idx.msk [tilespmem:v29+s26+$0x0], $0xffff  }
0x383: {  	v33 =	vor.u32 v0, v15;
	v18 =	vshll.u32 v18, $0x7;
	v27 =	vld.idx.msk [tilespmem:v27+s18+$0x0], $0xffff  }
0x384: {  	v13 =	vshll.u32 v30, $0x7;
	v30 =	vld.idx.msk [tilespmem:v51+s4+$0x0], $0xffff;
	v52 =	vor.u32 v0, v18  }
0x385: {  	v25 =	vld.idx.msk [tilespmem:v31+s4+$0x0], $0xffff;
	v31 =	vor.u32 v5, v12  }
0x386: {  	v50 =	vld.idx.msk [tilespmem:v14+s4+$0x0], $0xffff;
	v14 =	vshll.u32 v26, $0x7;
	v26 =	vor.u32 v0, v13  }
0x387: {  	v19 =	vadd.f32 v19, v32;
	v23 =	vld.idx.msk [tilespmem:v23+s18+$0x0], $0xffff;
	v29 =	vor.u32 v0, v14  }
0x388: {  	v54 =	vor.u32 v3, v8;
	v33 =	vld.idx.msk [tilespmem:v33+s18+$0x0], $0xffff  }
0x389: {  	v55 =	vor.u32 v6, v24;
	[tilespmem:s19+$0x1C0] =	vst v19;
	v53 =	vld.idx.msk [tilespmem:v52+s4+$0x0], $0xffff  }
0x38a: {  	v56 =	vor.u32 v1, v17;
	v31 =	vld.idx.msk [tilespmem:v31+s4+$0x0], $0xffff;
	v19 =	vadd.f32 v27, v25  }
0x38b: {  	v25 =	vor.u32 v3, v11;
	v27 =	vadd.f32 v34, v28;
	v26 =	vld.idx.msk [tilespmem:v26+s4+$0x0], $0xffff  }
0x38c: {  	v28 =	vor.u32 v6, v22;
	v23 =	vadd.f32 v23, v50;
	v29 =	vld.idx.msk [tilespmem:v29+s18+$0x0], $0xffff;
	[tilespmem:s19+$0xA0] =	vst v19  }
0x38d: {  	s20 =	simm.s32 $0x1B070;
	[tilespmem:s19+$0x150] =	vst v27;
	v27 =	vor.u32 v1, v16;
	v37 =	vld.idx.msk [tilespmem:v54+s4+$0x0], $0xffff  }
0x38e: {  	v19 =	vshll.u32 v20, $0x7;
	v20 =	vor.u32 v1, v18;
	[tilespmem:s20+$0x0] =	vst v23;
	v57 =	vld.idx.msk [tilespmem:v55+s4+$0x0], $0xffff  }
0x38f: {  	v58 =	vor.u32 v0, v19;
	v34 =	vld.idx.msk [tilespmem:v56+s4+$0x0], $0xffff  }
0x390: {  	v23 =	vor.u32 v1, v13;
	v25 =	vld.idx.msk [tilespmem:v25+s18+$0x0], $0xffff;
	v32 =	vadd.f32 v33, v53  }
0x391: {  	v60 =	vor.u32 v1, v15;
	v28 =	vld.idx.msk [tilespmem:v28+s18+$0x0], $0xffff  }
0x392: {  	v59 =	vor.u32 v1, v14;
	v26 =	vadd.f32 v29, v26;
	v27 =	vld.idx.msk [tilespmem:v27+s18+$0x0], $0xffff;
	[tilespmem:s20+$0x180] =	vst v32  }
0x393: {  	v61 =	vor.u32 v4, v8;
	v29 =	vld.idx.msk [tilespmem:v20+s4+$0x0], $0xffff  }
0x394: {  	v20 =	vshll.u32 v49, $0x7;
	v62 =	vld.idx.msk [tilespmem:v58+s4+$0x0], $0xffff;
	[tilespmem:s20+$0x100] =	vst v26;
	v26 =	vor.u32 v5, v9  }
0x395: {  	v63 =	vor.u32 v0, v20;
	v44 =	vld.idx.msk [tilespmem:v23+s4+$0x0], $0xffff;
	v23 =	vadd.f32 v25, v37  }
0x396: {  	v46 =	vor.u32 v4, v11;
	v45 =	vld.idx.msk [tilespmem:v60+s18+$0x0], $0xffff  }
0x397: {  	v22 =	vor.u32 v7, v22;
	v25 =	vld.idx.msk [tilespmem:v59+s18+$0x0], $0xffff;
	[tilespmem:s19+$0xB0] =	vst v23  }
0x398: {  	v50 =	vor.u32 v2, v17;
	v23 =	vadd.f32 v28, v57;
	v32 =	vld.idx.msk [tilespmem:v61+s4+$0x0], $0xffff  }
0x399: {  	v28 =	vor.u32 v2, v16;
	v27 =	vadd.f32 v27, v34;
	v26 =	vld.idx.msk [tilespmem:v26+s18+$0x0], $0xffff  }
0x39a: {  	v47 =	vor.u32 v5, v21;
	[tilespmem:s19+$0x160] =	vst v23;
	v48 =	vld.idx.msk [tilespmem:v63+s18+$0x0], $0xffff  }
0x39b: {  	v49 =	vor.u32 v2, v13;
	[tilespmem:s20+$0x10] =	vst v27;
	v27 =	vld.idx.msk [tilespmem:v46+s18+$0x0], $0xffff  }
0x39c: {  	v52 =	vor.u32 v2, v14;
	v23 =	vld.idx.msk [tilespmem:v22+s18+$0x0], $0xffff  }
0x39d: {  	v22 =	vor.u32 v2, v15;
	v25 =	vadd.f32 v25, v44;
	v55 =	vld.idx.msk [tilespmem:v50+s4+$0x0], $0xffff  }
0x39e: {  	v56 =	vor.u32 v6, v10;
	v51 =	vld.idx.msk [tilespmem:v28+s18+$0x0], $0xffff  }
0x39f: {  	v29 =	vadd.f32 v45, v29;
	v28 =	vor.u32 v2, v18;
	[tilespmem:s20+$0x110] =	vst v25;
	v25 =	vld.idx.msk [tilespmem:v47+s18+$0x0], $0xffff  }
0x3a0: {  	v53 =	vor.u32 v1, v19;
	v54 =	vld.idx.msk [tilespmem:v49+s4+$0x0], $0xffff;
	v26 =	vadd.f32 v26, v30  }
0x3a1: {  	[tilespmem:s20+$0x190] =	vst v29;
	v29 =	vor.u32 v5, v11;
	v30 =	vld.idx.msk [tilespmem:v52+s18+$0x0], $0xffff  }
0x3a2: {  	v60 =	vor.u32 v1, v20;
	v34 =	vadd.f32 v48, v62;
	v22 =	vld.idx.msk [tilespmem:v22+s18+$0x0], $0xffff;
	[tilespmem:s19+$0x50] =	vst v26  }
0x3a3: {  	v58 =	vor.u32 v6, v12;
	v27 =	vadd.f32 v27, v32;
	v26 =	vld.idx.msk [tilespmem:v56+s4+$0x0], $0xffff  }
0x3a4: {  	v59 =	vor.u32 v6, v21;
	[tilespmem:s20+$0x80] =	vst v34;
	v57 =	vld.idx.msk [tilespmem:v28+s4+$0x0], $0xffff  }
0x3a5: {  	[tilespmem:s19+$0xC0] =	vst v27;
	v27 =	vor.u32 v5, v8;
	v28 =	vld.idx.msk [tilespmem:v53+s4+$0x0], $0xffff;
	v25 =	vadd.f32 v25, v31  }
0x3a6: {  	v31 =	vor.u32 v3, v17;
	v29 =	vld.idx.msk [tilespmem:v29+s18+$0x0], $0xffff  }
0x3a7: {  	v61 =	vor.u32 v3, v14;
	v32 =	vld.idx.msk [tilespmem:v60+s18+$0x0], $0xffff;
	[tilespmem:s19+$0x1D0] =	vst v25;
	v25 =	vadd.f32 v51, v55  }
0x3a8: {  	v43 =	vor.u32 v3, v13;
	v62 =	vld.idx.msk [tilespmem:v58+s4+$0x0], $0xffff  }
0x3a9: {  	v41 =	vor.u32 v3, v18;
	v42 =	vld.idx.msk [tilespmem:v59+s18+$0x0], $0xffff;
	[tilespmem:s20+$0x20] =	vst v25;
	v25 =	vadd.f32 v30, v54  }
0x3aa: {  	v38 =	vor.u32 v6, v9;
	v34 =	vld.idx.msk [tilespmem:v27+s4+$0x0], $0xffff  }
0x3ab: {  	v37 =	vor.u32 v7, v24;
	v63 =	vadd.f32 v22, v57;
	v27 =	vld.idx.msk [tilespmem:v31+s4+$0x0], $0xffff;
	[tilespmem:s20+$0x120] =	vst v25  }
0x3ac: {  	v36 =	vor.u32 v6, v8;
	v35 =	vor.u32 v3, v16;
	v30 =	vld.idx.msk [tilespmem:v61+s18+$0x0], $0xffff  }
0x3ad: {  	v33 =	vor.u32 v6, v11;
	v22 =	vor.u32 v7, v21;
	[tilespmem:s20+$0x1A0] =	vst v63;
	v31 =	vld.idx.msk [tilespmem:v43+s4+$0x0], $0xffff  }
0x3ae: {  	s21 =	simm.s32 $0x4;
	v21 =	vor.u32 v7, v15;
	v25 =	vor.u32 v2, v20;
	v24 =	vld.idx.msk [tilespmem:v41+s4+$0x0], $0xffff;
	v39 =	vadd.f32 v42, v62  }
.LBB2_10:
0x3af: {  	s2 =	sadd.s32 $0x184, s21;
	s3 =	sadd.s32 $0x185, s21;
	s22 =	sadd.s32 $0x186, s21;
	v40 =	vor.u32 v3, v15;
	v38 =	vld.idx.msk [tilespmem:v38+s18+$0x0], $0xffff;
	v29 =	vadd.f32 v29, v34;
	v34 =	vor.u32 v7, v12  }
0x3b0: {  	v43 =	vor.u32 v4, v13;
	v12 =	vmovc v18;
	v41 =	vmov s2;
	v42 =	vmov s3;
	v37 =	vld.idx.msk [tilespmem:v37+s4+$0x0], $0xffff;
	[tilespmem:s19+$0x1E0] =	vst v39;
	s2 =	smov.u32 s21;
	s21 =	sadd.s32 $0x4, s21  }
0x3b1: {  	v18 =	vand.u32 $0xFFFFFFFC, v41;
	v39 =	vand.u32 $0xFFFFFFFD, v42;
	v41 =	vmov s22;
	p1 =	slt.u32 s21, $0x7C;
	v35 =	vld.idx.msk [tilespmem:v35+s18+$0x0], $0xffff;
	[tilespmem:s19+$0xD0] =	vst v29  }
0x3b2: {  	v28 =	vadd.f32 v32, v28;
	v18 =	vbroadcast v18, $0x0;
	v29 =	vand.u32 $0xFFFFFFFE, v41;
	v32 =	vld.idx.msk [tilespmem:v36+s4+$0x0], $0xffff  }
0x3b3: {  	v36 =	vbroadcast v39, $0x0;
	v39 =	vor.u32 v7, v10;
	v10 =	vmovc v17;
	v29 =	vbroadcast v29, $0x0;
	v33 =	vld.idx.msk [tilespmem:v33+s18+$0x0], $0xffff  }
0x3b4: {  	v17 =	vadd.f32 v30, v31;
	v30 =	vor.u32 v7, v9;
	v31 =	vor.u32 v7, v11;
	v41 =	vld.idx.msk [tilespmem:v22+s18+$0x0], $0xffff  }
0x3b5: {  	v9 =	vmov v16;
	v38 =	vadd.f32 v38, v26;
	[tilespmem:s20+$0x90] =	vst v28;
	v28 =	vor.u32 v4, v14;
	v40 =	vld.idx.msk [tilespmem:v40+s18+$0x0], $0xffff  }
0x3b6: {  	v16 =	vor.u32 v4, v10;
	v22 =	vmov v21;
	[tilespmem:s20+$0x130] =	vst v17;
	v17 =	vadd.f32 v23, v37;
	v23 =	vld.idx.msk [tilespmem:v34+s4+$0x0], $0xffff  }
0x3b7: {  	v21 =	vadd.f32 v35, v27;
	v27 =	vor.u32 v7, v8;
	v8 =	vmov v19;
	v26 =	vld.idx.msk [tilespmem:v43+s4+$0x0], $0xffff;
	[tilespmem:s19+$0x60] =	vst v38  }
0x3b8: {  	v11 =	vmov v20;
	v19 =	vld.idx.msk [tilespmem:v39+s4+$0x0], $0xffff;
	[tilespmem:s19+$0x170] =	vst v17  }
0x3b9: {  	v20 =	vadd.f32 v33, v32;
	[tilespmem:s20+$0x30] =	vst v21;
	v17 =	vld.idx.msk [tilespmem:v30+s18+$0x0], $0xffff  }
0x3ba: {  	v21 =	vld.idx.msk [tilespmem:v28+s18+$0x0], $0xffff  }
0x3bb: {  	v28 =	vld.idx.msk [tilespmem:v16+s4+$0x0], $0xffff;
	v16 =	vor.u32 v4, v9;
	[tilespmem:s19+$0xE0] =	vst v20  }
0x3bc: {  	v23 =	vadd.f32 v41, v23;
	v20 =	vld.idx.msk [tilespmem:v31+s18+$0x0], $0xffff  }
0x3bd: {  	s2 =	sadd.s32 $0x187, s2;
	v27 =	vld.idx.msk [tilespmem:v27+s4+$0x0], $0xffff  }
0x3be: {  	v31 =	vmov s2;
	v30 =	vld.idx.msk [tilespmem:v18+s26+$0x0], $0xffff;
	[tilespmem:s19+$0x1F0] =	vst v23  }
0x3bf: {  	v23 =	vadd.f32 v40, v24;
	v17 =	vadd.f32 v17, v19;
	v18 =	vld.idx.msk [tilespmem:v18+s28+$0x0], $0xffff  }
0x3c0: {  	v19 =	vld.idx.msk [tilespmem:v16+s18+$0x0], $0xffff;
	v16 =	vadd.f32 v21, v26;
	v21 =	vor.u32 v4, v15  }
0x3c1: {  	v26 =	vor.u32 v5, v13;
	v24 =	vld.idx.msk [tilespmem:v29+s26+$0x0], $0xffff;
	[tilespmem:s20+$0x1B0] =	vst v23  }
0x3c2: {  	v23 =	vld.idx.msk [tilespmem:v29+s28+$0x0], $0xffff;
	[tilespmem:s20+$0x140] =	vst v16;
	v29 =	vor.u32 v4, v12  }
0x3c3: {  	v33 =	vor.u32 v5, v14;
	v20 =	vadd.f32 v20, v27;
	v32 =	vld.idx.msk [tilespmem:v31+s28+$0x0], $0xffff;
	[tilespmem:s19+$0x70] =	vst v17  }
0x3c4: {  	v17 =	vshll.u32 v30, $0x7;
	v27 =	vld.idx.msk [tilespmem:v31+s26+$0x0], $0xffff  }
0x3c5: {  	v30 =	vor.u32 v0, v17;
	v16 =	vshll.u32 v18, $0x7;
	v31 =	vld.idx.msk [tilespmem:v21+s18+$0x0], $0xffff;
	[tilespmem:s19+$0xF0] =	vst v20;
	s19 =	smov.u32 s20  }
0x3c6: {  	v18 =	vadd.f32 v19, v28;
	v19 =	vld.idx.msk [tilespmem:v26+s4+$0x0], $0xffff  }
0x3c7: {  	v20 =	vor.u32 v2, v8;
	v28 =	vld.idx.msk [tilespmem:v29+s4+$0x0], $0xffff  }
0x3c8: {  	v29 =	vor.u32 v0, v16;
	v23 =	vshll.u32 v23, $0x7;
	[tilespmem:s20+$0x40] =	vst v18;
	v33 =	vld.idx.msk [tilespmem:v33+s18+$0x0], $0xffff  }
0x3c9: {  	v34 =	vld.idx.msk [tilespmem:v36+s28+$0x0], $0xffff  }
0x3ca: {  	v26 =	vshll.u32 v32, $0x7;
	v18 =	vshll.u32 v27, $0x7;
	v27 =	vor.u32 v5, v10;
	v30 =	vld.idx.msk [tilespmem:v30+s4+$0x0], $0xffff  }
0x3cb: {  	v35 =	vor.u32 v0, v26;
	v21 =	vor.u32 v7, v26;
	v32 =	vor.u32 v0, v18;
	v25 =	vld.idx.msk [tilespmem:v25+s18+$0x0], $0xffff  }
0x3cc: {  	v37 =	vor.u32 v5, v12;
	s20 =	sadd.s32 $0x200, s20;
	v20 =	vld.idx.msk [tilespmem:v20+s4+$0x0], $0xffff  }
0x3cd: {  	v24 =	vshll.u32 v24, $0x7;
	v29 =	vld.idx.msk [tilespmem:v29+s18+$0x0], $0xffff  }
0x3ce: {  	v38 =	vor.u32 v1, v17;
	v39 =	vor.u32 v0, v24;
	v28 =	vadd.f32 v31, v28;
	v36 =	vld.idx.msk [tilespmem:v36+s26+$0x0], $0xffff  }
0x3cf: {  	v31 =	vor.u32 v0, v23;
	v19 =	vadd.f32 v33, v19;
	v27 =	vld.idx.msk [tilespmem:v27+s4+$0x0], $0xffff  }
0x3d0: {  	v33 =	vor.u32 v3, v8;
	v32 =	vld.idx.msk [tilespmem:v32+s4+$0x0], $0xffff;
	[tilespmem:s19+$0x1C0] =	vst v28  }
0x3d1: {  	v28 =	vor.u32 v6, v13;
	[tilespmem:s19+$0x150] =	vst v19;
	v37 =	vld.idx.msk [tilespmem:v37+s4+$0x0], $0xffff  }
0x3d2: {  	v19 =	vadd.f32 v25, v20;
	v20 =	vor.u32 v3, v11;
	v35 =	vld.idx.msk [tilespmem:v35+s18+$0x0], $0xffff  }
0x3d3: {  	v25 =	vadd.f32 v29, v30;
	v30 =	vor.u32 v6, v14;
	v29 =	vld.idx.msk [tilespmem:v39+s4+$0x0], $0xffff  }
0x3d4: {  	v31 =	vld.idx.msk [tilespmem:v31+s18+$0x0], $0xffff;
	[tilespmem:s19+$0xA0] =	vst v19  }
0x3d5: {  	v39 =	vor.u32 v1, v26;
	[tilespmem:s20+$0x0] =	vst v25;
	v25 =	vor.u32 v1, v16;
	v33 =	vld.idx.msk [tilespmem:v33+s4+$0x0], $0xffff  }
0x3d6: {  	v19 =	vshll.u32 v36, $0x7;
	v36 =	vor.u32 v1, v18;
	v28 =	vld.idx.msk [tilespmem:v28+s4+$0x0], $0xffff  }
0x3d7: {  	v41 =	vor.u32 v1, v24;
	v40 =	vor.u32 v0, v19;
	v42 =	vld.idx.msk [tilespmem:v20+s18+$0x0], $0xffff  }
0x3d8: {  	v43 =	vor.u32 v2, v17;
	v44 =	vor.u32 v1, v23;
	v20 =	vadd.f32 v35, v32;
	v30 =	vld.idx.msk [tilespmem:v30+s18+$0x0], $0xffff  }
0x3d9: {  	v32 =	vld.idx.msk [tilespmem:v38+s4+$0x0], $0xffff  }
0x3da: {  	v29 =	vadd.f32 v31, v29;
	v25 =	vld.idx.msk [tilespmem:v25+s18+$0x0], $0xffff;
	[tilespmem:s20+$0x180] =	vst v20  }
0x3db: {  	v20 =	vshll.u32 v34, $0x7;
	v34 =	vor.u32 v4, v8;
	v31 =	vld.idx.msk [tilespmem:v36+s4+$0x0], $0xffff  }
0x3dc: {  	v36 =	vor.u32 v0, v20;
	v35 =	vld.idx.msk [tilespmem:v40+s4+$0x0], $0xffff;
	[tilespmem:s20+$0x100] =	vst v29;
	v29 =	vor.u32 v5, v9  }
0x3dd: {  	v33 =	vadd.f32 v42, v33;
	v38 =	vld.idx.msk [tilespmem:v41+s4+$0x0], $0xffff  }
0x3de: {  	v28 =	vadd.f32 v30, v28;
	v30 =	vor.u32 v7, v14;
	v14 =	vmov v23;
	v40 =	vld.idx.msk [tilespmem:v44+s18+$0x0], $0xffff  }
0x3df: {  	v41 =	vor.u32 v2, v26;
	v39 =	vld.idx.msk [tilespmem:v39+s18+$0x0], $0xffff;
	[tilespmem:s19+$0xB0] =	vst v33;
	v33 =	vor.u32 v4, v11  }
0x3e0: {  	v23 =	vadd.f32 v25, v32;
	v25 =	vor.u32 v2, v16;
	v32 =	vld.idx.msk [tilespmem:v34+s4+$0x0], $0xffff;
	[tilespmem:s19+$0x160] =	vst v28  }
0x3e1: {  	v28 =	vld.idx.msk [tilespmem:v29+s18+$0x0], $0xffff;
	v29 =	vor.u32 v5, v15  }
0x3e2: {  	[tilespmem:s20+$0x10] =	vst v23;
	v34 =	vld.idx.msk [tilespmem:v36+s18+$0x0], $0xffff;
	v36 =	vor.u32 v2, v24  }
0x3e3: {  	v42 =	vor.u32 v2, v14;
	v23 =	vld.idx.msk [tilespmem:v30+s18+$0x0], $0xffff  }
0x3e4: {  	v30 =	vadd.f32 v40, v38;
	v33 =	vld.idx.msk [tilespmem:v33+s18+$0x0], $0xffff  }
0x3e5: {  	v40 =	vor.u32 v1, v20;
	v38 =	vor.u32 v2, v18;
	v31 =	vadd.f32 v39, v31;
	v25 =	vld.idx.msk [tilespmem:v25+s18+$0x0], $0xffff  }
0x3e6: {  	v39 =	vor.u32 v1, v19;
	[tilespmem:s20+$0x110] =	vst v30;
	v29 =	vld.idx.msk [tilespmem:v29+s18+$0x0], $0xffff  }
0x3e7: {  	v27 =	vadd.f32 v28, v27;
	v30 =	vld.idx.msk [tilespmem:v36+s4+$0x0], $0xffff;
	[tilespmem:s20+$0x190] =	vst v31  }
0x3e8: {  	v28 =	vadd.f32 v34, v35;
	v34 =	vor.u32 v5, v11;
	v31 =	vld.idx.msk [tilespmem:v43+s4+$0x0], $0xffff  }
0x3e9: {  	v35 =	vld.idx.msk [tilespmem:v41+s18+$0x0], $0xffff;
	[tilespmem:s19+$0x50] =	vst v27;
	v27 =	vor.u32 v6, v10  }
0x3ea: {  	v32 =	vadd.f32 v33, v32;
	v33 =	vor.u32 v6, v12;
	[tilespmem:s20+$0x80] =	vst v28;
	v36 =	vld.idx.msk [tilespmem:v38+s4+$0x0], $0xffff  }
0x3eb: {  	v41 =	vor.u32 v6, v15;
	v15 =	vmov v26;
	v38 =	vld.idx.msk [tilespmem:v42+s18+$0x0], $0xffff  }
0x3ec: {  	v37 =	vadd.f32 v29, v37;
	v28 =	vld.idx.msk [tilespmem:v39+s4+$0x0], $0xffff;
	[tilespmem:s19+$0xC0] =	vst v32;
	v32 =	vor.u32 v5, v8  }
0x3ed: {  	v39 =	vor.u32 v3, v17;
	v29 =	vld.idx.msk [tilespmem:v34+s18+$0x0], $0xffff  }
0x3ee: {  	v25 =	vadd.f32 v25, v31;
	v26 =	vld.idx.msk [tilespmem:v27+s4+$0x0], $0xffff;
	[tilespmem:s19+$0x1D0] =	vst v37  }
0x3ef: {  	v31 =	vor.u32 v3, v14;
	v42 =	vld.idx.msk [tilespmem:v33+s4+$0x0], $0xffff  }
0x3f0: {  	v43 =	vor.u32 v3, v24;
	v33 =	vor.u32 v3, v18;
	[tilespmem:s20+$0x20] =	vst v25;
	v41 =	vld.idx.msk [tilespmem:v41+s18+$0x0], $0xffff  }
0x3f1: {  	v36 =	vadd.f32 v35, v36;
	v25 =	vor.u32 v2, v20;
	v30 =	vadd.f32 v38, v30;
	v34 =	vld.idx.msk [tilespmem:v32+s4+$0x0], $0xffff  }
.Ltmp4:
0x3f2: {  	v38 =	vor.u32 v6, v9;
	v27 =	vld.idx.msk [tilespmem:v39+s4+$0x0], $0xffff;
	(pc) =	sbr.rel @p1 .LBB2_10-.Ltmp4, $4  }
0x3f3: {  	v37 =	vor.u32 v7, v13;
	v13 =	vmov v24;
	v32 =	vld.idx.msk [tilespmem:v40+s18+$0x0], $0xffff;
	[tilespmem:s20+$0x120] =	vst v30  }
0x3f4: {  	v35 =	vor.u32 v3, v16;
	v30 =	vld.idx.msk [tilespmem:v31+s18+$0x0], $0xffff;
	[tilespmem:s20+$0x1A0] =	vst v36  }
0x3f5: {  	v36 =	vor.u32 v6, v8;
	v24 =	vld.idx.msk [tilespmem:v33+s4+$0x0], $0xffff;
	v33 =	vor.u32 v6, v11  }
0x3f6: {  	v39 =	vadd.f32 v41, v42;
	v31 =	vld.idx.msk [tilespmem:v43+s4+$0x0], $0xffff  }
0x3f7: {  	_ = 	snop  }
0x3f8: {  	v40 =	vor.u32 v2, v19  }
0x3f9: {  	v28 =	vadd.f32 v32, v28;
	_ =	sdelay $0x1  }
0x3fa: {  	v56 =	vld.idx.msk [tilespmem:v38+s18+$0x0], $0xffff;
	[tilespmem:s20+$0x90] =	vst v28  }
0x3fb: {  	v25 =	vld.idx.msk [tilespmem:v25+s18+$0x0], $0xffff  }
0x3fc: {  	v58 =	vld.idx.msk [tilespmem:v40+s4+$0x0], $0xffff  }
0x3fd: {  	v57 =	vor.u32 v3, v15;
	v29 =	vadd.f32 v29, v34;
	v37 =	vld.idx.msk [tilespmem:v37+s4+$0x0], $0xffff  }
0x3fe: {  	v12 =	vor.u32 v7, v12;
	v35 =	vld.idx.msk [tilespmem:v35+s18+$0x0], $0xffff;
	[tilespmem:s19+$0x1E0] =	vst v39  }
0x3ff: {  	v59 =	vor.u32 v3, v19;
	[tilespmem:s19+$0xD0] =	vst v29;
	v22 =	vld.idx.msk [tilespmem:v22+s18+$0x0], $0xffff  }
0x400: {  	v60 =	vor.u32 v3, v20;
	v29 =	vld.idx.msk [tilespmem:v36+s4+$0x0], $0xffff  }
0x401: {  	v61 =	vor.u32 v4, v13;
	v33 =	vld.idx.msk [tilespmem:v33+s18+$0x0], $0xffff;
	v25 =	vadd.f32 v25, v58  }
0x402: {  	v62 =	vor.u32 v4, v14;
	v28 =	vld.idx.msk [tilespmem:v57+s18+$0x0], $0xffff  }
0x403: {  	v10 =	vor.u32 v7, v10;
	v30 =	vadd.f32 v30, v31;
	v12 =	vld.idx.msk [tilespmem:v12+s4+$0x0], $0xffff;
	[tilespmem:s20+$0xA0] =	vst v25  }
0x404: {  	v45 =	vor.u32 v4, v17;
	v42 =	vld.idx.msk [tilespmem:v59+s4+$0x0], $0xffff  }
0x405: {  	v47 =	vor.u32 v4, v16;
	v63 =	vadd.f32 v56, v26;
	[tilespmem:s20+$0x130] =	vst v30;
	v44 =	vld.idx.msk [tilespmem:v60+s18+$0x0], $0xffff  }
0x406: {  	v41 =	vor.u32 v4, v15;
	v27 =	vadd.f32 v35, v27;
	v46 =	vld.idx.msk [tilespmem:v61+s4+$0x0], $0xffff  }
0x407: {  	v43 =	vor.u32 v4, v18;
	[tilespmem:s19+$0x60] =	vst v63;
	v48 =	vld.idx.msk [tilespmem:v62+s18+$0x0], $0xffff  }
0x408: {  	v49 =	vor.u32 v4, v19;
	[tilespmem:s20+$0x30] =	vst v27;
	v10 =	vld.idx.msk [tilespmem:v10+s4+$0x0], $0xffff;
	v24 =	vadd.f32 v28, v24  }
0x409: {  	v50 =	vor.u32 v4, v20;
	v53 =	vld.idx.msk [tilespmem:v45+s4+$0x0], $0xffff  }
0x40a: {  	v9 =	vor.u32 v7, v9;
	[tilespmem:s20+$0x1B0] =	vst v24;
	v25 =	vld.idx.msk [tilespmem:v47+s18+$0x0], $0xffff;
	v52 =	vadd.f32 v44, v42  }
0x40b: {  	v54 =	vor.u32 v5, v13;
	v26 =	vld.idx.msk [tilespmem:v41+s18+$0x0], $0xffff  }
0x40c: {  	v55 =	vor.u32 v5, v14;
	v51 =	vld.idx.msk [tilespmem:v43+s4+$0x0], $0xffff;
	[tilespmem:s20+$0xB0] =	vst v52  }
0x40d: {  	v58 =	vor.u32 v5, v17;
	v28 =	vadd.f32 v48, v46;
	v24 =	vld.idx.msk [tilespmem:v49+s4+$0x0], $0xffff  }
0x40e: {  	v60 =	vor.u32 v5, v16;
	v31 =	vld.idx.msk [tilespmem:v50+s18+$0x0], $0xffff  }
0x40f: {  	v56 =	vor.u32 v5, v18;
	v9 =	vld.idx.msk [tilespmem:v9+s18+$0x0], $0xffff;
	[tilespmem:s20+$0x140] =	vst v28;
	v25 =	vadd.f32 v25, v53  }
0x410: {  	v57 =	vor.u32 v5, v15;
	v59 =	vld.idx.msk [tilespmem:v54+s4+$0x0], $0xffff  }
0x411: {  	v62 =	vor.u32 v5, v20;
	v61 =	vld.idx.msk [tilespmem:v55+s18+$0x0], $0xffff;
	v26 =	vadd.f32 v26, v51;
	[tilespmem:s20+$0x40] =	vst v25  }
0x412: {  	v63 =	vor.u32 v5, v19;
	v28 =	vld.idx.msk [tilespmem:v58+s4+$0x0], $0xffff  }
0x413: {  	v11 =	vor.u32 v7, v11;
	[tilespmem:s20+$0x1C0] =	vst v26;
	v34 =	vld.idx.msk [tilespmem:v60+s18+$0x0], $0xffff;
	v24 =	vadd.f32 v31, v24  }
0x414: {  	v38 =	vor.u32 v6, v13;
	v30 =	vld.idx.msk [tilespmem:v56+s4+$0x0], $0xffff  }
0x415: {  	v39 =	vor.u32 v6, v14;
	v29 =	vadd.f32 v33, v29;
	v36 =	vld.idx.msk [tilespmem:v57+s18+$0x0], $0xffff;
	[tilespmem:s20+$0xC0] =	vst v24  }
0x416: {  	v44 =	vor.u32 v6, v17;
	v40 =	vadd.f32 v61, v59;
	v26 =	vld.idx.msk [tilespmem:v62+s18+$0x0], $0xffff  }
0x417: {  	[tilespmem:s19+$0xE0] =	vst v29;
	v46 =	vor.u32 v6, v16;
	v43 =	vld.idx.msk [tilespmem:v63+s4+$0x0], $0xffff  }
0x418: {  	v11 =	vld.idx.msk [tilespmem:v11+s18+$0x0], $0xffff;
	v41 =	vor.u32 v6, v18;
	[tilespmem:s20+$0x150] =	vst v40;
	v28 =	vadd.f32 v34, v28  }
0x419: {  	v42 =	vor.u32 v6, v15;
	v45 =	vld.idx.msk [tilespmem:v38+s4+$0x0], $0xffff  }
0x41a: {  	v48 =	vor.u32 v6, v19;
	v47 =	vld.idx.msk [tilespmem:v39+s18+$0x0], $0xffff;
	v25 =	vadd.f32 v36, v30;
	[tilespmem:s20+$0x50] =	vst v28  }
0x41b: {  	v49 =	vor.u32 v6, v20;
	v24 =	vld.idx.msk [tilespmem:v44+s4+$0x0], $0xffff  }
0x41c: {  	v8 =	vor.u32 v7, v8;
	[tilespmem:s20+$0x1D0] =	vst v25;
	v28 =	vld.idx.msk [tilespmem:v46+s18+$0x0], $0xffff;
	v26 =	vadd.f32 v26, v43  }
0x41d: {  	v50 =	vor.u32 v7, v14;
	v27 =	vld.idx.msk [tilespmem:v41+s4+$0x0], $0xffff  }
0x41e: {  	v51 =	vor.u32 v7, v13;
	v15 =	vld.idx.msk [tilespmem:v42+s18+$0x0], $0xffff;
	[tilespmem:s20+$0xD0] =	vst v26  }
0x41f: {  	v55 =	vor.u32 v7, v17;
	v52 =	vadd.f32 v47, v45;
	v25 =	vld.idx.msk [tilespmem:v48+s4+$0x0], $0xffff  }
0x420: {  	v56 =	vor.u32 v7, v16;
	v54 =	vld.idx.msk [tilespmem:v49+s18+$0x0], $0xffff  }
0x421: {  	v8 =	vld.idx.msk [tilespmem:v8+s4+$0x0], $0xffff;
	[tilespmem:s20+$0x160] =	vst v52;
	v58 =	vadd.f32 v28, v24  }
0x422: {  	v53 =	vor.u32 v7, v18;
	v14 =	vld.idx.msk [tilespmem:v50+s18+$0x0], $0xffff  }
0x423: {  	v57 =	vor.u32 v7, v20;
	v13 =	vld.idx.msk [tilespmem:v51+s4+$0x0], $0xffff;
	v15 =	vadd.f32 v15, v27;
	[tilespmem:s20+$0x60] =	vst v58  }
0x424: {  	v59 =	vor.u32 v7, v19;
	v17 =	vld.idx.msk [tilespmem:v55+s4+$0x0], $0xffff  }
0x425: {  	[tilespmem:s20+$0x1E0] =	vst v15;
	v16 =	vld.idx.msk [tilespmem:v56+s18+$0x0], $0xffff;
	v60 =	vadd.f32 v54, v25  }
0x426: {  	v21 =	vld.idx.msk [tilespmem:v21+s18+$0x0], $0xffff  }
0x427: {  	v23 =	vadd.f32 v23, v37;
	v18 =	vld.idx.msk [tilespmem:v53+s4+$0x0], $0xffff;
	[tilespmem:s20+$0xE0] =	vst v60  }
0x428: {  	v12 =	vadd.f32 v22, v12;
	v15 =	vld.idx.msk [tilespmem:v57+s18+$0x0], $0xffff  }
0x429: {  	[tilespmem:s19+$0x170] =	vst v23;
	v9 =	vadd.f32 v9, v10;
	v61 =	vld.idx.msk [tilespmem:v59+s4+$0x0], $0xffff  }
0x42a: {  	[tilespmem:s19+$0x1F0] =	vst v12;
	v8 =	vadd.f32 v11, v8  }
0x42b: {  	[tilespmem:s19+$0x70] =	vst v9;
	v62 =	vadd.f32 v14, v13  }
0x42c: {  	[tilespmem:s19+$0xF0] =	vst v8;
	v8 =	vadd.f32 v21, v18  }
0x42d: {  	[tilespmem:s20+$0x170] =	vst v62;
	v63 =	vadd.f32 v16, v17  }
0x42e: {  	[tilespmem:s20+$0x1F0] =	vst v8;
	v8 =	vadd.f32 v15, v61  }
0x42f: {  	[tilespmem:s20+$0x70] =	vst v63  }
0x430: {  	s1 =	sadd.s32 $0x1, s1;
	[tilespmem:s20+$0xF0] =	vst v8  }
0x431: {  	[hbm4b:s14+s4] =	stream.linear.scatter [tilespmem:s30], [sflag:$0x4], $0x4000, $0x38;
	[tilespmem:$0x1EE70] =	vst v63  }
0x432: {  	p1 =	sne.s32 s1, s15;
	_ =	swait.ge [sflag:s31], $0x4000  }
.Ltmp5:
0x433: {  	[sflag:s31] =	ssyncset.done $0x0;
	(pc) =	sbr.rel @p1 .LBB2_1-.Ltmp5, $4  }
0x434: {  	[sflag:s31] =	ssyncadd.s32 $0xFFFFC000  }
0x435: {  	_ =	swait.ge [sflag:s0], $0x4000  }
0x436: {  	[sflag:s0] =	ssyncset.done $0x0  }
0x437: {  	[sflag:s0] =	ssyncadd.s32 $0xFFFFC000  }
0x438: {  	_ =	sfence.sel $0x180000  }
0x439: {  	[bflag:$0x0] =	sbarrier.arrive $0xFFFF  }
0x43a: {  	_ =	strace $0x90000047  }
0x43b: {  	[bflag:$0x2] =	sbarrier.arrive $0xFFFF  }
0x43c: {  	s0 =	rddreg [dreg:$0x9]  }
0x43d: {  	s0 =	sadd.s32 @!p0 $0x100000, s0  }
0x43e: {  	[sflag:s0] =	ssyncadd.tile.s32 @!p0 $0x1;
	_ =	shalt  }
.Lfunc_end2:
_tile_overlayer_lowered:
.L_overlay_start_2:
0x43f: {  	(tag) =	ssettag $0x2  }
0x440: {  	s0 =	rddreg [dreg:$0x0];
	s2 =	stileid.u32  }
0x441: {  	s1 =	rddreg [dreg:$0x1];
	p0 =	sne.s32 s2, $0x0  }
0x442: {  	s3 =	rddreg [dreg:$0x2];
	[bflag:$0x3] =	sbarrier.arrive $0xFFFF;
	s2 =	simm.s32 @!p0 $0x1C05  }
0x443: {  	[timem:s3], [sflag:s2] =	dma.local @!p0 [hbm:s0], s1  }
0x444: {  	s0 =	simm.s32 @!p0 $0x5  }
0x445: {  	_ =	swait.ge @!p0 [sflag:s0], s1  }
0x446: {  	s1 =	ssub.s32 @!p0 $0x0, s1;
	[sflag:s0] =	ssyncset.done @!p0 $0x0  }
0x447: {  	[sflag:s0] =	ssyncadd.s32 @!p0 s1  }
0x448: {  	[bflag:$0x3] =	sbarrier.arrive $0xFFFF  }
0x449: {  	_ =	shalt  }

</sc_bundles>
